<compile_context>
chip_gen: v7x
topology: tpu7x:2x2x1
jax: 0.10.2.dev20260603
libtpu: 0.0.44.dev20260713+nightly
codegen_flags: <defaults>
</compile_context>

<pallas_src>
import functools

import jax
import jax.numpy as jnp
from jax import lax
from jax.experimental import pallas as pl
from jax.experimental.pallas import tpu as pltpu
from jax.experimental.pallas import tpu_sc as plsc

_V = 201
_VPAD = 208
_D = 64 * 64
_B = 16384
_K = 8
_PATTERN = (False, False, True, False, False, True, False, True,
            False, False, True, False, True, False, False, True)
_DIRECT_LAG = 2


@functools.lru_cache(maxsize=None)
def _make_gather():
    info = plsc.get_sparse_core_info()
    nw = info.num_cores * info.num_subcores
    b_per_w = _B // nw
    nchunks = b_per_w // _K
    period = len(_PATTERN)
    nper = nchunks // period
    mesh = plsc.VectorSubcoreMesh(core_axis_name="c", subcore_axis_name="s")

    @functools.partial(
        pl.kernel,
        out_type=jax.ShapeDtypeStruct((_B, _D), jnp.float32),
        mesh=mesh,
        scratch_types=[
            pltpu.VMEM_SHARED((_VPAD * _D,), jnp.float32),
            pltpu.VMEM_SHARED((_B,), jnp.int32),
            pltpu.SMEM((b_per_w,), jnp.int32),
            pltpu.VMEM((b_per_w,), jnp.int32),
            pltpu.VMEM((_K, _D), jnp.float32),
            pltpu.VMEM((_K, _D), jnp.float32),
            pltpu.SemaphoreType.DMA,
            pltpu.SemaphoreType.DMA,
            pltpu.SemaphoreType.DMA,
            pltpu.SemaphoreType.DMA,
            pltpu.SemaphoreType.DMA,
        ],
    )
    def gather(idx_hbm, tabf_hbm, tab2_hbm, out_hbm, table_sh, idx_sh, idx_s,
               idx_v, buf0, buf1, semr0, semr1, semw0, semw1, semd):
        sid = lax.axis_index("s")
        wid = sid * info.num_cores + lax.axis_index("c")
        base = wid * b_per_w

        nstripes = _VPAD // 16
        fill_off = pl.multiple_of(sid * 16 * _D, 8)

        @pl.when(sid < nstripes)
        def _fill():
            pltpu.sync_copy(
                tabf_hbm.at[pl.ds(fill_off, 16 * _D)],
                table_sh.at[pl.ds(fill_off, 16 * _D)],
            )

        @pl.when(sid == 0)
        def _fill_idx():
            pltpu.sync_copy(idx_hbm, idx_sh)

        pltpu.sync_copy(idx_hbm.at[pl.ds(base, b_per_w)], idx_v)
        plsc.subcore_barrier()
        pltpu.sync_copy(idx_sh.at[pl.ds(base, b_per_w)], idx_s)

        bufs = (buf0, buf1)
        semrs = (semr0, semr1)
        semws = (semw0, semw1)

        def issue_gather(c, b):
            off = pl.multiple_of(c * _K, 8)
            pltpu.async_copy(
                tab2_hbm.at[idx_v.at[pl.ds(off, _K)]], bufs[b], semrs[b]
            )

        def drain_gather(c, b):
            off = pl.multiple_of(c * _K, 8)
            pltpu.make_async_copy(
                tab2_hbm.at[idx_v.at[pl.ds(off, _K)]], bufs[b], semrs[b]
            ).wait()

        def issue_write(c, b):
            dst = pl.multiple_of(base + c * _K, 8)
            pltpu.async_copy(bufs[b], out_hbm.at[pl.ds(dst, _K)], semws[b])

        def wait_write(b):
            dst = pl.multiple_of(base, 8)
            pltpu.make_async_copy(
                bufs[b], out_hbm.at[pl.ds(dst, _K)], semws[b]
            ).wait()

        def issue_direct(c):
            for j in range(_K):
                src = pl.multiple_of(idx_s[c * _K + j] * _D, 8)
                pltpu.async_copy(
                    table_sh.at[pl.ds(src, _D)],
                    out_hbm.at[base + c * _K + j],
                    semd,
                )

        def drain_direct():
            for _ in range(_K):
                pltpu.make_async_copy(
                    table_sh.at[pl.ds(0, _D)], out_hbm.at[base], semd
                ).wait()

        stream_qs = [q for q in range(period) if not _PATTERN[q]]
        ns = len(stream_qs)

        def body(p, carry):
            sb = 0
            first_use = [True, True]
            d_count = 0
            for q in range(period):
                c = p * period + q
                if _PATTERN[q]:
                    if d_count < _DIRECT_LAG:
                        pl.when(p > 0)(drain_direct)
                    else:
                        drain_direct()
                    d_count += 1
                    issue_direct(c)
                else:
                    b = sb % 2
                    if first_use[b]:
                        pl.when(p > 0)(lambda b=b: wait_write(b))
                        first_use[b] = False
                    else:
                        wait_write(b)
                    issue_gather(c, b)
                    if sb == 0:
                        prev_q = stream_qs[-1]

                        @pl.when(p > 0)
                        def _finish_prev(prev_q=prev_q):
                            prev_c = (p - 1) * period + prev_q
                            drain_gather(prev_c, (ns - 1) % 2)
                            issue_write(prev_c, (ns - 1) % 2)
                    else:
                        prev_c = p * period + stream_qs[sb - 1]
                        drain_gather(prev_c, 1 - b)
                        issue_write(prev_c, 1 - b)
                    sb += 1
            return carry

        lax.fori_loop(0, nper, body, 0)
        c_tail = (nper - 1) * period + stream_qs[-1]
        drain_gather(c_tail, (ns - 1) % 2)
        issue_write(c_tail, (ns - 1) % 2)
        for _ in range(_DIRECT_LAG):
            drain_direct()
        wait_write(0)
        wait_write(1)

    return gather


def kernel(x, weights):
    table = weights.reshape(_V, _D)
    table = jnp.pad(table, ((0, _VPAD - _V), (0, 0)))
    return _make_gather()(x, table.reshape(-1), table)

# --- scband reference (transcript-rebuilt; emitter-appended) ---
"""Pipeline reference for scband-positional-weight-10290741641939 (READ-ONLY COPY).

The authoritative reference and input builder live on the scoring server;
editing this copy changes nothing except your own understanding.
"""

import jax, jax.numpy as jnp
import numpy as np
import math

MAX_POS = 200
DIM_IN = 64
DIM_OUT = 64
BATCH = 16384

def setup_inputs(seed: int = 0) -> dict:
    key = jax.random.key(seed)
    k1, k2 = jax.random.split(key)
    x = jax.random.randint(k1, (BATCH,), 0, MAX_POS + 1, dtype=jnp.int64 if jax.config.jax_enable_x64 else jnp.int32).astype(jnp.int32)
    stdv = 1.0 / math.sqrt(DIM_OUT)
    weights = jax.random.uniform(k2, (MAX_POS + 1, DIM_IN, DIM_OUT), dtype=jnp.float32, minval=-stdv, maxval=stdv)
    return {"x": x, "weights": weights}

def reference(x, weights):
    # weights[x] -> gather rows of the positional weight table, then flatten per example
    gathered = jnp.take(weights, x, axis=0)  # [B, dim_in, dim_out]
    return gathered.reshape(x.shape[0], -1)  # [B, dim_in*dim_out]

if __name__ == "__main__":
    import jax
    _d = setup_inputs()
    print(jax.jit(kernel)(*tuple(_d.values())))

</pallas_src>

<mosaic_0001>
#map = affine_map<(d0, d1) -> (0)>
#map1 = affine_map<(d0, d1) -> (0, 0)>
module attributes {stable_mosaic.version = 14 : i64} {
  func.func @gather(%arg0: i32, %arg1: i32, %arg2: memref<16384xi32, #tpu.memory_space<hbm>>, %arg3: memref<851968xf32, #tpu.memory_space<hbm>>, %arg4: memref<208x4096xf32, #tpu.memory_space<hbm>>, %arg5: memref<16384x4096xf32, #tpu.memory_space<hbm>>, %arg6: memref<851968xf32, #tpu.memory_space<vmem_shared>>, %arg7: memref<16384xi32, #tpu.memory_space<vmem_shared>>, %arg8: memref<512xi32, #tpu.memory_space<smem>>, %arg9: memref<512xi32, #tpu.memory_space<vmem>>, %arg10: memref<8x4096xf32, #tpu.memory_space<vmem>>, %arg11: memref<8x4096xf32, #tpu.memory_space<vmem>>, %arg12: memref<!tpu.dma_semaphore, #tpu.memory_space<semaphore_mem>>, %arg13: memref<!tpu.dma_semaphore, #tpu.memory_space<semaphore_mem>>, %arg14: memref<!tpu.dma_semaphore, #tpu.memory_space<semaphore_mem>>, %arg15: memref<!tpu.dma_semaphore, #tpu.memory_space<semaphore_mem>>, %arg16: memref<!tpu.dma_semaphore, #tpu.memory_space<semaphore_mem>>) attributes {dimension_semantics = [#tpu.dimension_semantics<core_parallel>, #tpu.dimension_semantics<subcore_parallel>], iteration_bounds = array<i64: 2, 16>, scalar_prefetch = 0 : i64, scratch_operands = 11 : i64, tpu.core_type = #tpu.core_type<sc_vector_subcore>, window_params = [{transform_indices = #map}, {transform_indices = #map}, {transform_indices = #map1}, {transform_indices = #map1}]} {
    %mul3A = arith.constant 2 : i32
    %mul3A_0 = arith.muli %arg1, %mul3A : i32
    %add3A = arith.addi %mul3A_0, %arg0 : i32
    %mul3A_1 = arith.constant 512 : i32
    %mul3A_2 = arith.muli %add3A, %mul3A_1 : i32
    %mul3A_3 = arith.constant 16 : i32
    %mul3A_4 = arith.muli %arg1, %mul3A_3 : i32
    %mul3A_5 = arith.constant 4096 : i32
    %mul3A_6 = arith.muli %mul3A_4, %mul3A_5 : i32
    %multiple_of3A = tpu.assume_multiple %mul3A_6, 8 : i32
    %lt3A = arith.constant 13 : i32
    %lt3A_7 = arith.cmpi slt, %arg1, %lt3A : i32
    %convert_element_type3A = arith.extui %lt3A_7 : i1 to i32
    %cond3A = arith.constant 0 : i32
    %cond3A_8 = arith.cmpi ne, %convert_element_type3A, %cond3A : i32
    scf.if %cond3A_8 {
      "tpu.region"() ({
        %run_scoped3A = tpu.sem_alloc : memref<!tpu.dma_semaphore, #tpu.memory_space<semaphore_mem>>
        %dma_start3A_119 = tpu.memref_slice %arg6[%multiple_of3A] : memref<851968xf32, #tpu.memory_space<vmem_shared>> -> memref<65536xf32, #tpu.memory_space<vmem_shared>>
        %dma_start3A_120 = tpu.memref_slice %arg3[%multiple_of3A] : memref<851968xf32, #tpu.memory_space<hbm>> -> memref<65536xf32, #tpu.memory_space<hbm>>
        tpu.enqueue_dma source(%dma_start3A_120 : memref<65536xf32, #tpu.memory_space<hbm>>) target(%dma_start3A_119 : memref<65536xf32, #tpu.memory_space<vmem_shared>>) target_semaphore(%run_scoped3A : memref<!tpu.dma_semaphore, #tpu.memory_space<semaphore_mem>>)
        %dma_wait3A_121 = tpu.memref_slice %arg6[%multiple_of3A] : memref<851968xf32, #tpu.memory_space<vmem_shared>> -> memref<65536xf32, #tpu.memory_space<vmem_shared>>
        %dma_wait3A_122 = tpu.memref_slice %arg3[%multiple_of3A] : memref<851968xf32, #tpu.memory_space<hbm>> -> memref<65536xf32, #tpu.memory_space<hbm>>
        tpu.wait_dma2 semaphore(%run_scoped3A : memref<!tpu.dma_semaphore, #tpu.memory_space<semaphore_mem>>) src(%dma_wait3A_122 : memref<65536xf32, #tpu.memory_space<hbm>>) dst(%dma_wait3A_121 : memref<65536xf32, #tpu.memory_space<vmem_shared>>)
        tpu.yield
      }) : () -> ()
    } else {
    }
    %eq3A = arith.constant 0 : i32
    %eq3A_9 = arith.cmpi eq, %arg1, %eq3A : i32
    %convert_element_type3A_10 = arith.extui %eq3A_9 : i1 to i32
    %cond3A_11 = arith.constant 0 : i32
    %cond3A_12 = arith.cmpi ne, %convert_element_type3A_10, %cond3A_11 : i32
    scf.if %cond3A_12 {
      "tpu.region"() ({
        %run_scoped3A = tpu.sem_alloc : memref<!tpu.dma_semaphore, #tpu.memory_space<semaphore_mem>>
        tpu.enqueue_dma source(%arg2 : memref<16384xi32, #tpu.memory_space<hbm>>) target(%arg7 : memref<16384xi32, #tpu.memory_space<vmem_shared>>) target_semaphore(%run_scoped3A : memref<!tpu.dma_semaphore, #tpu.memory_space<semaphore_mem>>)
        tpu.wait_dma2 semaphore(%run_scoped3A : memref<!tpu.dma_semaphore, #tpu.memory_space<semaphore_mem>>) src(%arg2 : memref<16384xi32, #tpu.memory_space<hbm>>) dst(%arg7 : memref<16384xi32, #tpu.memory_space<vmem_shared>>)
        tpu.yield
      }) : () -> ()
    } else {
    }
    "tpu.region"() ({
      %run_scoped3A = tpu.sem_alloc : memref<!tpu.dma_semaphore, #tpu.memory_space<semaphore_mem>>
      %dma_start3A_119 = tpu.memref_slice %arg2[%mul3A_2] : memref<16384xi32, #tpu.memory_space<hbm>> -> memref<512xi32, #tpu.memory_space<hbm>>
      %dma_start3A_120 = tpu.memref_slice %arg2[%mul3A_2] : memref<16384xi32, #tpu.memory_space<hbm>> -> memref<512xi32, #tpu.memory_space<hbm>>
      tpu.enqueue_dma source(%dma_start3A_120 : memref<512xi32, #tpu.memory_space<hbm>>) target(%arg9 : memref<512xi32, #tpu.memory_space<vmem>>) target_semaphore(%run_scoped3A : memref<!tpu.dma_semaphore, #tpu.memory_space<semaphore_mem>>)
      %dma_wait3A_121 = tpu.memref_slice %arg2[%mul3A_2] : memref<16384xi32, #tpu.memory_space<hbm>> -> memref<512xi32, #tpu.memory_space<hbm>>
      %dma_wait3A_122 = tpu.memref_slice %arg2[%mul3A_2] : memref<16384xi32, #tpu.memory_space<hbm>> -> memref<512xi32, #tpu.memory_space<hbm>>
      tpu.wait_dma2 semaphore(%run_scoped3A : memref<!tpu.dma_semaphore, #tpu.memory_space<semaphore_mem>>) src(%dma_wait3A_122 : memref<512xi32, #tpu.memory_space<hbm>>) dst(%arg9 : memref<512xi32, #tpu.memory_space<vmem>>)
      tpu.yield
    }) : () -> ()
    %barrier3A = arith.constant 0 : index
    tpu.barrier barrier_id(%barrier3A)
    "tpu.region"() ({
      %run_scoped3A = tpu.sem_alloc : memref<!tpu.dma_semaphore, #tpu.memory_space<semaphore_mem>>
      %dma_start3A_119 = tpu.memref_slice %arg7[%mul3A_2] : memref<16384xi32, #tpu.memory_space<vmem_shared>> -> memref<512xi32, #tpu.memory_space<vmem_shared>>
      tpu.enqueue_dma source(%dma_start3A_119 : memref<512xi32, #tpu.memory_space<vmem_shared>>) target(%arg8 : memref<512xi32, #tpu.memory_space<smem>>) target_semaphore(%run_scoped3A : memref<!tpu.dma_semaphore, #tpu.memory_space<semaphore_mem>>)
      %dma_wait3A_120 = tpu.memref_slice %arg7[%mul3A_2] : memref<16384xi32, #tpu.memory_space<vmem_shared>> -> memref<512xi32, #tpu.memory_space<vmem_shared>>
      tpu.wait_dma2 semaphore(%run_scoped3A : memref<!tpu.dma_semaphore, #tpu.memory_space<semaphore_mem>>) src(%dma_wait3A_120 : memref<512xi32, #tpu.memory_space<vmem_shared>>) dst(%arg8 : memref<512xi32, #tpu.memory_space<smem>>)
      tpu.yield
    }) : () -> ()
    %scan3A = arith.constant 0 : i32
    %scan3A_13 = arith.constant 0 : i32
    %scan3A_14 = arith.constant 4 : i32
    %scan3A_15 = arith.addi %scan3A_13, %scan3A_14 : i32
    %scan3A_16 = arith.constant 1 : i32
    scf.for %scan3A_119 = %scan3A_13 to %scan3A_15 step %scan3A_16  : i32 {
      %mul3A_120 = arith.constant 16 : i32
      %mul3A_121 = arith.muli %scan3A_119, %mul3A_120 : i32
      %add3A_122 = arith.constant 0 : i32
      %add3A_123 = arith.addi %mul3A_121, %add3A_122 : i32
      %gt3A = arith.constant 0 : i32
      %gt3A_124 = arith.cmpi sgt, %scan3A_119, %gt3A : i32
      %convert_element_type3A_125 = arith.extui %gt3A_124 : i1 to i32
      %cond3A_126 = arith.constant 0 : i32
      %cond3A_127 = arith.cmpi ne, %convert_element_type3A_125, %cond3A_126 : i32
      scf.if %cond3A_127 {
        %multiple_of3A_1512 = tpu.assume_multiple %mul3A_2, 8 : i32
        %dma_wait3A_1513 = arith.constant 0 : i32
        %dma_wait3A_1514 = tpu.memref_slice %arg5[%multiple_of3A_1512, %dma_wait3A_1513] : memref<16384x4096xf32, #tpu.memory_space<hbm>> -> memref<8x4096xf32, #tpu.memory_space<hbm>>
        %dma_wait3A_1515 = arith.constant 0 : i32
        %dma_wait3A_1516 = tpu.memref_slice %arg5[%multiple_of3A_1512, %dma_wait3A_1515] : memref<16384x4096xf32, #tpu.memory_space<hbm>> -> memref<8x4096xf32, #tpu.memory_space<hbm>>
        tpu.wait_dma2 semaphore(%arg14 : memref<!tpu.dma_semaphore, #tpu.memory_space<semaphore_mem>>) src(%arg10 : memref<8x4096xf32, #tpu.memory_space<vmem>>) dst(%dma_wait3A_1516 : memref<8x4096xf32, #tpu.memory_space<hbm>>)
      } else {
      }
      %mul3A_128 = arith.constant 8 : i32
      %mul3A_129 = arith.muli %add3A_123, %mul3A_128 : i32
      %multiple_of3A_130 = tpu.assume_multiple %mul3A_129, 8 : i32
      %dma_start3A_131 = tpu.memref_slice %arg9[%multiple_of3A_130] : memref<512xi32, #tpu.memory_space<vmem>> -> memref<8xi32, #tpu.memory_space<vmem>>
      %dma_start3A_132 = arith.constant 0 : i32
      %dma_start3A_133 = arith.constant 0 : i32
      %dma_start3A_134 = tpu.memref_slice %arg4[%dma_start3A_132, %dma_start3A_133] : memref<208x4096xf32, #tpu.memory_space<hbm>> -> memref<208x4096xf32, #tpu.memory_space<hbm>>
      tpu.enqueue_indirect_dma source(%dma_start3A_134 : memref<208x4096xf32, #tpu.memory_space<hbm>>) target(%arg10 : memref<8x4096xf32, #tpu.memory_space<vmem>>) offsets(%dma_start3A_131 : memref<8xi32, #tpu.memory_space<vmem>>) semaphore(%arg12 : memref<!tpu.dma_semaphore, #tpu.memory_space<semaphore_mem>>)
      %gt3A_135 = arith.constant 0 : i32
      %gt3A_136 = arith.cmpi sgt, %scan3A_119, %gt3A_135 : i32
      %convert_element_type3A_137 = arith.extui %gt3A_136 : i1 to i32
      %cond3A_138 = arith.constant 0 : i32
      %cond3A_139 = arith.cmpi ne, %convert_element_type3A_137, %cond3A_138 : i32
      scf.if %cond3A_139 {
        %sub3A = arith.constant 1 : i32
        %sub3A_1512 = arith.subi %scan3A_119, %sub3A : i32
        %mul3A_1513 = arith.constant 16 : i32
        %mul3A_1514 = arith.muli %sub3A_1512, %mul3A_1513 : i32
        %add3A_1515 = arith.constant 14 : i32
        %add3A_1516 = arith.addi %mul3A_1514, %add3A_1515 : i32
        %mul3A_1517 = arith.constant 8 : i32
        %mul3A_1518 = arith.muli %add3A_1516, %mul3A_1517 : i32
        %multiple_of3A_1519 = tpu.assume_multiple %mul3A_1518, 8 : i32
        %dma_wait3A_1520 = tpu.memref_slice %arg9[%multiple_of3A_1519] : memref<512xi32, #tpu.memory_space<vmem>> -> memref<8xi32, #tpu.memory_space<vmem>>
        %dma_wait3A_1521 = arith.constant 0 : i32
        %dma_wait3A_1522 = arith.constant 0 : i32
        %dma_wait3A_1523 = tpu.memref_slice %arg4[%dma_wait3A_1521, %dma_wait3A_1522] : memref<208x4096xf32, #tpu.memory_space<hbm>> -> memref<208x4096xf32, #tpu.memory_space<hbm>>
        tpu.wait_indirect_dma semaphore(%arg13 : memref<!tpu.dma_semaphore, #tpu.memory_space<semaphore_mem>>) src(%dma_wait3A_1523 : memref<208x4096xf32, #tpu.memory_space<hbm>>) dst(%arg11 : memref<8x4096xf32, #tpu.memory_space<vmem>>)
        %mul3A_1524 = arith.constant 8 : i32
        %mul3A_1525 = arith.muli %add3A_1516, %mul3A_1524 : i32
        %add3A_1526 = arith.addi %mul3A_2, %mul3A_1525 : i32
        %multiple_of3A_1527 = tpu.assume_multiple %add3A_1526, 8 : i32
        %dma_start3A_1528 = arith.constant 0 : i32
        %dma_start3A_1529 = tpu.memref_slice %arg5[%multiple_of3A_1527, %dma_start3A_1528] : memref<16384x4096xf32, #tpu.memory_space<hbm>> -> memref<8x4096xf32, #tpu.memory_space<hbm>>
        %dma_start3A_1530 = arith.constant 0 : i32
        %dma_start3A_1531 = tpu.memref_slice %arg5[%multiple_of3A_1527, %dma_start3A_1530] : memref<16384x4096xf32, #tpu.memory_space<hbm>> -> memref<8x4096xf32, #tpu.memory_space<hbm>>
        tpu.enqueue_dma source(%arg11 : memref<8x4096xf32, #tpu.memory_space<vmem>>) target(%dma_start3A_1531 : memref<8x4096xf32, #tpu.memory_space<hbm>>) target_semaphore(%arg15 : memref<!tpu.dma_semaphore, #tpu.memory_space<semaphore_mem>>)
      } else {
      }
      %mul3A_140 = arith.constant 16 : i32
      %mul3A_141 = arith.muli %scan3A_119, %mul3A_140 : i32
      %add3A_142 = arith.constant 1 : i32
      %add3A_143 = arith.addi %mul3A_141, %add3A_142 : i32
      %gt3A_144 = arith.constant 0 : i32
      %gt3A_145 = arith.cmpi sgt, %scan3A_119, %gt3A_144 : i32
      %convert_element_type3A_146 = arith.extui %gt3A_145 : i1 to i32
      %cond3A_147 = arith.constant 0 : i32
      %cond3A_148 = arith.cmpi ne, %convert_element_type3A_146, %cond3A_147 : i32
      scf.if %cond3A_148 {
        %multiple_of3A_1512 = tpu.assume_multiple %mul3A_2, 8 : i32
        %dma_wait3A_1513 = arith.constant 0 : i32
        %dma_wait3A_1514 = tpu.memref_slice %arg5[%multiple_of3A_1512, %dma_wait3A_1513] : memref<16384x4096xf32, #tpu.memory_space<hbm>> -> memref<8x4096xf32, #tpu.memory_space<hbm>>
        %dma_wait3A_1515 = arith.constant 0 : i32
        %dma_wait3A_1516 = tpu.memref_slice %arg5[%multiple_of3A_1512, %dma_wait3A_1515] : memref<16384x4096xf32, #tpu.memory_space<hbm>> -> memref<8x4096xf32, #tpu.memory_space<hbm>>
        tpu.wait_dma2 semaphore(%arg15 : memref<!tpu.dma_semaphore, #tpu.memory_space<semaphore_mem>>) src(%arg11 : memref<8x4096xf32, #tpu.memory_space<vmem>>) dst(%dma_wait3A_1516 : memref<8x4096xf32, #tpu.memory_space<hbm>>)
      } else {
      }
      %mul3A_149 = arith.constant 8 : i32
      %mul3A_150 = arith.muli %add3A_143, %mul3A_149 : i32
      %multiple_of3A_151 = tpu.assume_multiple %mul3A_150, 8 : i32
      %dma_start3A_152 = tpu.memref_slice %arg9[%multiple_of3A_151] : memref<512xi32, #tpu.memory_space<vmem>> -> memref<8xi32, #tpu.memory_space<vmem>>
      %dma_start3A_153 = arith.constant 0 : i32
      %dma_start3A_154 = arith.constant 0 : i32
      %dma_start3A_155 = tpu.memref_slice %arg4[%dma_start3A_153, %dma_start3A_154] : memref<208x4096xf32, #tpu.memory_space<hbm>> -> memref<208x4096xf32, #tpu.memory_space<hbm>>
      tpu.enqueue_indirect_dma source(%dma_start3A_155 : memref<208x4096xf32, #tpu.memory_space<hbm>>) target(%arg11 : memref<8x4096xf32, #tpu.memory_space<vmem>>) offsets(%dma_start3A_152 : memref<8xi32, #tpu.memory_space<vmem>>) semaphore(%arg13 : memref<!tpu.dma_semaphore, #tpu.memory_space<semaphore_mem>>)
      %mul3A_156 = arith.constant 16 : i32
      %mul3A_157 = arith.muli %scan3A_119, %mul3A_156 : i32
      %add3A_158 = arith.constant 0 : i32
      %add3A_159 = arith.addi %mul3A_157, %add3A_158 : i32
      %mul3A_160 = arith.constant 8 : i32
      %mul3A_161 = arith.muli %add3A_159, %mul3A_160 : i32
      %multiple_of3A_162 = tpu.assume_multiple %mul3A_161, 8 : i32
      %dma_wait3A_163 = tpu.memref_slice %arg9[%multiple_of3A_162] : memref<512xi32, #tpu.memory_space<vmem>> -> memref<8xi32, #tpu.memory_space<vmem>>
      %dma_wait3A_164 = arith.constant 0 : i32
      %dma_wait3A_165 = arith.constant 0 : i32
      %dma_wait3A_166 = tpu.memref_slice %arg4[%dma_wait3A_164, %dma_wait3A_165] : memref<208x4096xf32, #tpu.memory_space<hbm>> -> memref<208x4096xf32, #tpu.memory_space<hbm>>
      tpu.wait_indirect_dma semaphore(%arg12 : memref<!tpu.dma_semaphore, #tpu.memory_space<semaphore_mem>>) src(%dma_wait3A_166 : memref<208x4096xf32, #tpu.memory_space<hbm>>) dst(%arg10 : memref<8x4096xf32, #tpu.memory_space<vmem>>)
      %mul3A_167 = arith.constant 8 : i32
      %mul3A_168 = arith.muli %add3A_159, %mul3A_167 : i32
      %add3A_169 = arith.addi %mul3A_2, %mul3A_168 : i32
      %multiple_of3A_170 = tpu.assume_multiple %add3A_169, 8 : i32
      %dma_start3A_171 = arith.constant 0 : i32
      %dma_start3A_172 = tpu.memref_slice %arg5[%multiple_of3A_170, %dma_start3A_171] : memref<16384x4096xf32, #tpu.memory_space<hbm>> -> memref<8x4096xf32, #tpu.memory_space<hbm>>
      %dma_start3A_173 = arith.constant 0 : i32
      %dma_start3A_174 = tpu.memref_slice %arg5[%multiple_of3A_170, %dma_start3A_173] : memref<16384x4096xf32, #tpu.memory_space<hbm>> -> memref<8x4096xf32, #tpu.memory_space<hbm>>
      tpu.enqueue_dma source(%arg10 : memref<8x4096xf32, #tpu.memory_space<vmem>>) target(%dma_start3A_174 : memref<8x4096xf32, #tpu.memory_space<hbm>>) target_semaphore(%arg14 : memref<!tpu.dma_semaphore, #tpu.memory_space<semaphore_mem>>)
      %mul3A_175 = arith.constant 16 : i32
      %mul3A_176 = arith.muli %scan3A_119, %mul3A_175 : i32
      %add3A_177 = arith.constant 2 : i32
      %add3A_178 = arith.addi %mul3A_176, %add3A_177 : i32
      %gt3A_179 = arith.constant 0 : i32
      %gt3A_180 = arith.cmpi sgt, %scan3A_119, %gt3A_179 : i32
      %convert_element_type3A_181 = arith.extui %gt3A_180 : i1 to i32
      %cond3A_182 = arith.constant 0 : i32
      %cond3A_183 = arith.cmpi ne, %convert_element_type3A_181, %cond3A_182 : i32
      scf.if %cond3A_183 {
        %dma_wait3A_1512 = arith.constant 0 : i32
        %dma_wait3A_1513 = tpu.memref_slice %arg5[%mul3A_2, %dma_wait3A_1512] : memref<16384x4096xf32, #tpu.memory_space<hbm>> -> memref<1x4096xf32, #tpu.memory_space<hbm>>
        %dma_wait3A_1514 = tpu.memref_squeeze %dma_wait3A_1513 : memref<1x4096xf32, #tpu.memory_space<hbm>> -> memref<4096xf32, #tpu.memory_space<hbm>>
        %dma_wait3A_1515 = arith.constant 0 : i32
        %dma_wait3A_1516 = tpu.memref_slice %arg6[%dma_wait3A_1515] : memref<851968xf32, #tpu.memory_space<vmem_shared>> -> memref<4096xf32, #tpu.memory_space<vmem_shared>>
        tpu.wait_dma2 semaphore(%arg16 : memref<!tpu.dma_semaphore, #tpu.memory_space<semaphore_mem>>) src(%dma_wait3A_1516 : memref<4096xf32, #tpu.memory_space<vmem_shared>>) dst(%dma_wait3A_1514 : memref<4096xf32, #tpu.memory_space<hbm>>)
        %dma_wait3A_1517 = arith.constant 0 : i32
        %dma_wait3A_1518 = tpu.memref_slice %arg5[%mul3A_2, %dma_wait3A_1517] : memref<16384x4096xf32, #tpu.memory_space<hbm>> -> memref<1x4096xf32, #tpu.memory_space<hbm>>
        %dma_wait3A_1519 = tpu.memref_squeeze %dma_wait3A_1518 : memref<1x4096xf32, #tpu.memory_space<hbm>> -> memref<4096xf32, #tpu.memory_space<hbm>>
        %dma_wait3A_1520 = arith.constant 0 : i32
        %dma_wait3A_1521 = tpu.memref_slice %arg6[%dma_wait3A_1520] : memref<851968xf32, #tpu.memory_space<vmem_shared>> -> memref<4096xf32, #tpu.memory_space<vmem_shared>>
        tpu.wait_dma2 semaphore(%arg16 : memref<!tpu.dma_semaphore, #tpu.memory_space<semaphore_mem>>) src(%dma_wait3A_1521 : memref<4096xf32, #tpu.memory_space<vmem_shared>>) dst(%dma_wait3A_1519 : memref<4096xf32, #tpu.memory_space<hbm>>)
        %dma_wait3A_1522 = arith.constant 0 : i32
        %dma_wait3A_1523 = tpu.memref_slice %arg5[%mul3A_2, %dma_wait3A_1522] : memref<16384x4096xf32, #tpu.memory_space<hbm>> -> memref<1x4096xf32, #tpu.memory_space<hbm>>
        %dma_wait3A_1524 = tpu.memref_squeeze %dma_wait3A_1523 : memref<1x4096xf32, #tpu.memory_space<hbm>> -> memref<4096xf32, #tpu.memory_space<hbm>>
        %dma_wait3A_1525 = arith.constant 0 : i32
        %dma_wait3A_1526 = tpu.memref_slice %arg6[%dma_wait3A_1525] : memref<851968xf32, #tpu.memory_space<vmem_shared>> -> memref<4096xf32, #tpu.memory_space<vmem_shared>>
        tpu.wait_dma2 semaphore(%arg16 : memref<!tpu.dma_semaphore, #tpu.memory_space<semaphore_mem>>) src(%dma_wait3A_1526 : memref<4096xf32, #tpu.memory_space<vmem_shared>>) dst(%dma_wait3A_1524 : memref<4096xf32, #tpu.memory_space<hbm>>)
        %dma_wait3A_1527 = arith.constant 0 : i32
        %dma_wait3A_1528 = tpu.memref_slice %arg5[%mul3A_2, %dma_wait3A_1527] : memref<16384x4096xf32, #tpu.memory_space<hbm>> -> memref<1x4096xf32, #tpu.memory_space<hbm>>
        %dma_wait3A_1529 = tpu.memref_squeeze %dma_wait3A_1528 : memref<1x4096xf32, #tpu.memory_space<hbm>> -> memref<4096xf32, #tpu.memory_space<hbm>>
        %dma_wait3A_1530 = arith.constant 0 : i32
        %dma_wait3A_1531 = tpu.memref_slice %arg6[%dma_wait3A_1530] : memref<851968xf32, #tpu.memory_space<vmem_shared>> -> memref<4096xf32, #tpu.memory_space<vmem_shared>>
        tpu.wait_dma2 semaphore(%arg16 : memref<!tpu.dma_semaphore, #tpu.memory_space<semaphore_mem>>) src(%dma_wait3A_1531 : memref<4096xf32, #tpu.memory_space<vmem_shared>>) dst(%dma_wait3A_1529 : memref<4096xf32, #tpu.memory_space<hbm>>)
        %dma_wait3A_1532 = arith.constant 0 : i32
        %dma_wait3A_1533 = tpu.memref_slice %arg5[%mul3A_2, %dma_wait3A_1532] : memref<16384x4096xf32, #tpu.memory_space<hbm>> -> memref<1x4096xf32, #tpu.memory_space<hbm>>
        %dma_wait3A_1534 = tpu.memref_squeeze %dma_wait3A_1533 : memref<1x4096xf32, #tpu.memory_space<hbm>> -> memref<4096xf32, #tpu.memory_space<hbm>>
        %dma_wait3A_1535 = arith.constant 0 : i32
        %dma_wait3A_1536 = tpu.memref_slice %arg6[%dma_wait3A_1535] : memref<851968xf32, #tpu.memory_space<vmem_shared>> -> memref<4096xf32, #tpu.memory_space<vmem_shared>>
        tpu.wait_dma2 semaphore(%arg16 : memref<!tpu.dma_semaphore, #tpu.memory_space<semaphore_mem>>) src(%dma_wait3A_1536 : memref<4096xf32, #tpu.memory_space<vmem_shared>>) dst(%dma_wait3A_1534 : memref<4096xf32, #tpu.memory_space<hbm>>)
        %dma_wait3A_1537 = arith.constant 0 : i32
        %dma_wait3A_1538 = tpu.memref_slice %arg5[%mul3A_2, %dma_wait3A_1537] : memref<16384x4096xf32, #tpu.memory_space<hbm>> -> memref<1x4096xf32, #tpu.memory_space<hbm>>
        %dma_wait3A_1539 = tpu.memref_squeeze %dma_wait3A_1538 : memref<1x4096xf32, #tpu.memory_space<hbm>> -> memref<4096xf32, #tpu.memory_space<hbm>>
        %dma_wait3A_1540 = arith.constant 0 : i32
        %dma_wait3A_1541 = tpu.memref_slice %arg6[%dma_wait3A_1540] : memref<851968xf32, #tpu.memory_space<vmem_shared>> -> memref<4096xf32, #tpu.memory_space<vmem_shared>>
        tpu.wait_dma2 semaphore(%arg16 : memref<!tpu.dma_semaphore, #tpu.memory_space<semaphore_mem>>) src(%dma_wait3A_1541 : memref<4096xf32, #tpu.memory_space<vmem_shared>>) dst(%dma_wait3A_1539 : memref<4096xf32, #tpu.memory_space<hbm>>)
        %dma_wait3A_1542 = arith.constant 0 : i32
        %dma_wait3A_1543 = tpu.memref_slice %arg5[%mul3A_2, %dma_wait3A_1542] : memref<16384x4096xf32, #tpu.memory_space<hbm>> -> memref<1x4096xf32, #tpu.memory_space<hbm>>
        %dma_wait3A_1544 = tpu.memref_squeeze %dma_wait3A_1543 : memref<1x4096xf32, #tpu.memory_space<hbm>> -> memref<4096xf32, #tpu.memory_space<hbm>>
        %dma_wait3A_1545 = arith.constant 0 : i32
        %dma_wait3A_1546 = tpu.memref_slice %arg6[%dma_wait3A_1545] : memref<851968xf32, #tpu.memory_space<vmem_shared>> -> memref<4096xf32, #tpu.memory_space<vmem_shared>>
        tpu.wait_dma2 semaphore(%arg16 : memref<!tpu.dma_semaphore, #tpu.memory_space<semaphore_mem>>) src(%dma_wait3A_1546 : memref<4096xf32, #tpu.memory_space<vmem_shared>>) dst(%dma_wait3A_1544 : memref<4096xf32, #tpu.memory_space<hbm>>)
        %dma_wait3A_1547 = arith.constant 0 : i32
        %dma_wait3A_1548 = tpu.memref_slice %arg5[%mul3A_2, %dma_wait3A_1547] : memref<16384x4096xf32, #tpu.memory_space<hbm>> -> memref<1x4096xf32, #tpu.memory_space<hbm>>
        %dma_wait3A_1549 = tpu.memref_squeeze %dma_wait3A_1548 : memref<1x4096xf32, #tpu.memory_space<hbm>> -> memref<4096xf32, #tpu.memory_space<hbm>>
        %dma_wait3A_1550 = arith.constant 0 : i32
        %dma_wait3A_1551 = tpu.memref_slice %arg6[%dma_wait3A_1550] : memref<851968xf32, #tpu.memory_space<vmem_shared>> -> memref<4096xf32, #tpu.memory_space<vmem_shared>>
        tpu.wait_dma2 semaphore(%arg16 : memref<!tpu.dma_semaphore, #tpu.memory_space<semaphore_mem>>) src(%dma_wait3A_1551 : memref<4096xf32, #tpu.memory_space<vmem_shared>>) dst(%dma_wait3A_1549 : memref<4096xf32, #tpu.memory_space<hbm>>)
      } else {
      }
      %mul3A_184 = arith.constant 8 : i32
      %mul3A_185 = arith.muli %add3A_178, %mul3A_184 : i32
      %add3A_186 = arith.constant 0 : i32
      %add3A_187 = arith.addi %mul3A_185, %add3A_186 : i32
      %get3A = arith.index_cast %add3A_187 : i32 to index
      %get3A_188 = memref.load %arg8[%get3A] : memref<512xi32, #tpu.memory_space<smem>>
      %mul3A_189 = arith.constant 4096 : i32
      %mul3A_190 = arith.muli %get3A_188, %mul3A_189 : i32
      %multiple_of3A_191 = tpu.assume_multiple %mul3A_190, 8 : i32
      %mul3A_192 = arith.constant 8 : i32
      %mul3A_193 = arith.muli %add3A_178, %mul3A_192 : i32
      %add3A_194 = arith.addi %mul3A_2, %mul3A_193 : i32
      %add3A_195 = arith.constant 0 : i32
      %add3A_196 = arith.addi %add3A_194, %add3A_195 : i32
      %dma_start3A_197 = arith.constant 0 : i32
      %dma_start3A_198 = tpu.memref_slice %arg5[%add3A_196, %dma_start3A_197] : memref<16384x4096xf32, #tpu.memory_space<hbm>> -> memref<1x4096xf32, #tpu.memory_space<hbm>>
      %dma_start3A_199 = tpu.memref_squeeze %dma_start3A_198 : memref<1x4096xf32, #tpu.memory_space<hbm>> -> memref<4096xf32, #tpu.memory_space<hbm>>
      %dma_start3A_200 = tpu.memref_slice %arg6[%multiple_of3A_191] : memref<851968xf32, #tpu.memory_space<vmem_shared>> -> memref<4096xf32, #tpu.memory_space<vmem_shared>>
      tpu.enqueue_dma source(%dma_start3A_200 : memref<4096xf32, #tpu.memory_space<vmem_shared>>) target(%dma_start3A_199 : memref<4096xf32, #tpu.memory_space<hbm>>) target_semaphore(%arg16 : memref<!tpu.dma_semaphore, #tpu.memory_space<semaphore_mem>>)
      %mul3A_201 = arith.constant 8 : i32
      %mul3A_202 = arith.muli %add3A_178, %mul3A_201 : i32
      %add3A_203 = arith.constant 1 : i32
      %add3A_204 = arith.addi %mul3A_202, %add3A_203 : i32
      %get3A_205 = arith.index_cast %add3A_204 : i32 to index
      %get3A_206 = memref.load %arg8[%get3A_205] : memref<512xi32, #tpu.memory_space<smem>>
      %mul3A_207 = arith.constant 4096 : i32
      %mul3A_208 = arith.muli %get3A_206, %mul3A_207 : i32
      %multiple_of3A_209 = tpu.assume_multiple %mul3A_208, 8 : i32
      %mul3A_210 = arith.constant 8 : i32
      %mul3A_211 = arith.muli %add3A_178, %mul3A_210 : i32
      %add3A_212 = arith.addi %mul3A_2, %mul3A_211 : i32
      %add3A_213 = arith.constant 1 : i32
      %add3A_214 = arith.addi %add3A_212, %add3A_213 : i32
      %dma_start3A_215 = arith.constant 0 : i32
      %dma_start3A_216 = tpu.memref_slice %arg5[%add3A_214, %dma_start3A_215] : memref<16384x4096xf32, #tpu.memory_space<hbm>> -> memref<1x4096xf32, #tpu.memory_space<hbm>>
      %dma_start3A_217 = tpu.memref_squeeze %dma_start3A_216 : memref<1x4096xf32, #tpu.memory_space<hbm>> -> memref<4096xf32, #tpu.memory_space<hbm>>
      %dma_start3A_218 = tpu.memref_slice %arg6[%multiple_of3A_209] : memref<851968xf32, #tpu.memory_space<vmem_shared>> -> memref<4096xf32, #tpu.memory_space<vmem_shared>>
      tpu.enqueue_dma source(%dma_start3A_218 : memref<4096xf32, #tpu.memory_space<vmem_shared>>) target(%dma_start3A_217 : memref<4096xf32, #tpu.memory_space<hbm>>) target_semaphore(%arg16 : memref<!tpu.dma_semaphore, #tpu.memory_space<semaphore_mem>>)
      %mul3A_219 = arith.constant 8 : i32
      %mul3A_220 = arith.muli %add3A_178, %mul3A_219 : i32
      %add3A_221 = arith.constant 2 : i32
      %add3A_222 = arith.addi %mul3A_220, %add3A_221 : i32
      %get3A_223 = arith.index_cast %add3A_222 : i32 to index
      %get3A_224 = memref.load %arg8[%get3A_223] : memref<512xi32, #tpu.memory_space<smem>>
      %mul3A_225 = arith.constant 4096 : i32
      %mul3A_226 = arith.muli %get3A_224, %mul3A_225 : i32
      %multiple_of3A_227 = tpu.assume_multiple %mul3A_226, 8 : i32
      %mul3A_228 = arith.constant 8 : i32
      %mul3A_229 = arith.muli %add3A_178, %mul3A_228 : i32
      %add3A_230 = arith.addi %mul3A_2, %mul3A_229 : i32
      %add3A_231 = arith.constant 2 : i32
      %add3A_232 = arith.addi %add3A_230, %add3A_231 : i32
      %dma_start3A_233 = arith.constant 0 : i32
      %dma_start3A_234 = tpu.memref_slice %arg5[%add3A_232, %dma_start3A_233] : memref<16384x4096xf32, #tpu.memory_space<hbm>> -> memref<1x4096xf32, #tpu.memory_space<hbm>>
      %dma_start3A_235 = tpu.memref_squeeze %dma_start3A_234 : memref<1x4096xf32, #tpu.memory_space<hbm>> -> memref<4096xf32, #tpu.memory_space<hbm>>
      %dma_start3A_236 = tpu.memref_slice %arg6[%multiple_of3A_227] : memref<851968xf32, #tpu.memory_space<vmem_shared>> -> memref<4096xf32, #tpu.memory_space<vmem_shared>>
      tpu.enqueue_dma source(%dma_start3A_236 : memref<4096xf32, #tpu.memory_space<vmem_shared>>) target(%dma_start3A_235 : memref<4096xf32, #tpu.memory_space<hbm>>) target_semaphore(%arg16 : memref<!tpu.dma_semaphore, #tpu.memory_space<semaphore_mem>>)
      %mul3A_237 = arith.constant 8 : i32
      %mul3A_238 = arith.muli %add3A_178, %mul3A_237 : i32
      %add3A_239 = arith.constant 3 : i32
      %add3A_240 = arith.addi %mul3A_238, %add3A_239 : i32
      %get3A_241 = arith.index_cast %add3A_240 : i32 to index
      %get3A_242 = memref.load %arg8[%get3A_241] : memref<512xi32, #tpu.memory_space<smem>>
      %mul3A_243 = arith.constant 4096 : i32
      %mul3A_244 = arith.muli %get3A_242, %mul3A_243 : i32
      %multiple_of3A_245 = tpu.assume_multiple %mul3A_244, 8 : i32
      %mul3A_246 = arith.constant 8 : i32
      %mul3A_247 = arith.muli %add3A_178, %mul3A_246 : i32
      %add3A_248 = arith.addi %mul3A_2, %mul3A_247 : i32
      %add3A_249 = arith.constant 3 : i32
      %add3A_250 = arith.addi %add3A_248, %add3A_249 : i32
      %dma_start3A_251 = arith.constant 0 : i32
      %dma_start3A_252 = tpu.memref_slice %arg5[%add3A_250, %dma_start3A_251] : memref<16384x4096xf32, #tpu.memory_space<hbm>> -> memref<1x4096xf32, #tpu.memory_space<hbm>>
      %dma_start3A_253 = tpu.memref_squeeze %dma_start3A_252 : memref<1x4096xf32, #tpu.memory_space<hbm>> -> memref<4096xf32, #tpu.memory_space<hbm>>
      %dma_start3A_254 = tpu.memref_slice %arg6[%multiple_of3A_245] : memref<851968xf32, #tpu.memory_space<vmem_shared>> -> memref<4096xf32, #tpu.memory_space<vmem_shared>>
      tpu.enqueue_dma source(%dma_start3A_254 : memref<4096xf32, #tpu.memory_space<vmem_shared>>) target(%dma_start3A_253 : memref<4096xf32, #tpu.memory_space<hbm>>) target_semaphore(%arg16 : memref<!tpu.dma_semaphore, #tpu.memory_space<semaphore_mem>>)
      %mul3A_255 = arith.constant 8 : i32
      %mul3A_256 = arith.muli %add3A_178, %mul3A_255 : i32
      %add3A_257 = arith.constant 4 : i32
      %add3A_258 = arith.addi %mul3A_256, %add3A_257 : i32
      %get3A_259 = arith.index_cast %add3A_258 : i32 to index
      %get3A_260 = memref.load %arg8[%get3A_259] : memref<512xi32, #tpu.memory_space<smem>>
      %mul3A_261 = arith.constant 4096 : i32
      %mul3A_262 = arith.muli %get3A_260, %mul3A_261 : i32
      %multiple_of3A_263 = tpu.assume_multiple %mul3A_262, 8 : i32
      %mul3A_264 = arith.constant 8 : i32
      %mul3A_265 = arith.muli %add3A_178, %mul3A_264 : i32
      %add3A_266 = arith.addi %mul3A_2, %mul3A_265 : i32
      %add3A_267 = arith.constant 4 : i32
      %add3A_268 = arith.addi %add3A_266, %add3A_267 : i32
      %dma_start3A_269 = arith.constant 0 : i32
      %dma_start3A_270 = tpu.memref_slice %arg5[%add3A_268, %dma_start3A_269] : memref<16384x4096xf32, #tpu.memory_space<hbm>> -> memref<1x4096xf32, #tpu.memory_space<hbm>>
      %dma_start3A_271 = tpu.memref_squeeze %dma_start3A_270 : memref<1x4096xf32, #tpu.memory_space<hbm>> -> memref<4096xf32, #tpu.memory_space<hbm>>
      %dma_start3A_272 = tpu.memref_slice %arg6[%multiple_of3A_263] : memref<851968xf32, #tpu.memory_space<vmem_shared>> -> memref<4096xf32, #tpu.memory_space<vmem_shared>>
      tpu.enqueue_dma source(%dma_start3A_272 : memref<4096xf32, #tpu.memory_space<vmem_shared>>) target(%dma_start3A_271 : memref<4096xf32, #tpu.memory_space<hbm>>) target_semaphore(%arg16 : memref<!tpu.dma_semaphore, #tpu.memory_space<semaphore_mem>>)
      %mul3A_273 = arith.constant 8 : i32
      %mul3A_274 = arith.muli %add3A_178, %mul3A_273 : i32
      %add3A_275 = arith.constant 5 : i32
      %add3A_276 = arith.addi %mul3A_274, %add3A_275 : i32
      %get3A_277 = arith.index_cast %add3A_276 : i32 to index
      %get3A_278 = memref.load %arg8[%get3A_277] : memref<512xi32, #tpu.memory_space<smem>>
      %mul3A_279 = arith.constant 4096 : i32
      %mul3A_280 = arith.muli %get3A_278, %mul3A_279 : i32
      %multiple_of3A_281 = tpu.assume_multiple %mul3A_280, 8 : i32
      %mul3A_282 = arith.constant 8 : i32
      %mul3A_283 = arith.muli %add3A_178, %mul3A_282 : i32
      %add3A_284 = arith.addi %mul3A_2, %mul3A_283 : i32
      %add3A_285 = arith.constant 5 : i32
      %add3A_286 = arith.addi %add3A_284, %add3A_285 : i32
      %dma_start3A_287 = arith.constant 0 : i32
      %dma_start3A_288 = tpu.memref_slice %arg5[%add3A_286, %dma_start3A_287] : memref<16384x4096xf32, #tpu.memory_space<hbm>> -> memref<1x4096xf32, #tpu.memory_space<hbm>>
      %dma_start3A_289 = tpu.memref_squeeze %dma_start3A_288 : memref<1x4096xf32, #tpu.memory_space<hbm>> -> memref<4096xf32, #tpu.memory_space<hbm>>
      %dma_start3A_290 = tpu.memref_slice %arg6[%multiple_of3A_281] : memref<851968xf32, #tpu.memory_space<vmem_shared>> -> memref<4096xf32, #tpu.memory_space<vmem_shared>>
      tpu.enqueue_dma source(%dma_start3A_290 : memref<4096xf32, #tpu.memory_space<vmem_shared>>) target(%dma_start3A_289 : memref<4096xf32, #tpu.memory_space<hbm>>) target_semaphore(%arg16 : memref<!tpu.dma_semaphore, #tpu.memory_space<semaphore_mem>>)
      %mul3A_291 = arith.constant 8 : i32
      %mul3A_292 = arith.muli %add3A_178, %mul3A_291 : i32
      %add3A_293 = arith.constant 6 : i32
      %add3A_294 = arith.addi %mul3A_292, %add3A_293 : i32
      %get3A_295 = arith.index_cast %add3A_294 : i32 to index
      %get3A_296 = memref.load %arg8[%get3A_295] : memref<512xi32, #tpu.memory_space<smem>>
      %mul3A_297 = arith.constant 4096 : i32
      %mul3A_298 = arith.muli %get3A_296, %mul3A_297 : i32
      %multiple_of3A_299 = tpu.assume_multiple %mul3A_298, 8 : i32
      %mul3A_300 = arith.constant 8 : i32
      %mul3A_301 = arith.muli %add3A_178, %mul3A_300 : i32
      %add3A_302 = arith.addi %mul3A_2, %mul3A_301 : i32
      %add3A_303 = arith.constant 6 : i32
      %add3A_304 = arith.addi %add3A_302, %add3A_303 : i32
      %dma_start3A_305 = arith.constant 0 : i32
      %dma_start3A_306 = tpu.memref_slice %arg5[%add3A_304, %dma_start3A_305] : memref<16384x4096xf32, #tpu.memory_space<hbm>> -> memref<1x4096xf32, #tpu.memory_space<hbm>>
      %dma_start3A_307 = tpu.memref_squeeze %dma_start3A_306 : memref<1x4096xf32, #tpu.memory_space<hbm>> -> memref<4096xf32, #tpu.memory_space<hbm>>
      %dma_start3A_308 = tpu.memref_slice %arg6[%multiple_of3A_299] : memref<851968xf32, #tpu.memory_space<vmem_shared>> -> memref<4096xf32, #tpu.memory_space<vmem_shared>>
      tpu.enqueue_dma source(%dma_start3A_308 : memref<4096xf32, #tpu.memory_space<vmem_shared>>) target(%dma_start3A_307 : memref<4096xf32, #tpu.memory_space<hbm>>) target_semaphore(%arg16 : memref<!tpu.dma_semaphore, #tpu.memory_space<semaphore_mem>>)
      %mul3A_309 = arith.constant 8 : i32
      %mul3A_310 = arith.muli %add3A_178, %mul3A_309 : i32
      %add3A_311 = arith.constant 7 : i32
      %add3A_312 = arith.addi %mul3A_310, %add3A_311 : i32
      %get3A_313 = arith.index_cast %add3A_312 : i32 to index
      %get3A_314 = memref.load %arg8[%get3A_313] : memref<512xi32, #tpu.memory_space<smem>>
      %mul3A_315 = arith.constant 4096 : i32
      %mul3A_316 = arith.muli %get3A_314, %mul3A_315 : i32
      %multiple_of3A_317 = tpu.assume_multiple %mul3A_316, 8 : i32
      %mul3A_318 = arith.constant 8 : i32
      %mul3A_319 = arith.muli %add3A_178, %mul3A_318 : i32
      %add3A_320 = arith.addi %mul3A_2, %mul3A_319 : i32
      %add3A_321 = arith.constant 7 : i32
      %add3A_322 = arith.addi %add3A_320, %add3A_321 : i32
      %dma_start3A_323 = arith.constant 0 : i32
      %dma_start3A_324 = tpu.memref_slice %arg5[%add3A_322, %dma_start3A_323] : memref<16384x4096xf32, #tpu.memory_space<hbm>> -> memref<1x4096xf32, #tpu.memory_space<hbm>>
      %dma_start3A_325 = tpu.memref_squeeze %dma_start3A_324 : memref<1x4096xf32, #tpu.memory_space<hbm>> -> memref<4096xf32, #tpu.memory_space<hbm>>
      %dma_start3A_326 = tpu.memref_slice %arg6[%multiple_of3A_317] : memref<851968xf32, #tpu.memory_space<vmem_shared>> -> memref<4096xf32, #tpu.memory_space<vmem_shared>>
      tpu.enqueue_dma source(%dma_start3A_326 : memref<4096xf32, #tpu.memory_space<vmem_shared>>) target(%dma_start3A_325 : memref<4096xf32, #tpu.memory_space<hbm>>) target_semaphore(%arg16 : memref<!tpu.dma_semaphore, #tpu.memory_space<semaphore_mem>>)
      %mul3A_327 = arith.constant 16 : i32
      %mul3A_328 = arith.muli %scan3A_119, %mul3A_327 : i32
      %add3A_329 = arith.constant 3 : i32
      %add3A_330 = arith.addi %mul3A_328, %add3A_329 : i32
      %multiple_of3A_331 = tpu.assume_multiple %mul3A_2, 8 : i32
      %dma_wait3A_332 = arith.constant 0 : i32
      %dma_wait3A_333 = tpu.memref_slice %arg5[%multiple_of3A_331, %dma_wait3A_332] : memref<16384x4096xf32, #tpu.memory_space<hbm>> -> memref<8x4096xf32, #tpu.memory_space<hbm>>
      %dma_wait3A_334 = arith.constant 0 : i32
      %dma_wait3A_335 = tpu.memref_slice %arg5[%multiple_of3A_331, %dma_wait3A_334] : memref<16384x4096xf32, #tpu.memory_space<hbm>> -> memref<8x4096xf32, #tpu.memory_space<hbm>>
      tpu.wait_dma2 semaphore(%arg14 : memref<!tpu.dma_semaphore, #tpu.memory_space<semaphore_mem>>) src(%arg10 : memref<8x4096xf32, #tpu.memory_space<vmem>>) dst(%dma_wait3A_335 : memref<8x4096xf32, #tpu.memory_space<hbm>>)
      %mul3A_336 = arith.constant 8 : i32
      %mul3A_337 = arith.muli %add3A_330, %mul3A_336 : i32
      %multiple_of3A_338 = tpu.assume_multiple %mul3A_337, 8 : i32
      %dma_start3A_339 = tpu.memref_slice %arg9[%multiple_of3A_338] : memref<512xi32, #tpu.memory_space<vmem>> -> memref<8xi32, #tpu.memory_space<vmem>>
      %dma_start3A_340 = arith.constant 0 : i32
      %dma_start3A_341 = arith.constant 0 : i32
      %dma_start3A_342 = tpu.memref_slice %arg4[%dma_start3A_340, %dma_start3A_341] : memref<208x4096xf32, #tpu.memory_space<hbm>> -> memref<208x4096xf32, #tpu.memory_space<hbm>>
      tpu.enqueue_indirect_dma source(%dma_start3A_342 : memref<208x4096xf32, #tpu.memory_space<hbm>>) target(%arg10 : memref<8x4096xf32, #tpu.memory_space<vmem>>) offsets(%dma_start3A_339 : memref<8xi32, #tpu.memory_space<vmem>>) semaphore(%arg12 : memref<!tpu.dma_semaphore, #tpu.memory_space<semaphore_mem>>)
      %mul3A_343 = arith.constant 16 : i32
      %mul3A_344 = arith.muli %scan3A_119, %mul3A_343 : i32
      %add3A_345 = arith.constant 1 : i32
      %add3A_346 = arith.addi %mul3A_344, %add3A_345 : i32
      %mul3A_347 = arith.constant 8 : i32
      %mul3A_348 = arith.muli %add3A_346, %mul3A_347 : i32
      %multiple_of3A_349 = tpu.assume_multiple %mul3A_348, 8 : i32
      %dma_wait3A_350 = tpu.memref_slice %arg9[%multiple_of3A_349] : memref<512xi32, #tpu.memory_space<vmem>> -> memref<8xi32, #tpu.memory_space<vmem>>
      %dma_wait3A_351 = arith.constant 0 : i32
      %dma_wait3A_352 = arith.constant 0 : i32
      %dma_wait3A_353 = tpu.memref_slice %arg4[%dma_wait3A_351, %dma_wait3A_352] : memref<208x4096xf32, #tpu.memory_space<hbm>> -> memref<208x4096xf32, #tpu.memory_space<hbm>>
      tpu.wait_indirect_dma semaphore(%arg13 : memref<!tpu.dma_semaphore, #tpu.memory_space<semaphore_mem>>) src(%dma_wait3A_353 : memref<208x4096xf32, #tpu.memory_space<hbm>>) dst(%arg11 : memref<8x4096xf32, #tpu.memory_space<vmem>>)
      %mul3A_354 = arith.constant 8 : i32
      %mul3A_355 = arith.muli %add3A_346, %mul3A_354 : i32
      %add3A_356 = arith.addi %mul3A_2, %mul3A_355 : i32
      %multiple_of3A_357 = tpu.assume_multiple %add3A_356, 8 : i32
      %dma_start3A_358 = arith.constant 0 : i32
      %dma_start3A_359 = tpu.memref_slice %arg5[%multiple_of3A_357, %dma_start3A_358] : memref<16384x4096xf32, #tpu.memory_space<hbm>> -> memref<8x4096xf32, #tpu.memory_space<hbm>>
      %dma_start3A_360 = arith.constant 0 : i32
      %dma_start3A_361 = tpu.memref_slice %arg5[%multiple_of3A_357, %dma_start3A_360] : memref<16384x4096xf32, #tpu.memory_space<hbm>> -> memref<8x4096xf32, #tpu.memory_space<hbm>>
      tpu.enqueue_dma source(%arg11 : memref<8x4096xf32, #tpu.memory_space<vmem>>) target(%dma_start3A_361 : memref<8x4096xf32, #tpu.memory_space<hbm>>) target_semaphore(%arg15 : memref<!tpu.dma_semaphore, #tpu.memory_space<semaphore_mem>>)
      %mul3A_362 = arith.constant 16 : i32
      %mul3A_363 = arith.muli %scan3A_119, %mul3A_362 : i32
      %add3A_364 = arith.constant 4 : i32
      %add3A_365 = arith.addi %mul3A_363, %add3A_364 : i32
      %multiple_of3A_366 = tpu.assume_multiple %mul3A_2, 8 : i32
      %dma_wait3A_367 = arith.constant 0 : i32
      %dma_wait3A_368 = tpu.memref_slice %arg5[%multiple_of3A_366, %dma_wait3A_367] : memref<16384x4096xf32, #tpu.memory_space<hbm>> -> memref<8x4096xf32, #tpu.memory_space<hbm>>
      %dma_wait3A_369 = arith.constant 0 : i32
      %dma_wait3A_370 = tpu.memref_slice %arg5[%multiple_of3A_366, %dma_wait3A_369] : memref<16384x4096xf32, #tpu.memory_space<hbm>> -> memref<8x4096xf32, #tpu.memory_space<hbm>>
      tpu.wait_dma2 semaphore(%arg15 : memref<!tpu.dma_semaphore, #tpu.memory_space<semaphore_mem>>) src(%arg11 : memref<8x4096xf32, #tpu.memory_space<vmem>>) dst(%dma_wait3A_370 : memref<8x4096xf32, #tpu.memory_space<hbm>>)
      %mul3A_371 = arith.constant 8 : i32
      %mul3A_372 = arith.muli %add3A_365, %mul3A_371 : i32
      %multiple_of3A_373 = tpu.assume_multiple %mul3A_372, 8 : i32
      %dma_start3A_374 = tpu.memref_slice %arg9[%multiple_of3A_373] : memref<512xi32, #tpu.memory_space<vmem>> -> memref<8xi32, #tpu.memory_space<vmem>>
      %dma_start3A_375 = arith.constant 0 : i32
      %dma_start3A_376 = arith.constant 0 : i32
      %dma_start3A_377 = tpu.memref_slice %arg4[%dma_start3A_375, %dma_start3A_376] : memref<208x4096xf32, #tpu.memory_space<hbm>> -> memref<208x4096xf32, #tpu.memory_space<hbm>>
      tpu.enqueue_indirect_dma source(%dma_start3A_377 : memref<208x4096xf32, #tpu.memory_space<hbm>>) target(%arg11 : memref<8x4096xf32, #tpu.memory_space<vmem>>) offsets(%dma_start3A_374 : memref<8xi32, #tpu.memory_space<vmem>>) semaphore(%arg13 : memref<!tpu.dma_semaphore, #tpu.memory_space<semaphore_mem>>)
      %mul3A_378 = arith.constant 16 : i32
      %mul3A_379 = arith.muli %scan3A_119, %mul3A_378 : i32
      %add3A_380 = arith.constant 3 : i32
      %add3A_381 = arith.addi %mul3A_379, %add3A_380 : i32
      %mul3A_382 = arith.constant 8 : i32
      %mul3A_383 = arith.muli %add3A_381, %mul3A_382 : i32
      %multiple_of3A_384 = tpu.assume_multiple %mul3A_383, 8 : i32
      %dma_wait3A_385 = tpu.memref_slice %arg9[%multiple_of3A_384] : memref<512xi32, #tpu.memory_space<vmem>> -> memref<8xi32, #tpu.memory_space<vmem>>
      %dma_wait3A_386 = arith.constant 0 : i32
      %dma_wait3A_387 = arith.constant 0 : i32
      %dma_wait3A_388 = tpu.memref_slice %arg4[%dma_wait3A_386, %dma_wait3A_387] : memref<208x4096xf32, #tpu.memory_space<hbm>> -> memref<208x4096xf32, #tpu.memory_space<hbm>>
      tpu.wait_indirect_dma semaphore(%arg12 : memref<!tpu.dma_semaphore, #tpu.memory_space<semaphore_mem>>) src(%dma_wait3A_388 : memref<208x4096xf32, #tpu.memory_space<hbm>>) dst(%arg10 : memref<8x4096xf32, #tpu.memory_space<vmem>>)
      %mul3A_389 = arith.constant 8 : i32
      %mul3A_390 = arith.muli %add3A_381, %mul3A_389 : i32
      %add3A_391 = arith.addi %mul3A_2, %mul3A_390 : i32
      %multiple_of3A_392 = tpu.assume_multiple %add3A_391, 8 : i32
      %dma_start3A_393 = arith.constant 0 : i32
      %dma_start3A_394 = tpu.memref_slice %arg5[%multiple_of3A_392, %dma_start3A_393] : memref<16384x4096xf32, #tpu.memory_space<hbm>> -> memref<8x4096xf32, #tpu.memory_space<hbm>>
      %dma_start3A_395 = arith.constant 0 : i32
      %dma_start3A_396 = tpu.memref_slice %arg5[%multiple_of3A_392, %dma_start3A_395] : memref<16384x4096xf32, #tpu.memory_space<hbm>> -> memref<8x4096xf32, #tpu.memory_space<hbm>>
      tpu.enqueue_dma source(%arg10 : memref<8x4096xf32, #tpu.memory_space<vmem>>) target(%dma_start3A_396 : memref<8x4096xf32, #tpu.memory_space<hbm>>) target_semaphore(%arg14 : memref<!tpu.dma_semaphore, #tpu.memory_space<semaphore_mem>>)
      %mul3A_397 = arith.constant 16 : i32
      %mul3A_398 = arith.muli %scan3A_119, %mul3A_397 : i32
      %add3A_399 = arith.constant 5 : i32
      %add3A_400 = arith.addi %mul3A_398, %add3A_399 : i32
      %gt3A_401 = arith.constant 0 : i32
      %gt3A_402 = arith.cmpi sgt, %scan3A_119, %gt3A_401 : i32
      %convert_element_type3A_403 = arith.extui %gt3A_402 : i1 to i32
      %cond3A_404 = arith.constant 0 : i32
      %cond3A_405 = arith.cmpi ne, %convert_element_type3A_403, %cond3A_404 : i32
      scf.if %cond3A_405 {
        %dma_wait3A_1512 = arith.constant 0 : i32
        %dma_wait3A_1513 = tpu.memref_slice %arg5[%mul3A_2, %dma_wait3A_1512] : memref<16384x4096xf32, #tpu.memory_space<hbm>> -> memref<1x4096xf32, #tpu.memory_space<hbm>>
        %dma_wait3A_1514 = tpu.memref_squeeze %dma_wait3A_1513 : memref<1x4096xf32, #tpu.memory_space<hbm>> -> memref<4096xf32, #tpu.memory_space<hbm>>
        %dma_wait3A_1515 = arith.constant 0 : i32
        %dma_wait3A_1516 = tpu.memref_slice %arg6[%dma_wait3A_1515] : memref<851968xf32, #tpu.memory_space<vmem_shared>> -> memref<4096xf32, #tpu.memory_space<vmem_shared>>
        tpu.wait_dma2 semaphore(%arg16 : memref<!tpu.dma_semaphore, #tpu.memory_space<semaphore_mem>>) src(%dma_wait3A_1516 : memref<4096xf32, #tpu.memory_space<vmem_shared>>) dst(%dma_wait3A_1514 : memref<4096xf32, #tpu.memory_space<hbm>>)
        %dma_wait3A_1517 = arith.constant 0 : i32
        %dma_wait3A_1518 = tpu.memref_slice %arg5[%mul3A_2, %dma_wait3A_1517] : memref<16384x4096xf32, #tpu.memory_space<hbm>> -> memref<1x4096xf32, #tpu.memory_space<hbm>>
        %dma_wait3A_1519 = tpu.memref_squeeze %dma_wait3A_1518 : memref<1x4096xf32, #tpu.memory_space<hbm>> -> memref<4096xf32, #tpu.memory_space<hbm>>
        %dma_wait3A_1520 = arith.constant 0 : i32
        %dma_wait3A_1521 = tpu.memref_slice %arg6[%dma_wait3A_1520] : memref<851968xf32, #tpu.memory_space<vmem_shared>> -> memref<4096xf32, #tpu.memory_space<vmem_shared>>
        tpu.wait_dma2 semaphore(%arg16 : memref<!tpu.dma_semaphore, #tpu.memory_space<semaphore_mem>>) src(%dma_wait3A_1521 : memref<4096xf32, #tpu.memory_space<vmem_shared>>) dst(%dma_wait3A_1519 : memref<4096xf32, #tpu.memory_space<hbm>>)
        %dma_wait3A_1522 = arith.constant 0 : i32
        %dma_wait3A_1523 = tpu.memref_slice %arg5[%mul3A_2, %dma_wait3A_1522] : memref<16384x4096xf32, #tpu.memory_space<hbm>> -> memref<1x4096xf32, #tpu.memory_space<hbm>>
        %dma_wait3A_1524 = tpu.memref_squeeze %dma_wait3A_1523 : memref<1x4096xf32, #tpu.memory_space<hbm>> -> memref<4096xf32, #tpu.memory_space<hbm>>
        %dma_wait3A_1525 = arith.constant 0 : i32
        %dma_wait3A_1526 = tpu.memref_slice %arg6[%dma_wait3A_1525] : memref<851968xf32, #tpu.memory_space<vmem_shared>> -> memref<4096xf32, #tpu.memory_space<vmem_shared>>
        tpu.wait_dma2 semaphore(%arg16 : memref<!tpu.dma_semaphore, #tpu.memory_space<semaphore_mem>>) src(%dma_wait3A_1526 : memref<4096xf32, #tpu.memory_space<vmem_shared>>) dst(%dma_wait3A_1524 : memref<4096xf32, #tpu.memory_space<hbm>>)
        %dma_wait3A_1527 = arith.constant 0 : i32
        %dma_wait3A_1528 = tpu.memref_slice %arg5[%mul3A_2, %dma_wait3A_1527] : memref<16384x4096xf32, #tpu.memory_space<hbm>> -> memref<1x4096xf32, #tpu.memory_space<hbm>>
        %dma_wait3A_1529 = tpu.memref_squeeze %dma_wait3A_1528 : memref<1x4096xf32, #tpu.memory_space<hbm>> -> memref<4096xf32, #tpu.memory_space<hbm>>
        %dma_wait3A_1530 = arith.constant 0 : i32
        %dma_wait3A_1531 = tpu.memref_slice %arg6[%dma_wait3A_1530] : memref<851968xf32, #tpu.memory_space<vmem_shared>> -> memref<4096xf32, #tpu.memory_space<vmem_shared>>
        tpu.wait_dma2 semaphore(%arg16 : memref<!tpu.dma_semaphore, #tpu.memory_space<semaphore_mem>>) src(%dma_wait3A_1531 : memref<4096xf32, #tpu.memory_space<vmem_shared>>) dst(%dma_wait3A_1529 : memref<4096xf32, #tpu.memory_space<hbm>>)
        %dma_wait3A_1532 = arith.constant 0 : i32
        %dma_wait3A_1533 = tpu.memref_slice %arg5[%mul3A_2, %dma_wait3A_1532] : memref<16384x4096xf32, #tpu.memory_space<hbm>> -> memref<1x4096xf32, #tpu.memory_space<hbm>>
        %dma_wait3A_1534 = tpu.memref_squeeze %dma_wait3A_1533 : memref<1x4096xf32, #tpu.memory_space<hbm>> -> memref<4096xf32, #tpu.memory_space<hbm>>
        %dma_wait3A_1535 = arith.constant 0 : i32
        %dma_wait3A_1536 = tpu.memref_slice %arg6[%dma_wait3A_1535] : memref<851968xf32, #tpu.memory_space<vmem_shared>> -> memref<4096xf32, #tpu.memory_space<vmem_shared>>
        tpu.wait_dma2 semaphore(%arg16 : memref<!tpu.dma_semaphore, #tpu.memory_space<semaphore_mem>>) src(%dma_wait3A_1536 : memref<4096xf32, #tpu.memory_space<vmem_shared>>) dst(%dma_wait3A_1534 : memref<4096xf32, #tpu.memory_space<hbm>>)
        %dma_wait3A_1537 = arith.constant 0 : i32
        %dma_wait3A_1538 = tpu.memref_slice %arg5[%mul3A_2, %dma_wait3A_1537] : memref<16384x4096xf32, #tpu.memory_space<hbm>> -> memref<1x4096xf32, #tpu.memory_space<hbm>>
        %dma_wait3A_1539 = tpu.memref_squeeze %dma_wait3A_1538 : memref<1x4096xf32, #tpu.memory_space<hbm>> -> memref<4096xf32, #tpu.memory_space<hbm>>
        %dma_wait3A_1540 = arith.constant 0 : i32
        %dma_wait3A_1541 = tpu.memref_slice %arg6[%dma_wait3A_1540] : memref<851968xf32, #tpu.memory_space<vmem_shared>> -> memref<4096xf32, #tpu.memory_space<vmem_shared>>
        tpu.wait_dma2 semaphore(%arg16 : memref<!tpu.dma_semaphore, #tpu.memory_space<semaphore_mem>>) src(%dma_wait3A_1541 : memref<4096xf32, #tpu.memory_space<vmem_shared>>) dst(%dma_wait3A_1539 : memref<4096xf32, #tpu.memory_space<hbm>>)
        %dma_wait3A_1542 = arith.constant 0 : i32
        %dma_wait3A_1543 = tpu.memref_slice %arg5[%mul3A_2, %dma_wait3A_1542] : memref<16384x4096xf32, #tpu.memory_space<hbm>> -> memref<1x4096xf32, #tpu.memory_space<hbm>>
        %dma_wait3A_1544 = tpu.memref_squeeze %dma_wait3A_1543 : memref<1x4096xf32, #tpu.memory_space<hbm>> -> memref<4096xf32, #tpu.memory_space<hbm>>
        %dma_wait3A_1545 = arith.constant 0 : i32
        %dma_wait3A_1546 = tpu.memref_slice %arg6[%dma_wait3A_1545] : memref<851968xf32, #tpu.memory_space<vmem_shared>> -> memref<4096xf32, #tpu.memory_space<vmem_shared>>
        tpu.wait_dma2 semaphore(%arg16 : memref<!tpu.dma_semaphore, #tpu.memory_space<semaphore_mem>>) src(%dma_wait3A_1546 : memref<4096xf32, #tpu.memory_space<vmem_shared>>) dst(%dma_wait3A_1544 : memref<4096xf32, #tpu.memory_space<hbm>>)
        %dma_wait3A_1547 = arith.constant 0 : i32
        %dma_wait3A_1548 = tpu.memref_slice %arg5[%mul3A_2, %dma_wait3A_1547] : memref<16384x4096xf32, #tpu.memory_space<hbm>> -> memref<1x4096xf32, #tpu.memory_space<hbm>>
        %dma_wait3A_1549 = tpu.memref_squeeze %dma_wait3A_1548 : memref<1x4096xf32, #tpu.memory_space<hbm>> -> memref<4096xf32, #tpu.memory_space<hbm>>
        %dma_wait3A_1550 = arith.constant 0 : i32
        %dma_wait3A_1551 = tpu.memref_slice %arg6[%dma_wait3A_1550] : memref<851968xf32, #tpu.memory_space<vmem_shared>> -> memref<4096xf32, #tpu.memory_space<vmem_shared>>
        tpu.wait_dma2 semaphore(%arg16 : memref<!tpu.dma_semaphore, #tpu.memory_space<semaphore_mem>>) src(%dma_wait3A_1551 : memref<4096xf32, #tpu.memory_space<vmem_shared>>) dst(%dma_wait3A_1549 : memref<4096xf32, #tpu.memory_space<hbm>>)
      } else {
      }
      %mul3A_406 = arith.constant 8 : i32
      %mul3A_407 = arith.muli %add3A_400, %mul3A_406 : i32
      %add3A_408 = arith.constant 0 : i32
      %add3A_409 = arith.addi %mul3A_407, %add3A_408 : i32
      %get3A_410 = arith.index_cast %add3A_409 : i32 to index
      %get3A_411 = memref.load %arg8[%get3A_410] : memref<512xi32, #tpu.memory_space<smem>>
      %mul3A_412 = arith.constant 4096 : i32
      %mul3A_413 = arith.muli %get3A_411, %mul3A_412 : i32
      %multiple_of3A_414 = tpu.assume_multiple %mul3A_413, 8 : i32
      %mul3A_415 = arith.constant 8 : i32
      %mul3A_416 = arith.muli %add3A_400, %mul3A_415 : i32
      %add3A_417 = arith.addi %mul3A_2, %mul3A_416 : i32
      %add3A_418 = arith.constant 0 : i32
      %add3A_419 = arith.addi %add3A_417, %add3A_418 : i32
      %dma_start3A_420 = arith.constant 0 : i32
      %dma_start3A_421 = tpu.memref_slice %arg5[%add3A_419, %dma_start3A_420] : memref<16384x4096xf32, #tpu.memory_space<hbm>> -> memref<1x4096xf32, #tpu.memory_space<hbm>>
      %dma_start3A_422 = tpu.memref_squeeze %dma_start3A_421 : memref<1x4096xf32, #tpu.memory_space<hbm>> -> memref<4096xf32, #tpu.memory_space<hbm>>
      %dma_start3A_423 = tpu.memref_slice %arg6[%multiple_of3A_414] : memref<851968xf32, #tpu.memory_space<vmem_shared>> -> memref<4096xf32, #tpu.memory_space<vmem_shared>>
      tpu.enqueue_dma source(%dma_start3A_423 : memref<4096xf32, #tpu.memory_space<vmem_shared>>) target(%dma_start3A_422 : memref<4096xf32, #tpu.memory_space<hbm>>) target_semaphore(%arg16 : memref<!tpu.dma_semaphore, #tpu.memory_space<semaphore_mem>>)
      %mul3A_424 = arith.constant 8 : i32
      %mul3A_425 = arith.muli %add3A_400, %mul3A_424 : i32
      %add3A_426 = arith.constant 1 : i32
      %add3A_427 = arith.addi %mul3A_425, %add3A_426 : i32
      %get3A_428 = arith.index_cast %add3A_427 : i32 to index
      %get3A_429 = memref.load %arg8[%get3A_428] : memref<512xi32, #tpu.memory_space<smem>>
      %mul3A_430 = arith.constant 4096 : i32
      %mul3A_431 = arith.muli %get3A_429, %mul3A_430 : i32
      %multiple_of3A_432 = tpu.assume_multiple %mul3A_431, 8 : i32
      %mul3A_433 = arith.constant 8 : i32
      %mul3A_434 = arith.muli %add3A_400, %mul3A_433 : i32
      %add3A_435 = arith.addi %mul3A_2, %mul3A_434 : i32
      %add3A_436 = arith.constant 1 : i32
      %add3A_437 = arith.addi %add3A_435, %add3A_436 : i32
      %dma_start3A_438 = arith.constant 0 : i32
      %dma_start3A_439 = tpu.memref_slice %arg5[%add3A_437, %dma_start3A_438] : memref<16384x4096xf32, #tpu.memory_space<hbm>> -> memref<1x4096xf32, #tpu.memory_space<hbm>>
      %dma_start3A_440 = tpu.memref_squeeze %dma_start3A_439 : memref<1x4096xf32, #tpu.memory_space<hbm>> -> memref<4096xf32, #tpu.memory_space<hbm>>
      %dma_start3A_441 = tpu.memref_slice %arg6[%multiple_of3A_432] : memref<851968xf32, #tpu.memory_space<vmem_shared>> -> memref<4096xf32, #tpu.memory_space<vmem_shared>>
      tpu.enqueue_dma source(%dma_start3A_441 : memref<4096xf32, #tpu.memory_space<vmem_shared>>) target(%dma_start3A_440 : memref<4096xf32, #tpu.memory_space<hbm>>) target_semaphore(%arg16 : memref<!tpu.dma_semaphore, #tpu.memory_space<semaphore_mem>>)
      %mul3A_442 = arith.constant 8 : i32
      %mul3A_443 = arith.muli %add3A_400, %mul3A_442 : i32
      %add3A_444 = arith.constant 2 : i32
      %add3A_445 = arith.addi %mul3A_443, %add3A_444 : i32
      %get3A_446 = arith.index_cast %add3A_445 : i32 to index
      %get3A_447 = memref.load %arg8[%get3A_446] : memref<512xi32, #tpu.memory_space<smem>>
      %mul3A_448 = arith.constant 4096 : i32
      %mul3A_449 = arith.muli %get3A_447, %mul3A_448 : i32
      %multiple_of3A_450 = tpu.assume_multiple %mul3A_449, 8 : i32
      %mul3A_451 = arith.constant 8 : i32
      %mul3A_452 = arith.muli %add3A_400, %mul3A_451 : i32
      %add3A_453 = arith.addi %mul3A_2, %mul3A_452 : i32
      %add3A_454 = arith.constant 2 : i32
      %add3A_455 = arith.addi %add3A_453, %add3A_454 : i32
      %dma_start3A_456 = arith.constant 0 : i32
      %dma_start3A_457 = tpu.memref_slice %arg5[%add3A_455, %dma_start3A_456] : memref<16384x4096xf32, #tpu.memory_space<hbm>> -> memref<1x4096xf32, #tpu.memory_space<hbm>>
      %dma_start3A_458 = tpu.memref_squeeze %dma_start3A_457 : memref<1x4096xf32, #tpu.memory_space<hbm>> -> memref<4096xf32, #tpu.memory_space<hbm>>
      %dma_start3A_459 = tpu.memref_slice %arg6[%multiple_of3A_450] : memref<851968xf32, #tpu.memory_space<vmem_shared>> -> memref<4096xf32, #tpu.memory_space<vmem_shared>>
      tpu.enqueue_dma source(%dma_start3A_459 : memref<4096xf32, #tpu.memory_space<vmem_shared>>) target(%dma_start3A_458 : memref<4096xf32, #tpu.memory_space<hbm>>) target_semaphore(%arg16 : memref<!tpu.dma_semaphore, #tpu.memory_space<semaphore_mem>>)
      %mul3A_460 = arith.constant 8 : i32
      %mul3A_461 = arith.muli %add3A_400, %mul3A_460 : i32
      %add3A_462 = arith.constant 3 : i32
      %add3A_463 = arith.addi %mul3A_461, %add3A_462 : i32
      %get3A_464 = arith.index_cast %add3A_463 : i32 to index
      %get3A_465 = memref.load %arg8[%get3A_464] : memref<512xi32, #tpu.memory_space<smem>>
      %mul3A_466 = arith.constant 4096 : i32
      %mul3A_467 = arith.muli %get3A_465, %mul3A_466 : i32
      %multiple_of3A_468 = tpu.assume_multiple %mul3A_467, 8 : i32
      %mul3A_469 = arith.constant 8 : i32
      %mul3A_470 = arith.muli %add3A_400, %mul3A_469 : i32
      %add3A_471 = arith.addi %mul3A_2, %mul3A_470 : i32
      %add3A_472 = arith.constant 3 : i32
      %add3A_473 = arith.addi %add3A_471, %add3A_472 : i32
      %dma_start3A_474 = arith.constant 0 : i32
      %dma_start3A_475 = tpu.memref_slice %arg5[%add3A_473, %dma_start3A_474] : memref<16384x4096xf32, #tpu.memory_space<hbm>> -> memref<1x4096xf32, #tpu.memory_space<hbm>>
      %dma_start3A_476 = tpu.memref_squeeze %dma_start3A_475 : memref<1x4096xf32, #tpu.memory_space<hbm>> -> memref<4096xf32, #tpu.memory_space<hbm>>
      %dma_start3A_477 = tpu.memref_slice %arg6[%multiple_of3A_468] : memref<851968xf32, #tpu.memory_space<vmem_shared>> -> memref<4096xf32, #tpu.memory_space<vmem_shared>>
      tpu.enqueue_dma source(%dma_start3A_477 : memref<4096xf32, #tpu.memory_space<vmem_shared>>) target(%dma_start3A_476 : memref<4096xf32, #tpu.memory_space<hbm>>) target_semaphore(%arg16 : memref<!tpu.dma_semaphore, #tpu.memory_space<semaphore_mem>>)
      %mul3A_478 = arith.constant 8 : i32
      %mul3A_479 = arith.muli %add3A_400, %mul3A_478 : i32
      %add3A_480 = arith.constant 4 : i32
      %add3A_481 = arith.addi %mul3A_479, %add3A_480 : i32
      %get3A_482 = arith.index_cast %add3A_481 : i32 to index
      %get3A_483 = memref.load %arg8[%get3A_482] : memref<512xi32, #tpu.memory_space<smem>>
      %mul3A_484 = arith.constant 4096 : i32
      %mul3A_485 = arith.muli %get3A_483, %mul3A_484 : i32
      %multiple_of3A_486 = tpu.assume_multiple %mul3A_485, 8 : i32
      %mul3A_487 = arith.constant 8 : i32
      %mul3A_488 = arith.muli %add3A_400, %mul3A_487 : i32
      %add3A_489 = arith.addi %mul3A_2, %mul3A_488 : i32
      %add3A_490 = arith.constant 4 : i32
      %add3A_491 = arith.addi %add3A_489, %add3A_490 : i32
      %dma_start3A_492 = arith.constant 0 : i32
      %dma_start3A_493 = tpu.memref_slice %arg5[%add3A_491, %dma_start3A_492] : memref<16384x4096xf32, #tpu.memory_space<hbm>> -> memref<1x4096xf32, #tpu.memory_space<hbm>>
      %dma_start3A_494 = tpu.memref_squeeze %dma_start3A_493 : memref<1x4096xf32, #tpu.memory_space<hbm>> -> memref<4096xf32, #tpu.memory_space<hbm>>
      %dma_start3A_495 = tpu.memref_slice %arg6[%multiple_of3A_486] : memref<851968xf32, #tpu.memory_space<vmem_shared>> -> memref<4096xf32, #tpu.memory_space<vmem_shared>>
      tpu.enqueue_dma source(%dma_start3A_495 : memref<4096xf32, #tpu.memory_space<vmem_shared>>) target(%dma_start3A_494 : memref<4096xf32, #tpu.memory_space<hbm>>) target_semaphore(%arg16 : memref<!tpu.dma_semaphore, #tpu.memory_space<semaphore_mem>>)
      %mul3A_496 = arith.constant 8 : i32
      %mul3A_497 = arith.muli %add3A_400, %mul3A_496 : i32
      %add3A_498 = arith.constant 5 : i32
      %add3A_499 = arith.addi %mul3A_497, %add3A_498 : i32
      %get3A_500 = arith.index_cast %add3A_499 : i32 to index
      %get3A_501 = memref.load %arg8[%get3A_500] : memref<512xi32, #tpu.memory_space<smem>>
      %mul3A_502 = arith.constant 4096 : i32
      %mul3A_503 = arith.muli %get3A_501, %mul3A_502 : i32
      %multiple_of3A_504 = tpu.assume_multiple %mul3A_503, 8 : i32
      %mul3A_505 = arith.constant 8 : i32
      %mul3A_506 = arith.muli %add3A_400, %mul3A_505 : i32
      %add3A_507 = arith.addi %mul3A_2, %mul3A_506 : i32
      %add3A_508 = arith.constant 5 : i32
      %add3A_509 = arith.addi %add3A_507, %add3A_508 : i32
      %dma_start3A_510 = arith.constant 0 : i32
      %dma_start3A_511 = tpu.memref_slice %arg5[%add3A_509, %dma_start3A_510] : memref<16384x4096xf32, #tpu.memory_space<hbm>> -> memref<1x4096xf32, #tpu.memory_space<hbm>>
      %dma_start3A_512 = tpu.memref_squeeze %dma_start3A_511 : memref<1x4096xf32, #tpu.memory_space<hbm>> -> memref<4096xf32, #tpu.memory_space<hbm>>
      %dma_start3A_513 = tpu.memref_slice %arg6[%multiple_of3A_504] : memref<851968xf32, #tpu.memory_space<vmem_shared>> -> memref<4096xf32, #tpu.memory_space<vmem_shared>>
      tpu.enqueue_dma source(%dma_start3A_513 : memref<4096xf32, #tpu.memory_space<vmem_shared>>) target(%dma_start3A_512 : memref<4096xf32, #tpu.memory_space<hbm>>) target_semaphore(%arg16 : memref<!tpu.dma_semaphore, #tpu.memory_space<semaphore_mem>>)
      %mul3A_514 = arith.constant 8 : i32
      %mul3A_515 = arith.muli %add3A_400, %mul3A_514 : i32
      %add3A_516 = arith.constant 6 : i32
      %add3A_517 = arith.addi %mul3A_515, %add3A_516 : i32
      %get3A_518 = arith.index_cast %add3A_517 : i32 to index
      %get3A_519 = memref.load %arg8[%get3A_518] : memref<512xi32, #tpu.memory_space<smem>>
      %mul3A_520 = arith.constant 4096 : i32
      %mul3A_521 = arith.muli %get3A_519, %mul3A_520 : i32
      %multiple_of3A_522 = tpu.assume_multiple %mul3A_521, 8 : i32
      %mul3A_523 = arith.constant 8 : i32
      %mul3A_524 = arith.muli %add3A_400, %mul3A_523 : i32
      %add3A_525 = arith.addi %mul3A_2, %mul3A_524 : i32
      %add3A_526 = arith.constant 6 : i32
      %add3A_527 = arith.addi %add3A_525, %add3A_526 : i32
      %dma_start3A_528 = arith.constant 0 : i32
      %dma_start3A_529 = tpu.memref_slice %arg5[%add3A_527, %dma_start3A_528] : memref<16384x4096xf32, #tpu.memory_space<hbm>> -> memref<1x4096xf32, #tpu.memory_space<hbm>>
      %dma_start3A_530 = tpu.memref_squeeze %dma_start3A_529 : memref<1x4096xf32, #tpu.memory_space<hbm>> -> memref<4096xf32, #tpu.memory_space<hbm>>
      %dma_start3A_531 = tpu.memref_slice %arg6[%multiple_of3A_522] : memref<851968xf32, #tpu.memory_space<vmem_shared>> -> memref<4096xf32, #tpu.memory_space<vmem_shared>>
      tpu.enqueue_dma source(%dma_start3A_531 : memref<4096xf32, #tpu.memory_space<vmem_shared>>) target(%dma_start3A_530 : memref<4096xf32, #tpu.memory_space<hbm>>) target_semaphore(%arg16 : memref<!tpu.dma_semaphore, #tpu.memory_space<semaphore_mem>>)
      %mul3A_532 = arith.constant 8 : i32
      %mul3A_533 = arith.muli %add3A_400, %mul3A_532 : i32
      %add3A_534 = arith.constant 7 : i32
      %add3A_535 = arith.addi %mul3A_533, %add3A_534 : i32
      %get3A_536 = arith.index_cast %add3A_535 : i32 to index
      %get3A_537 = memref.load %arg8[%get3A_536] : memref<512xi32, #tpu.memory_space<smem>>
      %mul3A_538 = arith.constant 4096 : i32
      %mul3A_539 = arith.muli %get3A_537, %mul3A_538 : i32
      %multiple_of3A_540 = tpu.assume_multiple %mul3A_539, 8 : i32
      %mul3A_541 = arith.constant 8 : i32
      %mul3A_542 = arith.muli %add3A_400, %mul3A_541 : i32
      %add3A_543 = arith.addi %mul3A_2, %mul3A_542 : i32
      %add3A_544 = arith.constant 7 : i32
      %add3A_545 = arith.addi %add3A_543, %add3A_544 : i32
      %dma_start3A_546 = arith.constant 0 : i32
      %dma_start3A_547 = tpu.memref_slice %arg5[%add3A_545, %dma_start3A_546] : memref<16384x4096xf32, #tpu.memory_space<hbm>> -> memref<1x4096xf32, #tpu.memory_space<hbm>>
      %dma_start3A_548 = tpu.memref_squeeze %dma_start3A_547 : memref<1x4096xf32, #tpu.memory_space<hbm>> -> memref<4096xf32, #tpu.memory_space<hbm>>
      %dma_start3A_549 = tpu.memref_slice %arg6[%multiple_of3A_540] : memref<851968xf32, #tpu.memory_space<vmem_shared>> -> memref<4096xf32, #tpu.memory_space<vmem_shared>>
      tpu.enqueue_dma source(%dma_start3A_549 : memref<4096xf32, #tpu.memory_space<vmem_shared>>) target(%dma_start3A_548 : memref<4096xf32, #tpu.memory_space<hbm>>) target_semaphore(%arg16 : memref<!tpu.dma_semaphore, #tpu.memory_space<semaphore_mem>>)
      %mul3A_550 = arith.constant 16 : i32
      %mul3A_551 = arith.muli %scan3A_119, %mul3A_550 : i32
      %add3A_552 = arith.constant 6 : i32
      %add3A_553 = arith.addi %mul3A_551, %add3A_552 : i32
      %multiple_of3A_554 = tpu.assume_multiple %mul3A_2, 8 : i32
      %dma_wait3A_555 = arith.constant 0 : i32
      %dma_wait3A_556 = tpu.memref_slice %arg5[%multiple_of3A_554, %dma_wait3A_555] : memref<16384x4096xf32, #tpu.memory_space<hbm>> -> memref<8x4096xf32, #tpu.memory_space<hbm>>
      %dma_wait3A_557 = arith.constant 0 : i32
      %dma_wait3A_558 = tpu.memref_slice %arg5[%multiple_of3A_554, %dma_wait3A_557] : memref<16384x4096xf32, #tpu.memory_space<hbm>> -> memref<8x4096xf32, #tpu.memory_space<hbm>>
      tpu.wait_dma2 semaphore(%arg14 : memref<!tpu.dma_semaphore, #tpu.memory_space<semaphore_mem>>) src(%arg10 : memref<8x4096xf32, #tpu.memory_space<vmem>>) dst(%dma_wait3A_558 : memref<8x4096xf32, #tpu.memory_space<hbm>>)
      %mul3A_559 = arith.constant 8 : i32
      %mul3A_560 = arith.muli %add3A_553, %mul3A_559 : i32
      %multiple_of3A_561 = tpu.assume_multiple %mul3A_560, 8 : i32
      %dma_start3A_562 = tpu.memref_slice %arg9[%multiple_of3A_561] : memref<512xi32, #tpu.memory_space<vmem>> -> memref<8xi32, #tpu.memory_space<vmem>>
      %dma_start3A_563 = arith.constant 0 : i32
      %dma_start3A_564 = arith.constant 0 : i32
      %dma_start3A_565 = tpu.memref_slice %arg4[%dma_start3A_563, %dma_start3A_564] : memref<208x4096xf32, #tpu.memory_space<hbm>> -> memref<208x4096xf32, #tpu.memory_space<hbm>>
      tpu.enqueue_indirect_dma source(%dma_start3A_565 : memref<208x4096xf32, #tpu.memory_space<hbm>>) target(%arg10 : memref<8x4096xf32, #tpu.memory_space<vmem>>) offsets(%dma_start3A_562 : memref<8xi32, #tpu.memory_space<vmem>>) semaphore(%arg12 : memref<!tpu.dma_semaphore, #tpu.memory_space<semaphore_mem>>)
      %mul3A_566 = arith.constant 16 : i32
      %mul3A_567 = arith.muli %scan3A_119, %mul3A_566 : i32
      %add3A_568 = arith.constant 4 : i32
      %add3A_569 = arith.addi %mul3A_567, %add3A_568 : i32
      %mul3A_570 = arith.constant 8 : i32
      %mul3A_571 = arith.muli %add3A_569, %mul3A_570 : i32
      %multiple_of3A_572 = tpu.assume_multiple %mul3A_571, 8 : i32
      %dma_wait3A_573 = tpu.memref_slice %arg9[%multiple_of3A_572] : memref<512xi32, #tpu.memory_space<vmem>> -> memref<8xi32, #tpu.memory_space<vmem>>
      %dma_wait3A_574 = arith.constant 0 : i32
      %dma_wait3A_575 = arith.constant 0 : i32
      %dma_wait3A_576 = tpu.memref_slice %arg4[%dma_wait3A_574, %dma_wait3A_575] : memref<208x4096xf32, #tpu.memory_space<hbm>> -> memref<208x4096xf32, #tpu.memory_space<hbm>>
      tpu.wait_indirect_dma semaphore(%arg13 : memref<!tpu.dma_semaphore, #tpu.memory_space<semaphore_mem>>) src(%dma_wait3A_576 : memref<208x4096xf32, #tpu.memory_space<hbm>>) dst(%arg11 : memref<8x4096xf32, #tpu.memory_space<vmem>>)
      %mul3A_577 = arith.constant 8 : i32
      %mul3A_578 = arith.muli %add3A_569, %mul3A_577 : i32
      %add3A_579 = arith.addi %mul3A_2, %mul3A_578 : i32
      %multiple_of3A_580 = tpu.assume_multiple %add3A_579, 8 : i32
      %dma_start3A_581 = arith.constant 0 : i32
      %dma_start3A_582 = tpu.memref_slice %arg5[%multiple_of3A_580, %dma_start3A_581] : memref<16384x4096xf32, #tpu.memory_space<hbm>> -> memref<8x4096xf32, #tpu.memory_space<hbm>>
      %dma_start3A_583 = arith.constant 0 : i32
      %dma_start3A_584 = tpu.memref_slice %arg5[%multiple_of3A_580, %dma_start3A_583] : memref<16384x4096xf32, #tpu.memory_space<hbm>> -> memref<8x4096xf32, #tpu.memory_space<hbm>>
      tpu.enqueue_dma source(%arg11 : memref<8x4096xf32, #tpu.memory_space<vmem>>) target(%dma_start3A_584 : memref<8x4096xf32, #tpu.memory_space<hbm>>) target_semaphore(%arg15 : memref<!tpu.dma_semaphore, #tpu.memory_space<semaphore_mem>>)
      %mul3A_585 = arith.constant 16 : i32
      %mul3A_586 = arith.muli %scan3A_119, %mul3A_585 : i32
      %add3A_587 = arith.constant 7 : i32
      %add3A_588 = arith.addi %mul3A_586, %add3A_587 : i32
      %dma_wait3A_589 = arith.constant 0 : i32
      %dma_wait3A_590 = tpu.memref_slice %arg5[%mul3A_2, %dma_wait3A_589] : memref<16384x4096xf32, #tpu.memory_space<hbm>> -> memref<1x4096xf32, #tpu.memory_space<hbm>>
      %dma_wait3A_591 = tpu.memref_squeeze %dma_wait3A_590 : memref<1x4096xf32, #tpu.memory_space<hbm>> -> memref<4096xf32, #tpu.memory_space<hbm>>
      %dma_wait3A_592 = arith.constant 0 : i32
      %dma_wait3A_593 = tpu.memref_slice %arg6[%dma_wait3A_592] : memref<851968xf32, #tpu.memory_space<vmem_shared>> -> memref<4096xf32, #tpu.memory_space<vmem_shared>>
      tpu.wait_dma2 semaphore(%arg16 : memref<!tpu.dma_semaphore, #tpu.memory_space<semaphore_mem>>) src(%dma_wait3A_593 : memref<4096xf32, #tpu.memory_space<vmem_shared>>) dst(%dma_wait3A_591 : memref<4096xf32, #tpu.memory_space<hbm>>)
      %dma_wait3A_594 = arith.constant 0 : i32
      %dma_wait3A_595 = tpu.memref_slice %arg5[%mul3A_2, %dma_wait3A_594] : memref<16384x4096xf32, #tpu.memory_space<hbm>> -> memref<1x4096xf32, #tpu.memory_space<hbm>>
      %dma_wait3A_596 = tpu.memref_squeeze %dma_wait3A_595 : memref<1x4096xf32, #tpu.memory_space<hbm>> -> memref<4096xf32, #tpu.memory_space<hbm>>
      %dma_wait3A_597 = arith.constant 0 : i32
      %dma_wait3A_598 = tpu.memref_slice %arg6[%dma_wait3A_597] : memref<851968xf32, #tpu.memory_space<vmem_shared>> -> memref<4096xf32, #tpu.memory_space<vmem_shared>>
      tpu.wait_dma2 semaphore(%arg16 : memref<!tpu.dma_semaphore, #tpu.memory_space<semaphore_mem>>) src(%dma_wait3A_598 : memref<4096xf32, #tpu.memory_space<vmem_shared>>) dst(%dma_wait3A_596 : memref<4096xf32, #tpu.memory_space<hbm>>)
      %dma_wait3A_599 = arith.constant 0 : i32
      %dma_wait3A_600 = tpu.memref_slice %arg5[%mul3A_2, %dma_wait3A_599] : memref<16384x4096xf32, #tpu.memory_space<hbm>> -> memref<1x4096xf32, #tpu.memory_space<hbm>>
      %dma_wait3A_601 = tpu.memref_squeeze %dma_wait3A_600 : memref<1x4096xf32, #tpu.memory_space<hbm>> -> memref<4096xf32, #tpu.memory_space<hbm>>
      %dma_wait3A_602 = arith.constant 0 : i32
      %dma_wait3A_603 = tpu.memref_slice %arg6[%dma_wait3A_602] : memref<851968xf32, #tpu.memory_space<vmem_shared>> -> memref<4096xf32, #tpu.memory_space<vmem_shared>>
      tpu.wait_dma2 semaphore(%arg16 : memref<!tpu.dma_semaphore, #tpu.memory_space<semaphore_mem>>) src(%dma_wait3A_603 : memref<4096xf32, #tpu.memory_space<vmem_shared>>) dst(%dma_wait3A_601 : memref<4096xf32, #tpu.memory_space<hbm>>)
      %dma_wait3A_604 = arith.constant 0 : i32
      %dma_wait3A_605 = tpu.memref_slice %arg5[%mul3A_2, %dma_wait3A_604] : memref<16384x4096xf32, #tpu.memory_space<hbm>> -> memref<1x4096xf32, #tpu.memory_space<hbm>>
      %dma_wait3A_606 = tpu.memref_squeeze %dma_wait3A_605 : memref<1x4096xf32, #tpu.memory_space<hbm>> -> memref<4096xf32, #tpu.memory_space<hbm>>
      %dma_wait3A_607 = arith.constant 0 : i32
      %dma_wait3A_608 = tpu.memref_slice %arg6[%dma_wait3A_607] : memref<851968xf32, #tpu.memory_space<vmem_shared>> -> memref<4096xf32, #tpu.memory_space<vmem_shared>>
      tpu.wait_dma2 semaphore(%arg16 : memref<!tpu.dma_semaphore, #tpu.memory_space<semaphore_mem>>) src(%dma_wait3A_608 : memref<4096xf32, #tpu.memory_space<vmem_shared>>) dst(%dma_wait3A_606 : memref<4096xf32, #tpu.memory_space<hbm>>)
      %dma_wait3A_609 = arith.constant 0 : i32
      %dma_wait3A_610 = tpu.memref_slice %arg5[%mul3A_2, %dma_wait3A_609] : memref<16384x4096xf32, #tpu.memory_space<hbm>> -> memref<1x4096xf32, #tpu.memory_space<hbm>>
      %dma_wait3A_611 = tpu.memref_squeeze %dma_wait3A_610 : memref<1x4096xf32, #tpu.memory_space<hbm>> -> memref<4096xf32, #tpu.memory_space<hbm>>
      %dma_wait3A_612 = arith.constant 0 : i32
      %dma_wait3A_613 = tpu.memref_slice %arg6[%dma_wait3A_612] : memref<851968xf32, #tpu.memory_space<vmem_shared>> -> memref<4096xf32, #tpu.memory_space<vmem_shared>>
      tpu.wait_dma2 semaphore(%arg16 : memref<!tpu.dma_semaphore, #tpu.memory_space<semaphore_mem>>) src(%dma_wait3A_613 : memref<4096xf32, #tpu.memory_space<vmem_shared>>) dst(%dma_wait3A_611 : memref<4096xf32, #tpu.memory_space<hbm>>)
      %dma_wait3A_614 = arith.constant 0 : i32
      %dma_wait3A_615 = tpu.memref_slice %arg5[%mul3A_2, %dma_wait3A_614] : memref<16384x4096xf32, #tpu.memory_space<hbm>> -> memref<1x4096xf32, #tpu.memory_space<hbm>>
      %dma_wait3A_616 = tpu.memref_squeeze %dma_wait3A_615 : memref<1x4096xf32, #tpu.memory_space<hbm>> -> memref<4096xf32, #tpu.memory_space<hbm>>
      %dma_wait3A_617 = arith.constant 0 : i32
      %dma_wait3A_618 = tpu.memref_slice %arg6[%dma_wait3A_617] : memref<851968xf32, #tpu.memory_space<vmem_shared>> -> memref<4096xf32, #tpu.memory_space<vmem_shared>>
      tpu.wait_dma2 semaphore(%arg16 : memref<!tpu.dma_semaphore, #tpu.memory_space<semaphore_mem>>) src(%dma_wait3A_618 : memref<4096xf32, #tpu.memory_space<vmem_shared>>) dst(%dma_wait3A_616 : memref<4096xf32, #tpu.memory_space<hbm>>)
      %dma_wait3A_619 = arith.constant 0 : i32
      %dma_wait3A_620 = tpu.memref_slice %arg5[%mul3A_2, %dma_wait3A_619] : memref<16384x4096xf32, #tpu.memory_space<hbm>> -> memref<1x4096xf32, #tpu.memory_space<hbm>>
      %dma_wait3A_621 = tpu.memref_squeeze %dma_wait3A_620 : memref<1x4096xf32, #tpu.memory_space<hbm>> -> memref<4096xf32, #tpu.memory_space<hbm>>
      %dma_wait3A_622 = arith.constant 0 : i32
      %dma_wait3A_623 = tpu.memref_slice %arg6[%dma_wait3A_622] : memref<851968xf32, #tpu.memory_space<vmem_shared>> -> memref<4096xf32, #tpu.memory_space<vmem_shared>>
      tpu.wait_dma2 semaphore(%arg16 : memref<!tpu.dma_semaphore, #tpu.memory_space<semaphore_mem>>) src(%dma_wait3A_623 : memref<4096xf32, #tpu.memory_space<vmem_shared>>) dst(%dma_wait3A_621 : memref<4096xf32, #tpu.memory_space<hbm>>)
      %dma_wait3A_624 = arith.constant 0 : i32
      %dma_wait3A_625 = tpu.memref_slice %arg5[%mul3A_2, %dma_wait3A_624] : memref<16384x4096xf32, #tpu.memory_space<hbm>> -> memref<1x4096xf32, #tpu.memory_space<hbm>>
      %dma_wait3A_626 = tpu.memref_squeeze %dma_wait3A_625 : memref<1x4096xf32, #tpu.memory_space<hbm>> -> memref<4096xf32, #tpu.memory_space<hbm>>
      %dma_wait3A_627 = arith.constant 0 : i32
      %dma_wait3A_628 = tpu.memref_slice %arg6[%dma_wait3A_627] : memref<851968xf32, #tpu.memory_space<vmem_shared>> -> memref<4096xf32, #tpu.memory_space<vmem_shared>>
      tpu.wait_dma2 semaphore(%arg16 : memref<!tpu.dma_semaphore, #tpu.memory_space<semaphore_mem>>) src(%dma_wait3A_628 : memref<4096xf32, #tpu.memory_space<vmem_shared>>) dst(%dma_wait3A_626 : memref<4096xf32, #tpu.memory_space<hbm>>)
      %mul3A_629 = arith.constant 8 : i32
      %mul3A_630 = arith.muli %add3A_588, %mul3A_629 : i32
      %add3A_631 = arith.constant 0 : i32
      %add3A_632 = arith.addi %mul3A_630, %add3A_631 : i32
      %get3A_633 = arith.index_cast %add3A_632 : i32 to index
      %get3A_634 = memref.load %arg8[%get3A_633] : memref<512xi32, #tpu.memory_space<smem>>
      %mul3A_635 = arith.constant 4096 : i32
      %mul3A_636 = arith.muli %get3A_634, %mul3A_635 : i32
      %multiple_of3A_637 = tpu.assume_multiple %mul3A_636, 8 : i32
      %mul3A_638 = arith.constant 8 : i32
      %mul3A_639 = arith.muli %add3A_588, %mul3A_638 : i32
      %add3A_640 = arith.addi %mul3A_2, %mul3A_639 : i32
      %add3A_641 = arith.constant 0 : i32
      %add3A_642 = arith.addi %add3A_640, %add3A_641 : i32
      %dma_start3A_643 = arith.constant 0 : i32
      %dma_start3A_644 = tpu.memref_slice %arg5[%add3A_642, %dma_start3A_643] : memref<16384x4096xf32, #tpu.memory_space<hbm>> -> memref<1x4096xf32, #tpu.memory_space<hbm>>
      %dma_start3A_645 = tpu.memref_squeeze %dma_start3A_644 : memref<1x4096xf32, #tpu.memory_space<hbm>> -> memref<4096xf32, #tpu.memory_space<hbm>>
      %dma_start3A_646 = tpu.memref_slice %arg6[%multiple_of3A_637] : memref<851968xf32, #tpu.memory_space<vmem_shared>> -> memref<4096xf32, #tpu.memory_space<vmem_shared>>
      tpu.enqueue_dma source(%dma_start3A_646 : memref<4096xf32, #tpu.memory_space<vmem_shared>>) target(%dma_start3A_645 : memref<4096xf32, #tpu.memory_space<hbm>>) target_semaphore(%arg16 : memref<!tpu.dma_semaphore, #tpu.memory_space<semaphore_mem>>)
      %mul3A_647 = arith.constant 8 : i32
      %mul3A_648 = arith.muli %add3A_588, %mul3A_647 : i32
      %add3A_649 = arith.constant 1 : i32
      %add3A_650 = arith.addi %mul3A_648, %add3A_649 : i32
      %get3A_651 = arith.index_cast %add3A_650 : i32 to index
      %get3A_652 = memref.load %arg8[%get3A_651] : memref<512xi32, #tpu.memory_space<smem>>
      %mul3A_653 = arith.constant 4096 : i32
      %mul3A_654 = arith.muli %get3A_652, %mul3A_653 : i32
      %multiple_of3A_655 = tpu.assume_multiple %mul3A_654, 8 : i32
      %mul3A_656 = arith.constant 8 : i32
      %mul3A_657 = arith.muli %add3A_588, %mul3A_656 : i32
      %add3A_658 = arith.addi %mul3A_2, %mul3A_657 : i32
      %add3A_659 = arith.constant 1 : i32
      %add3A_660 = arith.addi %add3A_658, %add3A_659 : i32
      %dma_start3A_661 = arith.constant 0 : i32
      %dma_start3A_662 = tpu.memref_slice %arg5[%add3A_660, %dma_start3A_661] : memref<16384x4096xf32, #tpu.memory_space<hbm>> -> memref<1x4096xf32, #tpu.memory_space<hbm>>
      %dma_start3A_663 = tpu.memref_squeeze %dma_start3A_662 : memref<1x4096xf32, #tpu.memory_space<hbm>> -> memref<4096xf32, #tpu.memory_space<hbm>>
      %dma_start3A_664 = tpu.memref_slice %arg6[%multiple_of3A_655] : memref<851968xf32, #tpu.memory_space<vmem_shared>> -> memref<4096xf32, #tpu.memory_space<vmem_shared>>
      tpu.enqueue_dma source(%dma_start3A_664 : memref<4096xf32, #tpu.memory_space<vmem_shared>>) target(%dma_start3A_663 : memref<4096xf32, #tpu.memory_space<hbm>>) target_semaphore(%arg16 : memref<!tpu.dma_semaphore, #tpu.memory_space<semaphore_mem>>)
      %mul3A_665 = arith.constant 8 : i32
      %mul3A_666 = arith.muli %add3A_588, %mul3A_665 : i32
      %add3A_667 = arith.constant 2 : i32
      %add3A_668 = arith.addi %mul3A_666, %add3A_667 : i32
      %get3A_669 = arith.index_cast %add3A_668 : i32 to index
      %get3A_670 = memref.load %arg8[%get3A_669] : memref<512xi32, #tpu.memory_space<smem>>
      %mul3A_671 = arith.constant 4096 : i32
      %mul3A_672 = arith.muli %get3A_670, %mul3A_671 : i32
      %multiple_of3A_673 = tpu.assume_multiple %mul3A_672, 8 : i32
      %mul3A_674 = arith.constant 8 : i32
      %mul3A_675 = arith.muli %add3A_588, %mul3A_674 : i32
      %add3A_676 = arith.addi %mul3A_2, %mul3A_675 : i32
      %add3A_677 = arith.constant 2 : i32
      %add3A_678 = arith.addi %add3A_676, %add3A_677 : i32
      %dma_start3A_679 = arith.constant 0 : i32
      %dma_start3A_680 = tpu.memref_slice %arg5[%add3A_678, %dma_start3A_679] : memref<16384x4096xf32, #tpu.memory_space<hbm>> -> memref<1x4096xf32, #tpu.memory_space<hbm>>
      %dma_start3A_681 = tpu.memref_squeeze %dma_start3A_680 : memref<1x4096xf32, #tpu.memory_space<hbm>> -> memref<4096xf32, #tpu.memory_space<hbm>>
      %dma_start3A_682 = tpu.memref_slice %arg6[%multiple_of3A_673] : memref<851968xf32, #tpu.memory_space<vmem_shared>> -> memref<4096xf32, #tpu.memory_space<vmem_shared>>
      tpu.enqueue_dma source(%dma_start3A_682 : memref<4096xf32, #tpu.memory_space<vmem_shared>>) target(%dma_start3A_681 : memref<4096xf32, #tpu.memory_space<hbm>>) target_semaphore(%arg16 : memref<!tpu.dma_semaphore, #tpu.memory_space<semaphore_mem>>)
      %mul3A_683 = arith.constant 8 : i32
      %mul3A_684 = arith.muli %add3A_588, %mul3A_683 : i32
      %add3A_685 = arith.constant 3 : i32
      %add3A_686 = arith.addi %mul3A_684, %add3A_685 : i32
      %get3A_687 = arith.index_cast %add3A_686 : i32 to index
      %get3A_688 = memref.load %arg8[%get3A_687] : memref<512xi32, #tpu.memory_space<smem>>
      %mul3A_689 = arith.constant 4096 : i32
      %mul3A_690 = arith.muli %get3A_688, %mul3A_689 : i32
      %multiple_of3A_691 = tpu.assume_multiple %mul3A_690, 8 : i32
      %mul3A_692 = arith.constant 8 : i32
      %mul3A_693 = arith.muli %add3A_588, %mul3A_692 : i32
      %add3A_694 = arith.addi %mul3A_2, %mul3A_693 : i32
      %add3A_695 = arith.constant 3 : i32
      %add3A_696 = arith.addi %add3A_694, %add3A_695 : i32
      %dma_start3A_697 = arith.constant 0 : i32
      %dma_start3A_698 = tpu.memref_slice %arg5[%add3A_696, %dma_start3A_697] : memref<16384x4096xf32, #tpu.memory_space<hbm>> -> memref<1x4096xf32, #tpu.memory_space<hbm>>
      %dma_start3A_699 = tpu.memref_squeeze %dma_start3A_698 : memref<1x4096xf32, #tpu.memory_space<hbm>> -> memref<4096xf32, #tpu.memory_space<hbm>>
      %dma_start3A_700 = tpu.memref_slice %arg6[%multiple_of3A_691] : memref<851968xf32, #tpu.memory_space<vmem_shared>> -> memref<4096xf32, #tpu.memory_space<vmem_shared>>
      tpu.enqueue_dma source(%dma_start3A_700 : memref<4096xf32, #tpu.memory_space<vmem_shared>>) target(%dma_start3A_699 : memref<4096xf32, #tpu.memory_space<hbm>>) target_semaphore(%arg16 : memref<!tpu.dma_semaphore, #tpu.memory_space<semaphore_mem>>)
      %mul3A_701 = arith.constant 8 : i32
      %mul3A_702 = arith.muli %add3A_588, %mul3A_701 : i32
      %add3A_703 = arith.constant 4 : i32
      %add3A_704 = arith.addi %mul3A_702, %add3A_703 : i32
      %get3A_705 = arith.index_cast %add3A_704 : i32 to index
      %get3A_706 = memref.load %arg8[%get3A_705] : memref<512xi32, #tpu.memory_space<smem>>
      %mul3A_707 = arith.constant 4096 : i32
      %mul3A_708 = arith.muli %get3A_706, %mul3A_707 : i32
      %multiple_of3A_709 = tpu.assume_multiple %mul3A_708, 8 : i32
      %mul3A_710 = arith.constant 8 : i32
      %mul3A_711 = arith.muli %add3A_588, %mul3A_710 : i32
      %add3A_712 = arith.addi %mul3A_2, %mul3A_711 : i32
      %add3A_713 = arith.constant 4 : i32
      %add3A_714 = arith.addi %add3A_712, %add3A_713 : i32
      %dma_start3A_715 = arith.constant 0 : i32
      %dma_start3A_716 = tpu.memref_slice %arg5[%add3A_714, %dma_start3A_715] : memref<16384x4096xf32, #tpu.memory_space<hbm>> -> memref<1x4096xf32, #tpu.memory_space<hbm>>
      %dma_start3A_717 = tpu.memref_squeeze %dma_start3A_716 : memref<1x4096xf32, #tpu.memory_space<hbm>> -> memref<4096xf32, #tpu.memory_space<hbm>>
      %dma_start3A_718 = tpu.memref_slice %arg6[%multiple_of3A_709] : memref<851968xf32, #tpu.memory_space<vmem_shared>> -> memref<4096xf32, #tpu.memory_space<vmem_shared>>
      tpu.enqueue_dma source(%dma_start3A_718 : memref<4096xf32, #tpu.memory_space<vmem_shared>>) target(%dma_start3A_717 : memref<4096xf32, #tpu.memory_space<hbm>>) target_semaphore(%arg16 : memref<!tpu.dma_semaphore, #tpu.memory_space<semaphore_mem>>)
      %mul3A_719 = arith.constant 8 : i32
      %mul3A_720 = arith.muli %add3A_588, %mul3A_719 : i32
      %add3A_721 = arith.constant 5 : i32
      %add3A_722 = arith.addi %mul3A_720, %add3A_721 : i32
      %get3A_723 = arith.index_cast %add3A_722 : i32 to index
      %get3A_724 = memref.load %arg8[%get3A_723] : memref<512xi32, #tpu.memory_space<smem>>
      %mul3A_725 = arith.constant 4096 : i32
      %mul3A_726 = arith.muli %get3A_724, %mul3A_725 : i32
      %multiple_of3A_727 = tpu.assume_multiple %mul3A_726, 8 : i32
      %mul3A_728 = arith.constant 8 : i32
      %mul3A_729 = arith.muli %add3A_588, %mul3A_728 : i32
      %add3A_730 = arith.addi %mul3A_2, %mul3A_729 : i32
      %add3A_731 = arith.constant 5 : i32
      %add3A_732 = arith.addi %add3A_730, %add3A_731 : i32
      %dma_start3A_733 = arith.constant 0 : i32
      %dma_start3A_734 = tpu.memref_slice %arg5[%add3A_732, %dma_start3A_733] : memref<16384x4096xf32, #tpu.memory_space<hbm>> -> memref<1x4096xf32, #tpu.memory_space<hbm>>
      %dma_start3A_735 = tpu.memref_squeeze %dma_start3A_734 : memref<1x4096xf32, #tpu.memory_space<hbm>> -> memref<4096xf32, #tpu.memory_space<hbm>>
      %dma_start3A_736 = tpu.memref_slice %arg6[%multiple_of3A_727] : memref<851968xf32, #tpu.memory_space<vmem_shared>> -> memref<4096xf32, #tpu.memory_space<vmem_shared>>
      tpu.enqueue_dma source(%dma_start3A_736 : memref<4096xf32, #tpu.memory_space<vmem_shared>>) target(%dma_start3A_735 : memref<4096xf32, #tpu.memory_space<hbm>>) target_semaphore(%arg16 : memref<!tpu.dma_semaphore, #tpu.memory_space<semaphore_mem>>)
      %mul3A_737 = arith.constant 8 : i32
      %mul3A_738 = arith.muli %add3A_588, %mul3A_737 : i32
      %add3A_739 = arith.constant 6 : i32
      %add3A_740 = arith.addi %mul3A_738, %add3A_739 : i32
      %get3A_741 = arith.index_cast %add3A_740 : i32 to index
      %get3A_742 = memref.load %arg8[%get3A_741] : memref<512xi32, #tpu.memory_space<smem>>
      %mul3A_743 = arith.constant 4096 : i32
      %mul3A_744 = arith.muli %get3A_742, %mul3A_743 : i32
      %multiple_of3A_745 = tpu.assume_multiple %mul3A_744, 8 : i32
      %mul3A_746 = arith.constant 8 : i32
      %mul3A_747 = arith.muli %add3A_588, %mul3A_746 : i32
      %add3A_748 = arith.addi %mul3A_2, %mul3A_747 : i32
      %add3A_749 = arith.constant 6 : i32
      %add3A_750 = arith.addi %add3A_748, %add3A_749 : i32
      %dma_start3A_751 = arith.constant 0 : i32
      %dma_start3A_752 = tpu.memref_slice %arg5[%add3A_750, %dma_start3A_751] : memref<16384x4096xf32, #tpu.memory_space<hbm>> -> memref<1x4096xf32, #tpu.memory_space<hbm>>
      %dma_start3A_753 = tpu.memref_squeeze %dma_start3A_752 : memref<1x4096xf32, #tpu.memory_space<hbm>> -> memref<4096xf32, #tpu.memory_space<hbm>>
      %dma_start3A_754 = tpu.memref_slice %arg6[%multiple_of3A_745] : memref<851968xf32, #tpu.memory_space<vmem_shared>> -> memref<4096xf32, #tpu.memory_space<vmem_shared>>
      tpu.enqueue_dma source(%dma_start3A_754 : memref<4096xf32, #tpu.memory_space<vmem_shared>>) target(%dma_start3A_753 : memref<4096xf32, #tpu.memory_space<hbm>>) target_semaphore(%arg16 : memref<!tpu.dma_semaphore, #tpu.memory_space<semaphore_mem>>)
      %mul3A_755 = arith.constant 8 : i32
      %mul3A_756 = arith.muli %add3A_588, %mul3A_755 : i32
      %add3A_757 = arith.constant 7 : i32
      %add3A_758 = arith.addi %mul3A_756, %add3A_757 : i32
      %get3A_759 = arith.index_cast %add3A_758 : i32 to index
      %get3A_760 = memref.load %arg8[%get3A_759] : memref<512xi32, #tpu.memory_space<smem>>
      %mul3A_761 = arith.constant 4096 : i32
      %mul3A_762 = arith.muli %get3A_760, %mul3A_761 : i32
      %multiple_of3A_763 = tpu.assume_multiple %mul3A_762, 8 : i32
      %mul3A_764 = arith.constant 8 : i32
      %mul3A_765 = arith.muli %add3A_588, %mul3A_764 : i32
      %add3A_766 = arith.addi %mul3A_2, %mul3A_765 : i32
      %add3A_767 = arith.constant 7 : i32
      %add3A_768 = arith.addi %add3A_766, %add3A_767 : i32
      %dma_start3A_769 = arith.constant 0 : i32
      %dma_start3A_770 = tpu.memref_slice %arg5[%add3A_768, %dma_start3A_769] : memref<16384x4096xf32, #tpu.memory_space<hbm>> -> memref<1x4096xf32, #tpu.memory_space<hbm>>
      %dma_start3A_771 = tpu.memref_squeeze %dma_start3A_770 : memref<1x4096xf32, #tpu.memory_space<hbm>> -> memref<4096xf32, #tpu.memory_space<hbm>>
      %dma_start3A_772 = tpu.memref_slice %arg6[%multiple_of3A_763] : memref<851968xf32, #tpu.memory_space<vmem_shared>> -> memref<4096xf32, #tpu.memory_space<vmem_shared>>
      tpu.enqueue_dma source(%dma_start3A_772 : memref<4096xf32, #tpu.memory_space<vmem_shared>>) target(%dma_start3A_771 : memref<4096xf32, #tpu.memory_space<hbm>>) target_semaphore(%arg16 : memref<!tpu.dma_semaphore, #tpu.memory_space<semaphore_mem>>)
      %mul3A_773 = arith.constant 16 : i32
      %mul3A_774 = arith.muli %scan3A_119, %mul3A_773 : i32
      %add3A_775 = arith.constant 8 : i32
      %add3A_776 = arith.addi %mul3A_774, %add3A_775 : i32
      %multiple_of3A_777 = tpu.assume_multiple %mul3A_2, 8 : i32
      %dma_wait3A_778 = arith.constant 0 : i32
      %dma_wait3A_779 = tpu.memref_slice %arg5[%multiple_of3A_777, %dma_wait3A_778] : memref<16384x4096xf32, #tpu.memory_space<hbm>> -> memref<8x4096xf32, #tpu.memory_space<hbm>>
      %dma_wait3A_780 = arith.constant 0 : i32
      %dma_wait3A_781 = tpu.memref_slice %arg5[%multiple_of3A_777, %dma_wait3A_780] : memref<16384x4096xf32, #tpu.memory_space<hbm>> -> memref<8x4096xf32, #tpu.memory_space<hbm>>
      tpu.wait_dma2 semaphore(%arg15 : memref<!tpu.dma_semaphore, #tpu.memory_space<semaphore_mem>>) src(%arg11 : memref<8x4096xf32, #tpu.memory_space<vmem>>) dst(%dma_wait3A_781 : memref<8x4096xf32, #tpu.memory_space<hbm>>)
      %mul3A_782 = arith.constant 8 : i32
      %mul3A_783 = arith.muli %add3A_776, %mul3A_782 : i32
      %multiple_of3A_784 = tpu.assume_multiple %mul3A_783, 8 : i32
      %dma_start3A_785 = tpu.memref_slice %arg9[%multiple_of3A_784] : memref<512xi32, #tpu.memory_space<vmem>> -> memref<8xi32, #tpu.memory_space<vmem>>
      %dma_start3A_786 = arith.constant 0 : i32
      %dma_start3A_787 = arith.constant 0 : i32
      %dma_start3A_788 = tpu.memref_slice %arg4[%dma_start3A_786, %dma_start3A_787] : memref<208x4096xf32, #tpu.memory_space<hbm>> -> memref<208x4096xf32, #tpu.memory_space<hbm>>
      tpu.enqueue_indirect_dma source(%dma_start3A_788 : memref<208x4096xf32, #tpu.memory_space<hbm>>) target(%arg11 : memref<8x4096xf32, #tpu.memory_space<vmem>>) offsets(%dma_start3A_785 : memref<8xi32, #tpu.memory_space<vmem>>) semaphore(%arg13 : memref<!tpu.dma_semaphore, #tpu.memory_space<semaphore_mem>>)
      %mul3A_789 = arith.constant 16 : i32
      %mul3A_790 = arith.muli %scan3A_119, %mul3A_789 : i32
      %add3A_791 = arith.constant 6 : i32
      %add3A_792 = arith.addi %mul3A_790, %add3A_791 : i32
      %mul3A_793 = arith.constant 8 : i32
      %mul3A_794 = arith.muli %add3A_792, %mul3A_793 : i32
      %multiple_of3A_795 = tpu.assume_multiple %mul3A_794, 8 : i32
      %dma_wait3A_796 = tpu.memref_slice %arg9[%multiple_of3A_795] : memref<512xi32, #tpu.memory_space<vmem>> -> memref<8xi32, #tpu.memory_space<vmem>>
      %dma_wait3A_797 = arith.constant 0 : i32
      %dma_wait3A_798 = arith.constant 0 : i32
      %dma_wait3A_799 = tpu.memref_slice %arg4[%dma_wait3A_797, %dma_wait3A_798] : memref<208x4096xf32, #tpu.memory_space<hbm>> -> memref<208x4096xf32, #tpu.memory_space<hbm>>
      tpu.wait_indirect_dma semaphore(%arg12 : memref<!tpu.dma_semaphore, #tpu.memory_space<semaphore_mem>>) src(%dma_wait3A_799 : memref<208x4096xf32, #tpu.memory_space<hbm>>) dst(%arg10 : memref<8x4096xf32, #tpu.memory_space<vmem>>)
      %mul3A_800 = arith.constant 8 : i32
      %mul3A_801 = arith.muli %add3A_792, %mul3A_800 : i32
      %add3A_802 = arith.addi %mul3A_2, %mul3A_801 : i32
      %multiple_of3A_803 = tpu.assume_multiple %add3A_802, 8 : i32
      %dma_start3A_804 = arith.constant 0 : i32
      %dma_start3A_805 = tpu.memref_slice %arg5[%multiple_of3A_803, %dma_start3A_804] : memref<16384x4096xf32, #tpu.memory_space<hbm>> -> memref<8x4096xf32, #tpu.memory_space<hbm>>
      %dma_start3A_806 = arith.constant 0 : i32
      %dma_start3A_807 = tpu.memref_slice %arg5[%multiple_of3A_803, %dma_start3A_806] : memref<16384x4096xf32, #tpu.memory_space<hbm>> -> memref<8x4096xf32, #tpu.memory_space<hbm>>
      tpu.enqueue_dma source(%arg10 : memref<8x4096xf32, #tpu.memory_space<vmem>>) target(%dma_start3A_807 : memref<8x4096xf32, #tpu.memory_space<hbm>>) target_semaphore(%arg14 : memref<!tpu.dma_semaphore, #tpu.memory_space<semaphore_mem>>)
      %mul3A_808 = arith.constant 16 : i32
      %mul3A_809 = arith.muli %scan3A_119, %mul3A_808 : i32
      %add3A_810 = arith.constant 9 : i32
      %add3A_811 = arith.addi %mul3A_809, %add3A_810 : i32
      %multiple_of3A_812 = tpu.assume_multiple %mul3A_2, 8 : i32
      %dma_wait3A_813 = arith.constant 0 : i32
      %dma_wait3A_814 = tpu.memref_slice %arg5[%multiple_of3A_812, %dma_wait3A_813] : memref<16384x4096xf32, #tpu.memory_space<hbm>> -> memref<8x4096xf32, #tpu.memory_space<hbm>>
      %dma_wait3A_815 = arith.constant 0 : i32
      %dma_wait3A_816 = tpu.memref_slice %arg5[%multiple_of3A_812, %dma_wait3A_815] : memref<16384x4096xf32, #tpu.memory_space<hbm>> -> memref<8x4096xf32, #tpu.memory_space<hbm>>
      tpu.wait_dma2 semaphore(%arg14 : memref<!tpu.dma_semaphore, #tpu.memory_space<semaphore_mem>>) src(%arg10 : memref<8x4096xf32, #tpu.memory_space<vmem>>) dst(%dma_wait3A_816 : memref<8x4096xf32, #tpu.memory_space<hbm>>)
      %mul3A_817 = arith.constant 8 : i32
      %mul3A_818 = arith.muli %add3A_811, %mul3A_817 : i32
      %multiple_of3A_819 = tpu.assume_multiple %mul3A_818, 8 : i32
      %dma_start3A_820 = tpu.memref_slice %arg9[%multiple_of3A_819] : memref<512xi32, #tpu.memory_space<vmem>> -> memref<8xi32, #tpu.memory_space<vmem>>
      %dma_start3A_821 = arith.constant 0 : i32
      %dma_start3A_822 = arith.constant 0 : i32
      %dma_start3A_823 = tpu.memref_slice %arg4[%dma_start3A_821, %dma_start3A_822] : memref<208x4096xf32, #tpu.memory_space<hbm>> -> memref<208x4096xf32, #tpu.memory_space<hbm>>
      tpu.enqueue_indirect_dma source(%dma_start3A_823 : memref<208x4096xf32, #tpu.memory_space<hbm>>) target(%arg10 : memref<8x4096xf32, #tpu.memory_space<vmem>>) offsets(%dma_start3A_820 : memref<8xi32, #tpu.memory_space<vmem>>) semaphore(%arg12 : memref<!tpu.dma_semaphore, #tpu.memory_space<semaphore_mem>>)
      %mul3A_824 = arith.constant 16 : i32
      %mul3A_825 = arith.muli %scan3A_119, %mul3A_824 : i32
      %add3A_826 = arith.constant 8 : i32
      %add3A_827 = arith.addi %mul3A_825, %add3A_826 : i32
      %mul3A_828 = arith.constant 8 : i32
      %mul3A_829 = arith.muli %add3A_827, %mul3A_828 : i32
      %multiple_of3A_830 = tpu.assume_multiple %mul3A_829, 8 : i32
      %dma_wait3A_831 = tpu.memref_slice %arg9[%multiple_of3A_830] : memref<512xi32, #tpu.memory_space<vmem>> -> memref<8xi32, #tpu.memory_space<vmem>>
      %dma_wait3A_832 = arith.constant 0 : i32
      %dma_wait3A_833 = arith.constant 0 : i32
      %dma_wait3A_834 = tpu.memref_slice %arg4[%dma_wait3A_832, %dma_wait3A_833] : memref<208x4096xf32, #tpu.memory_space<hbm>> -> memref<208x4096xf32, #tpu.memory_space<hbm>>
      tpu.wait_indirect_dma semaphore(%arg13 : memref<!tpu.dma_semaphore, #tpu.memory_space<semaphore_mem>>) src(%dma_wait3A_834 : memref<208x4096xf32, #tpu.memory_space<hbm>>) dst(%arg11 : memref<8x4096xf32, #tpu.memory_space<vmem>>)
      %mul3A_835 = arith.constant 8 : i32
      %mul3A_836 = arith.muli %add3A_827, %mul3A_835 : i32
      %add3A_837 = arith.addi %mul3A_2, %mul3A_836 : i32
      %multiple_of3A_838 = tpu.assume_multiple %add3A_837, 8 : i32
      %dma_start3A_839 = arith.constant 0 : i32
      %dma_start3A_840 = tpu.memref_slice %arg5[%multiple_of3A_838, %dma_start3A_839] : memref<16384x4096xf32, #tpu.memory_space<hbm>> -> memref<8x4096xf32, #tpu.memory_space<hbm>>
      %dma_start3A_841 = arith.constant 0 : i32
      %dma_start3A_842 = tpu.memref_slice %arg5[%multiple_of3A_838, %dma_start3A_841] : memref<16384x4096xf32, #tpu.memory_space<hbm>> -> memref<8x4096xf32, #tpu.memory_space<hbm>>
      tpu.enqueue_dma source(%arg11 : memref<8x4096xf32, #tpu.memory_space<vmem>>) target(%dma_start3A_842 : memref<8x4096xf32, #tpu.memory_space<hbm>>) target_semaphore(%arg15 : memref<!tpu.dma_semaphore, #tpu.memory_space<semaphore_mem>>)
      %mul3A_843 = arith.constant 16 : i32
      %mul3A_844 = arith.muli %scan3A_119, %mul3A_843 : i32
      %add3A_845 = arith.constant 10 : i32
      %add3A_846 = arith.addi %mul3A_844, %add3A_845 : i32
      %dma_wait3A_847 = arith.constant 0 : i32
      %dma_wait3A_848 = tpu.memref_slice %arg5[%mul3A_2, %dma_wait3A_847] : memref<16384x4096xf32, #tpu.memory_space<hbm>> -> memref<1x4096xf32, #tpu.memory_space<hbm>>
      %dma_wait3A_849 = tpu.memref_squeeze %dma_wait3A_848 : memref<1x4096xf32, #tpu.memory_space<hbm>> -> memref<4096xf32, #tpu.memory_space<hbm>>
      %dma_wait3A_850 = arith.constant 0 : i32
      %dma_wait3A_851 = tpu.memref_slice %arg6[%dma_wait3A_850] : memref<851968xf32, #tpu.memory_space<vmem_shared>> -> memref<4096xf32, #tpu.memory_space<vmem_shared>>
      tpu.wait_dma2 semaphore(%arg16 : memref<!tpu.dma_semaphore, #tpu.memory_space<semaphore_mem>>) src(%dma_wait3A_851 : memref<4096xf32, #tpu.memory_space<vmem_shared>>) dst(%dma_wait3A_849 : memref<4096xf32, #tpu.memory_space<hbm>>)
      %dma_wait3A_852 = arith.constant 0 : i32
      %dma_wait3A_853 = tpu.memref_slice %arg5[%mul3A_2, %dma_wait3A_852] : memref<16384x4096xf32, #tpu.memory_space<hbm>> -> memref<1x4096xf32, #tpu.memory_space<hbm>>
      %dma_wait3A_854 = tpu.memref_squeeze %dma_wait3A_853 : memref<1x4096xf32, #tpu.memory_space<hbm>> -> memref<4096xf32, #tpu.memory_space<hbm>>
      %dma_wait3A_855 = arith.constant 0 : i32
      %dma_wait3A_856 = tpu.memref_slice %arg6[%dma_wait3A_855] : memref<851968xf32, #tpu.memory_space<vmem_shared>> -> memref<4096xf32, #tpu.memory_space<vmem_shared>>
      tpu.wait_dma2 semaphore(%arg16 : memref<!tpu.dma_semaphore, #tpu.memory_space<semaphore_mem>>) src(%dma_wait3A_856 : memref<4096xf32, #tpu.memory_space<vmem_shared>>) dst(%dma_wait3A_854 : memref<4096xf32, #tpu.memory_space<hbm>>)
      %dma_wait3A_857 = arith.constant 0 : i32
      %dma_wait3A_858 = tpu.memref_slice %arg5[%mul3A_2, %dma_wait3A_857] : memref<16384x4096xf32, #tpu.memory_space<hbm>> -> memref<1x4096xf32, #tpu.memory_space<hbm>>
      %dma_wait3A_859 = tpu.memref_squeeze %dma_wait3A_858 : memref<1x4096xf32, #tpu.memory_space<hbm>> -> memref<4096xf32, #tpu.memory_space<hbm>>
      %dma_wait3A_860 = arith.constant 0 : i32
      %dma_wait3A_861 = tpu.memref_slice %arg6[%dma_wait3A_860] : memref<851968xf32, #tpu.memory_space<vmem_shared>> -> memref<4096xf32, #tpu.memory_space<vmem_shared>>
      tpu.wait_dma2 semaphore(%arg16 : memref<!tpu.dma_semaphore, #tpu.memory_space<semaphore_mem>>) src(%dma_wait3A_861 : memref<4096xf32, #tpu.memory_space<vmem_shared>>) dst(%dma_wait3A_859 : memref<4096xf32, #tpu.memory_space<hbm>>)
      %dma_wait3A_862 = arith.constant 0 : i32
      %dma_wait3A_863 = tpu.memref_slice %arg5[%mul3A_2, %dma_wait3A_862] : memref<16384x4096xf32, #tpu.memory_space<hbm>> -> memref<1x4096xf32, #tpu.memory_space<hbm>>
      %dma_wait3A_864 = tpu.memref_squeeze %dma_wait3A_863 : memref<1x4096xf32, #tpu.memory_space<hbm>> -> memref<4096xf32, #tpu.memory_space<hbm>>
      %dma_wait3A_865 = arith.constant 0 : i32
      %dma_wait3A_866 = tpu.memref_slice %arg6[%dma_wait3A_865] : memref<851968xf32, #tpu.memory_space<vmem_shared>> -> memref<4096xf32, #tpu.memory_space<vmem_shared>>
      tpu.wait_dma2 semaphore(%arg16 : memref<!tpu.dma_semaphore, #tpu.memory_space<semaphore_mem>>) src(%dma_wait3A_866 : memref<4096xf32, #tpu.memory_space<vmem_shared>>) dst(%dma_wait3A_864 : memref<4096xf32, #tpu.memory_space<hbm>>)
      %dma_wait3A_867 = arith.constant 0 : i32
      %dma_wait3A_868 = tpu.memref_slice %arg5[%mul3A_2, %dma_wait3A_867] : memref<16384x4096xf32, #tpu.memory_space<hbm>> -> memref<1x4096xf32, #tpu.memory_space<hbm>>
      %dma_wait3A_869 = tpu.memref_squeeze %dma_wait3A_868 : memref<1x4096xf32, #tpu.memory_space<hbm>> -> memref<4096xf32, #tpu.memory_space<hbm>>
      %dma_wait3A_870 = arith.constant 0 : i32
      %dma_wait3A_871 = tpu.memref_slice %arg6[%dma_wait3A_870] : memref<851968xf32, #tpu.memory_space<vmem_shared>> -> memref<4096xf32, #tpu.memory_space<vmem_shared>>
      tpu.wait_dma2 semaphore(%arg16 : memref<!tpu.dma_semaphore, #tpu.memory_space<semaphore_mem>>) src(%dma_wait3A_871 : memref<4096xf32, #tpu.memory_space<vmem_shared>>) dst(%dma_wait3A_869 : memref<4096xf32, #tpu.memory_space<hbm>>)
      %dma_wait3A_872 = arith.constant 0 : i32
      %dma_wait3A_873 = tpu.memref_slice %arg5[%mul3A_2, %dma_wait3A_872] : memref<16384x4096xf32, #tpu.memory_space<hbm>> -> memref<1x4096xf32, #tpu.memory_space<hbm>>
      %dma_wait3A_874 = tpu.memref_squeeze %dma_wait3A_873 : memref<1x4096xf32, #tpu.memory_space<hbm>> -> memref<4096xf32, #tpu.memory_space<hbm>>
      %dma_wait3A_875 = arith.constant 0 : i32
      %dma_wait3A_876 = tpu.memref_slice %arg6[%dma_wait3A_875] : memref<851968xf32, #tpu.memory_space<vmem_shared>> -> memref<4096xf32, #tpu.memory_space<vmem_shared>>
      tpu.wait_dma2 semaphore(%arg16 : memref<!tpu.dma_semaphore, #tpu.memory_space<semaphore_mem>>) src(%dma_wait3A_876 : memref<4096xf32, #tpu.memory_space<vmem_shared>>) dst(%dma_wait3A_874 : memref<4096xf32, #tpu.memory_space<hbm>>)
      %dma_wait3A_877 = arith.constant 0 : i32
      %dma_wait3A_878 = tpu.memref_slice %arg5[%mul3A_2, %dma_wait3A_877] : memref<16384x4096xf32, #tpu.memory_space<hbm>> -> memref<1x4096xf32, #tpu.memory_space<hbm>>
      %dma_wait3A_879 = tpu.memref_squeeze %dma_wait3A_878 : memref<1x4096xf32, #tpu.memory_space<hbm>> -> memref<4096xf32, #tpu.memory_space<hbm>>
      %dma_wait3A_880 = arith.constant 0 : i32
      %dma_wait3A_881 = tpu.memref_slice %arg6[%dma_wait3A_880] : memref<851968xf32, #tpu.memory_space<vmem_shared>> -> memref<4096xf32, #tpu.memory_space<vmem_shared>>
      tpu.wait_dma2 semaphore(%arg16 : memref<!tpu.dma_semaphore, #tpu.memory_space<semaphore_mem>>) src(%dma_wait3A_881 : memref<4096xf32, #tpu.memory_space<vmem_shared>>) dst(%dma_wait3A_879 : memref<4096xf32, #tpu.memory_space<hbm>>)
      %dma_wait3A_882 = arith.constant 0 : i32
      %dma_wait3A_883 = tpu.memref_slice %arg5[%mul3A_2, %dma_wait3A_882] : memref<16384x4096xf32, #tpu.memory_space<hbm>> -> memref<1x4096xf32, #tpu.memory_space<hbm>>
      %dma_wait3A_884 = tpu.memref_squeeze %dma_wait3A_883 : memref<1x4096xf32, #tpu.memory_space<hbm>> -> memref<4096xf32, #tpu.memory_space<hbm>>
      %dma_wait3A_885 = arith.constant 0 : i32
      %dma_wait3A_886 = tpu.memref_slice %arg6[%dma_wait3A_885] : memref<851968xf32, #tpu.memory_space<vmem_shared>> -> memref<4096xf32, #tpu.memory_space<vmem_shared>>
      tpu.wait_dma2 semaphore(%arg16 : memref<!tpu.dma_semaphore, #tpu.memory_space<semaphore_mem>>) src(%dma_wait3A_886 : memref<4096xf32, #tpu.memory_space<vmem_shared>>) dst(%dma_wait3A_884 : memref<4096xf32, #tpu.memory_space<hbm>>)
      %mul3A_887 = arith.constant 8 : i32
      %mul3A_888 = arith.muli %add3A_846, %mul3A_887 : i32
      %add3A_889 = arith.constant 0 : i32
      %add3A_890 = arith.addi %mul3A_888, %add3A_889 : i32
      %get3A_891 = arith.index_cast %add3A_890 : i32 to index
      %get3A_892 = memref.load %arg8[%get3A_891] : memref<512xi32, #tpu.memory_space<smem>>
      %mul3A_893 = arith.constant 4096 : i32
      %mul3A_894 = arith.muli %get3A_892, %mul3A_893 : i32
      %multiple_of3A_895 = tpu.assume_multiple %mul3A_894, 8 : i32
      %mul3A_896 = arith.constant 8 : i32
      %mul3A_897 = arith.muli %add3A_846, %mul3A_896 : i32
      %add3A_898 = arith.addi %mul3A_2, %mul3A_897 : i32
      %add3A_899 = arith.constant 0 : i32
      %add3A_900 = arith.addi %add3A_898, %add3A_899 : i32
      %dma_start3A_901 = arith.constant 0 : i32
      %dma_start3A_902 = tpu.memref_slice %arg5[%add3A_900, %dma_start3A_901] : memref<16384x4096xf32, #tpu.memory_space<hbm>> -> memref<1x4096xf32, #tpu.memory_space<hbm>>
      %dma_start3A_903 = tpu.memref_squeeze %dma_start3A_902 : memref<1x4096xf32, #tpu.memory_space<hbm>> -> memref<4096xf32, #tpu.memory_space<hbm>>
      %dma_start3A_904 = tpu.memref_slice %arg6[%multiple_of3A_895] : memref<851968xf32, #tpu.memory_space<vmem_shared>> -> memref<4096xf32, #tpu.memory_space<vmem_shared>>
      tpu.enqueue_dma source(%dma_start3A_904 : memref<4096xf32, #tpu.memory_space<vmem_shared>>) target(%dma_start3A_903 : memref<4096xf32, #tpu.memory_space<hbm>>) target_semaphore(%arg16 : memref<!tpu.dma_semaphore, #tpu.memory_space<semaphore_mem>>)
      %mul3A_905 = arith.constant 8 : i32
      %mul3A_906 = arith.muli %add3A_846, %mul3A_905 : i32
      %add3A_907 = arith.constant 1 : i32
      %add3A_908 = arith.addi %mul3A_906, %add3A_907 : i32
      %get3A_909 = arith.index_cast %add3A_908 : i32 to index
      %get3A_910 = memref.load %arg8[%get3A_909] : memref<512xi32, #tpu.memory_space<smem>>
      %mul3A_911 = arith.constant 4096 : i32
      %mul3A_912 = arith.muli %get3A_910, %mul3A_911 : i32
      %multiple_of3A_913 = tpu.assume_multiple %mul3A_912, 8 : i32
      %mul3A_914 = arith.constant 8 : i32
      %mul3A_915 = arith.muli %add3A_846, %mul3A_914 : i32
      %add3A_916 = arith.addi %mul3A_2, %mul3A_915 : i32
      %add3A_917 = arith.constant 1 : i32
      %add3A_918 = arith.addi %add3A_916, %add3A_917 : i32
      %dma_start3A_919 = arith.constant 0 : i32
      %dma_start3A_920 = tpu.memref_slice %arg5[%add3A_918, %dma_start3A_919] : memref<16384x4096xf32, #tpu.memory_space<hbm>> -> memref<1x4096xf32, #tpu.memory_space<hbm>>
      %dma_start3A_921 = tpu.memref_squeeze %dma_start3A_920 : memref<1x4096xf32, #tpu.memory_space<hbm>> -> memref<4096xf32, #tpu.memory_space<hbm>>
      %dma_start3A_922 = tpu.memref_slice %arg6[%multiple_of3A_913] : memref<851968xf32, #tpu.memory_space<vmem_shared>> -> memref<4096xf32, #tpu.memory_space<vmem_shared>>
      tpu.enqueue_dma source(%dma_start3A_922 : memref<4096xf32, #tpu.memory_space<vmem_shared>>) target(%dma_start3A_921 : memref<4096xf32, #tpu.memory_space<hbm>>) target_semaphore(%arg16 : memref<!tpu.dma_semaphore, #tpu.memory_space<semaphore_mem>>)
      %mul3A_923 = arith.constant 8 : i32
      %mul3A_924 = arith.muli %add3A_846, %mul3A_923 : i32
      %add3A_925 = arith.constant 2 : i32
      %add3A_926 = arith.addi %mul3A_924, %add3A_925 : i32
      %get3A_927 = arith.index_cast %add3A_926 : i32 to index
      %get3A_928 = memref.load %arg8[%get3A_927] : memref<512xi32, #tpu.memory_space<smem>>
      %mul3A_929 = arith.constant 4096 : i32
      %mul3A_930 = arith.muli %get3A_928, %mul3A_929 : i32
      %multiple_of3A_931 = tpu.assume_multiple %mul3A_930, 8 : i32
      %mul3A_932 = arith.constant 8 : i32
      %mul3A_933 = arith.muli %add3A_846, %mul3A_932 : i32
      %add3A_934 = arith.addi %mul3A_2, %mul3A_933 : i32
      %add3A_935 = arith.constant 2 : i32
      %add3A_936 = arith.addi %add3A_934, %add3A_935 : i32
      %dma_start3A_937 = arith.constant 0 : i32
      %dma_start3A_938 = tpu.memref_slice %arg5[%add3A_936, %dma_start3A_937] : memref<16384x4096xf32, #tpu.memory_space<hbm>> -> memref<1x4096xf32, #tpu.memory_space<hbm>>
      %dma_start3A_939 = tpu.memref_squeeze %dma_start3A_938 : memref<1x4096xf32, #tpu.memory_space<hbm>> -> memref<4096xf32, #tpu.memory_space<hbm>>
      %dma_start3A_940 = tpu.memref_slice %arg6[%multiple_of3A_931] : memref<851968xf32, #tpu.memory_space<vmem_shared>> -> memref<4096xf32, #tpu.memory_space<vmem_shared>>
      tpu.enqueue_dma source(%dma_start3A_940 : memref<4096xf32, #tpu.memory_space<vmem_shared>>) target(%dma_start3A_939 : memref<4096xf32, #tpu.memory_space<hbm>>) target_semaphore(%arg16 : memref<!tpu.dma_semaphore, #tpu.memory_space<semaphore_mem>>)
      %mul3A_941 = arith.constant 8 : i32
      %mul3A_942 = arith.muli %add3A_846, %mul3A_941 : i32
      %add3A_943 = arith.constant 3 : i32
      %add3A_944 = arith.addi %mul3A_942, %add3A_943 : i32
      %get3A_945 = arith.index_cast %add3A_944 : i32 to index
      %get3A_946 = memref.load %arg8[%get3A_945] : memref<512xi32, #tpu.memory_space<smem>>
      %mul3A_947 = arith.constant 4096 : i32
      %mul3A_948 = arith.muli %get3A_946, %mul3A_947 : i32
      %multiple_of3A_949 = tpu.assume_multiple %mul3A_948, 8 : i32
      %mul3A_950 = arith.constant 8 : i32
      %mul3A_951 = arith.muli %add3A_846, %mul3A_950 : i32
      %add3A_952 = arith.addi %mul3A_2, %mul3A_951 : i32
      %add3A_953 = arith.constant 3 : i32
      %add3A_954 = arith.addi %add3A_952, %add3A_953 : i32
      %dma_start3A_955 = arith.constant 0 : i32
      %dma_start3A_956 = tpu.memref_slice %arg5[%add3A_954, %dma_start3A_955] : memref<16384x4096xf32, #tpu.memory_space<hbm>> -> memref<1x4096xf32, #tpu.memory_space<hbm>>
      %dma_start3A_957 = tpu.memref_squeeze %dma_start3A_956 : memref<1x4096xf32, #tpu.memory_space<hbm>> -> memref<4096xf32, #tpu.memory_space<hbm>>
      %dma_start3A_958 = tpu.memref_slice %arg6[%multiple_of3A_949] : memref<851968xf32, #tpu.memory_space<vmem_shared>> -> memref<4096xf32, #tpu.memory_space<vmem_shared>>
      tpu.enqueue_dma source(%dma_start3A_958 : memref<4096xf32, #tpu.memory_space<vmem_shared>>) target(%dma_start3A_957 : memref<4096xf32, #tpu.memory_space<hbm>>) target_semaphore(%arg16 : memref<!tpu.dma_semaphore, #tpu.memory_space<semaphore_mem>>)
      %mul3A_959 = arith.constant 8 : i32
      %mul3A_960 = arith.muli %add3A_846, %mul3A_959 : i32
      %add3A_961 = arith.constant 4 : i32
      %add3A_962 = arith.addi %mul3A_960, %add3A_961 : i32
      %get3A_963 = arith.index_cast %add3A_962 : i32 to index
      %get3A_964 = memref.load %arg8[%get3A_963] : memref<512xi32, #tpu.memory_space<smem>>
      %mul3A_965 = arith.constant 4096 : i32
      %mul3A_966 = arith.muli %get3A_964, %mul3A_965 : i32
      %multiple_of3A_967 = tpu.assume_multiple %mul3A_966, 8 : i32
      %mul3A_968 = arith.constant 8 : i32
      %mul3A_969 = arith.muli %add3A_846, %mul3A_968 : i32
      %add3A_970 = arith.addi %mul3A_2, %mul3A_969 : i32
      %add3A_971 = arith.constant 4 : i32
      %add3A_972 = arith.addi %add3A_970, %add3A_971 : i32
      %dma_start3A_973 = arith.constant 0 : i32
      %dma_start3A_974 = tpu.memref_slice %arg5[%add3A_972, %dma_start3A_973] : memref<16384x4096xf32, #tpu.memory_space<hbm>> -> memref<1x4096xf32, #tpu.memory_space<hbm>>
      %dma_start3A_975 = tpu.memref_squeeze %dma_start3A_974 : memref<1x4096xf32, #tpu.memory_space<hbm>> -> memref<4096xf32, #tpu.memory_space<hbm>>
      %dma_start3A_976 = tpu.memref_slice %arg6[%multiple_of3A_967] : memref<851968xf32, #tpu.memory_space<vmem_shared>> -> memref<4096xf32, #tpu.memory_space<vmem_shared>>
      tpu.enqueue_dma source(%dma_start3A_976 : memref<4096xf32, #tpu.memory_space<vmem_shared>>) target(%dma_start3A_975 : memref<4096xf32, #tpu.memory_space<hbm>>) target_semaphore(%arg16 : memref<!tpu.dma_semaphore, #tpu.memory_space<semaphore_mem>>)
      %mul3A_977 = arith.constant 8 : i32
      %mul3A_978 = arith.muli %add3A_846, %mul3A_977 : i32
      %add3A_979 = arith.constant 5 : i32
      %add3A_980 = arith.addi %mul3A_978, %add3A_979 : i32
      %get3A_981 = arith.index_cast %add3A_980 : i32 to index
      %get3A_982 = memref.load %arg8[%get3A_981] : memref<512xi32, #tpu.memory_space<smem>>
      %mul3A_983 = arith.constant 4096 : i32
      %mul3A_984 = arith.muli %get3A_982, %mul3A_983 : i32
      %multiple_of3A_985 = tpu.assume_multiple %mul3A_984, 8 : i32
      %mul3A_986 = arith.constant 8 : i32
      %mul3A_987 = arith.muli %add3A_846, %mul3A_986 : i32
      %add3A_988 = arith.addi %mul3A_2, %mul3A_987 : i32
      %add3A_989 = arith.constant 5 : i32
      %add3A_990 = arith.addi %add3A_988, %add3A_989 : i32
      %dma_start3A_991 = arith.constant 0 : i32
      %dma_start3A_992 = tpu.memref_slice %arg5[%add3A_990, %dma_start3A_991] : memref<16384x4096xf32, #tpu.memory_space<hbm>> -> memref<1x4096xf32, #tpu.memory_space<hbm>>
      %dma_start3A_993 = tpu.memref_squeeze %dma_start3A_992 : memref<1x4096xf32, #tpu.memory_space<hbm>> -> memref<4096xf32, #tpu.memory_space<hbm>>
      %dma_start3A_994 = tpu.memref_slice %arg6[%multiple_of3A_985] : memref<851968xf32, #tpu.memory_space<vmem_shared>> -> memref<4096xf32, #tpu.memory_space<vmem_shared>>
      tpu.enqueue_dma source(%dma_start3A_994 : memref<4096xf32, #tpu.memory_space<vmem_shared>>) target(%dma_start3A_993 : memref<4096xf32, #tpu.memory_space<hbm>>) target_semaphore(%arg16 : memref<!tpu.dma_semaphore, #tpu.memory_space<semaphore_mem>>)
      %mul3A_995 = arith.constant 8 : i32
      %mul3A_996 = arith.muli %add3A_846, %mul3A_995 : i32
      %add3A_997 = arith.constant 6 : i32
      %add3A_998 = arith.addi %mul3A_996, %add3A_997 : i32
      %get3A_999 = arith.index_cast %add3A_998 : i32 to index
      %get3A_1000 = memref.load %arg8[%get3A_999] : memref<512xi32, #tpu.memory_space<smem>>
      %mul3A_1001 = arith.constant 4096 : i32
      %mul3A_1002 = arith.muli %get3A_1000, %mul3A_1001 : i32
      %multiple_of3A_1003 = tpu.assume_multiple %mul3A_1002, 8 : i32
      %mul3A_1004 = arith.constant 8 : i32
      %mul3A_1005 = arith.muli %add3A_846, %mul3A_1004 : i32
      %add3A_1006 = arith.addi %mul3A_2, %mul3A_1005 : i32
      %add3A_1007 = arith.constant 6 : i32
      %add3A_1008 = arith.addi %add3A_1006, %add3A_1007 : i32
      %dma_start3A_1009 = arith.constant 0 : i32
      %dma_start3A_1010 = tpu.memref_slice %arg5[%add3A_1008, %dma_start3A_1009] : memref<16384x4096xf32, #tpu.memory_space<hbm>> -> memref<1x4096xf32, #tpu.memory_space<hbm>>
      %dma_start3A_1011 = tpu.memref_squeeze %dma_start3A_1010 : memref<1x4096xf32, #tpu.memory_space<hbm>> -> memref<4096xf32, #tpu.memory_space<hbm>>
      %dma_start3A_1012 = tpu.memref_slice %arg6[%multiple_of3A_1003] : memref<851968xf32, #tpu.memory_space<vmem_shared>> -> memref<4096xf32, #tpu.memory_space<vmem_shared>>
      tpu.enqueue_dma source(%dma_start3A_1012 : memref<4096xf32, #tpu.memory_space<vmem_shared>>) target(%dma_start3A_1011 : memref<4096xf32, #tpu.memory_space<hbm>>) target_semaphore(%arg16 : memref<!tpu.dma_semaphore, #tpu.memory_space<semaphore_mem>>)
      %mul3A_1013 = arith.constant 8 : i32
      %mul3A_1014 = arith.muli %add3A_846, %mul3A_1013 : i32
      %add3A_1015 = arith.constant 7 : i32
      %add3A_1016 = arith.addi %mul3A_1014, %add3A_1015 : i32
      %get3A_1017 = arith.index_cast %add3A_1016 : i32 to index
      %get3A_1018 = memref.load %arg8[%get3A_1017] : memref<512xi32, #tpu.memory_space<smem>>
      %mul3A_1019 = arith.constant 4096 : i32
      %mul3A_1020 = arith.muli %get3A_1018, %mul3A_1019 : i32
      %multiple_of3A_1021 = tpu.assume_multiple %mul3A_1020, 8 : i32
      %mul3A_1022 = arith.constant 8 : i32
      %mul3A_1023 = arith.muli %add3A_846, %mul3A_1022 : i32
      %add3A_1024 = arith.addi %mul3A_2, %mul3A_1023 : i32
      %add3A_1025 = arith.constant 7 : i32
      %add3A_1026 = arith.addi %add3A_1024, %add3A_1025 : i32
      %dma_start3A_1027 = arith.constant 0 : i32
      %dma_start3A_1028 = tpu.memref_slice %arg5[%add3A_1026, %dma_start3A_1027] : memref<16384x4096xf32, #tpu.memory_space<hbm>> -> memref<1x4096xf32, #tpu.memory_space<hbm>>
      %dma_start3A_1029 = tpu.memref_squeeze %dma_start3A_1028 : memref<1x4096xf32, #tpu.memory_space<hbm>> -> memref<4096xf32, #tpu.memory_space<hbm>>
      %dma_start3A_1030 = tpu.memref_slice %arg6[%multiple_of3A_1021] : memref<851968xf32, #tpu.memory_space<vmem_shared>> -> memref<4096xf32, #tpu.memory_space<vmem_shared>>
      tpu.enqueue_dma source(%dma_start3A_1030 : memref<4096xf32, #tpu.memory_space<vmem_shared>>) target(%dma_start3A_1029 : memref<4096xf32, #tpu.memory_space<hbm>>) target_semaphore(%arg16 : memref<!tpu.dma_semaphore, #tpu.memory_space<semaphore_mem>>)
      %mul3A_1031 = arith.constant 16 : i32
      %mul3A_1032 = arith.muli %scan3A_119, %mul3A_1031 : i32
      %add3A_1033 = arith.constant 11 : i32
      %add3A_1034 = arith.addi %mul3A_1032, %add3A_1033 : i32
      %multiple_of3A_1035 = tpu.assume_multiple %mul3A_2, 8 : i32
      %dma_wait3A_1036 = arith.constant 0 : i32
      %dma_wait3A_1037 = tpu.memref_slice %arg5[%multiple_of3A_1035, %dma_wait3A_1036] : memref<16384x4096xf32, #tpu.memory_space<hbm>> -> memref<8x4096xf32, #tpu.memory_space<hbm>>
      %dma_wait3A_1038 = arith.constant 0 : i32
      %dma_wait3A_1039 = tpu.memref_slice %arg5[%multiple_of3A_1035, %dma_wait3A_1038] : memref<16384x4096xf32, #tpu.memory_space<hbm>> -> memref<8x4096xf32, #tpu.memory_space<hbm>>
      tpu.wait_dma2 semaphore(%arg15 : memref<!tpu.dma_semaphore, #tpu.memory_space<semaphore_mem>>) src(%arg11 : memref<8x4096xf32, #tpu.memory_space<vmem>>) dst(%dma_wait3A_1039 : memref<8x4096xf32, #tpu.memory_space<hbm>>)
      %mul3A_1040 = arith.constant 8 : i32
      %mul3A_1041 = arith.muli %add3A_1034, %mul3A_1040 : i32
      %multiple_of3A_1042 = tpu.assume_multiple %mul3A_1041, 8 : i32
      %dma_start3A_1043 = tpu.memref_slice %arg9[%multiple_of3A_1042] : memref<512xi32, #tpu.memory_space<vmem>> -> memref<8xi32, #tpu.memory_space<vmem>>
      %dma_start3A_1044 = arith.constant 0 : i32
      %dma_start3A_1045 = arith.constant 0 : i32
      %dma_start3A_1046 = tpu.memref_slice %arg4[%dma_start3A_1044, %dma_start3A_1045] : memref<208x4096xf32, #tpu.memory_space<hbm>> -> memref<208x4096xf32, #tpu.memory_space<hbm>>
      tpu.enqueue_indirect_dma source(%dma_start3A_1046 : memref<208x4096xf32, #tpu.memory_space<hbm>>) target(%arg11 : memref<8x4096xf32, #tpu.memory_space<vmem>>) offsets(%dma_start3A_1043 : memref<8xi32, #tpu.memory_space<vmem>>) semaphore(%arg13 : memref<!tpu.dma_semaphore, #tpu.memory_space<semaphore_mem>>)
      %mul3A_1047 = arith.constant 16 : i32
      %mul3A_1048 = arith.muli %scan3A_119, %mul3A_1047 : i32
      %add3A_1049 = arith.constant 9 : i32
      %add3A_1050 = arith.addi %mul3A_1048, %add3A_1049 : i32
      %mul3A_1051 = arith.constant 8 : i32
      %mul3A_1052 = arith.muli %add3A_1050, %mul3A_1051 : i32
      %multiple_of3A_1053 = tpu.assume_multiple %mul3A_1052, 8 : i32
      %dma_wait3A_1054 = tpu.memref_slice %arg9[%multiple_of3A_1053] : memref<512xi32, #tpu.memory_space<vmem>> -> memref<8xi32, #tpu.memory_space<vmem>>
      %dma_wait3A_1055 = arith.constant 0 : i32
      %dma_wait3A_1056 = arith.constant 0 : i32
      %dma_wait3A_1057 = tpu.memref_slice %arg4[%dma_wait3A_1055, %dma_wait3A_1056] : memref<208x4096xf32, #tpu.memory_space<hbm>> -> memref<208x4096xf32, #tpu.memory_space<hbm>>
      tpu.wait_indirect_dma semaphore(%arg12 : memref<!tpu.dma_semaphore, #tpu.memory_space<semaphore_mem>>) src(%dma_wait3A_1057 : memref<208x4096xf32, #tpu.memory_space<hbm>>) dst(%arg10 : memref<8x4096xf32, #tpu.memory_space<vmem>>)
      %mul3A_1058 = arith.constant 8 : i32
      %mul3A_1059 = arith.muli %add3A_1050, %mul3A_1058 : i32
      %add3A_1060 = arith.addi %mul3A_2, %mul3A_1059 : i32
      %multiple_of3A_1061 = tpu.assume_multiple %add3A_1060, 8 : i32
      %dma_start3A_1062 = arith.constant 0 : i32
      %dma_start3A_1063 = tpu.memref_slice %arg5[%multiple_of3A_1061, %dma_start3A_1062] : memref<16384x4096xf32, #tpu.memory_space<hbm>> -> memref<8x4096xf32, #tpu.memory_space<hbm>>
      %dma_start3A_1064 = arith.constant 0 : i32
      %dma_start3A_1065 = tpu.memref_slice %arg5[%multiple_of3A_1061, %dma_start3A_1064] : memref<16384x4096xf32, #tpu.memory_space<hbm>> -> memref<8x4096xf32, #tpu.memory_space<hbm>>
      tpu.enqueue_dma source(%arg10 : memref<8x4096xf32, #tpu.memory_space<vmem>>) target(%dma_start3A_1065 : memref<8x4096xf32, #tpu.memory_space<hbm>>) target_semaphore(%arg14 : memref<!tpu.dma_semaphore, #tpu.memory_space<semaphore_mem>>)
      %mul3A_1066 = arith.constant 16 : i32
      %mul3A_1067 = arith.muli %scan3A_119, %mul3A_1066 : i32
      %add3A_1068 = arith.constant 12 : i32
      %add3A_1069 = arith.addi %mul3A_1067, %add3A_1068 : i32
      %dma_wait3A_1070 = arith.constant 0 : i32
      %dma_wait3A_1071 = tpu.memref_slice %arg5[%mul3A_2, %dma_wait3A_1070] : memref<16384x4096xf32, #tpu.memory_space<hbm>> -> memref<1x4096xf32, #tpu.memory_space<hbm>>
      %dma_wait3A_1072 = tpu.memref_squeeze %dma_wait3A_1071 : memref<1x4096xf32, #tpu.memory_space<hbm>> -> memref<4096xf32, #tpu.memory_space<hbm>>
      %dma_wait3A_1073 = arith.constant 0 : i32
      %dma_wait3A_1074 = tpu.memref_slice %arg6[%dma_wait3A_1073] : memref<851968xf32, #tpu.memory_space<vmem_shared>> -> memref<4096xf32, #tpu.memory_space<vmem_shared>>
      tpu.wait_dma2 semaphore(%arg16 : memref<!tpu.dma_semaphore, #tpu.memory_space<semaphore_mem>>) src(%dma_wait3A_1074 : memref<4096xf32, #tpu.memory_space<vmem_shared>>) dst(%dma_wait3A_1072 : memref<4096xf32, #tpu.memory_space<hbm>>)
      %dma_wait3A_1075 = arith.constant 0 : i32
      %dma_wait3A_1076 = tpu.memref_slice %arg5[%mul3A_2, %dma_wait3A_1075] : memref<16384x4096xf32, #tpu.memory_space<hbm>> -> memref<1x4096xf32, #tpu.memory_space<hbm>>
      %dma_wait3A_1077 = tpu.memref_squeeze %dma_wait3A_1076 : memref<1x4096xf32, #tpu.memory_space<hbm>> -> memref<4096xf32, #tpu.memory_space<hbm>>
      %dma_wait3A_1078 = arith.constant 0 : i32
      %dma_wait3A_1079 = tpu.memref_slice %arg6[%dma_wait3A_1078] : memref<851968xf32, #tpu.memory_space<vmem_shared>> -> memref<4096xf32, #tpu.memory_space<vmem_shared>>
      tpu.wait_dma2 semaphore(%arg16 : memref<!tpu.dma_semaphore, #tpu.memory_space<semaphore_mem>>) src(%dma_wait3A_1079 : memref<4096xf32, #tpu.memory_space<vmem_shared>>) dst(%dma_wait3A_1077 : memref<4096xf32, #tpu.memory_space<hbm>>)
      %dma_wait3A_1080 = arith.constant 0 : i32
      %dma_wait3A_1081 = tpu.memref_slice %arg5[%mul3A_2, %dma_wait3A_1080] : memref<16384x4096xf32, #tpu.memory_space<hbm>> -> memref<1x4096xf32, #tpu.memory_space<hbm>>
      %dma_wait3A_1082 = tpu.memref_squeeze %dma_wait3A_1081 : memref<1x4096xf32, #tpu.memory_space<hbm>> -> memref<4096xf32, #tpu.memory_space<hbm>>
      %dma_wait3A_1083 = arith.constant 0 : i32
      %dma_wait3A_1084 = tpu.memref_slice %arg6[%dma_wait3A_1083] : memref<851968xf32, #tpu.memory_space<vmem_shared>> -> memref<4096xf32, #tpu.memory_space<vmem_shared>>
      tpu.wait_dma2 semaphore(%arg16 : memref<!tpu.dma_semaphore, #tpu.memory_space<semaphore_mem>>) src(%dma_wait3A_1084 : memref<4096xf32, #tpu.memory_space<vmem_shared>>) dst(%dma_wait3A_1082 : memref<4096xf32, #tpu.memory_space<hbm>>)
      %dma_wait3A_1085 = arith.constant 0 : i32
      %dma_wait3A_1086 = tpu.memref_slice %arg5[%mul3A_2, %dma_wait3A_1085] : memref<16384x4096xf32, #tpu.memory_space<hbm>> -> memref<1x4096xf32, #tpu.memory_space<hbm>>
      %dma_wait3A_1087 = tpu.memref_squeeze %dma_wait3A_1086 : memref<1x4096xf32, #tpu.memory_space<hbm>> -> memref<4096xf32, #tpu.memory_space<hbm>>
      %dma_wait3A_1088 = arith.constant 0 : i32
      %dma_wait3A_1089 = tpu.memref_slice %arg6[%dma_wait3A_1088] : memref<851968xf32, #tpu.memory_space<vmem_shared>> -> memref<4096xf32, #tpu.memory_space<vmem_shared>>
      tpu.wait_dma2 semaphore(%arg16 : memref<!tpu.dma_semaphore, #tpu.memory_space<semaphore_mem>>) src(%dma_wait3A_1089 : memref<4096xf32, #tpu.memory_space<vmem_shared>>) dst(%dma_wait3A_1087 : memref<4096xf32, #tpu.memory_space<hbm>>)
      %dma_wait3A_1090 = arith.constant 0 : i32
      %dma_wait3A_1091 = tpu.memref_slice %arg5[%mul3A_2, %dma_wait3A_1090] : memref<16384x4096xf32, #tpu.memory_space<hbm>> -> memref<1x4096xf32, #tpu.memory_space<hbm>>
      %dma_wait3A_1092 = tpu.memref_squeeze %dma_wait3A_1091 : memref<1x4096xf32, #tpu.memory_space<hbm>> -> memref<4096xf32, #tpu.memory_space<hbm>>
      %dma_wait3A_1093 = arith.constant 0 : i32
      %dma_wait3A_1094 = tpu.memref_slice %arg6[%dma_wait3A_1093] : memref<851968xf32, #tpu.memory_space<vmem_shared>> -> memref<4096xf32, #tpu.memory_space<vmem_shared>>
      tpu.wait_dma2 semaphore(%arg16 : memref<!tpu.dma_semaphore, #tpu.memory_space<semaphore_mem>>) src(%dma_wait3A_1094 : memref<4096xf32, #tpu.memory_space<vmem_shared>>) dst(%dma_wait3A_1092 : memref<4096xf32, #tpu.memory_space<hbm>>)
      %dma_wait3A_1095 = arith.constant 0 : i32
      %dma_wait3A_1096 = tpu.memref_slice %arg5[%mul3A_2, %dma_wait3A_1095] : memref<16384x4096xf32, #tpu.memory_space<hbm>> -> memref<1x4096xf32, #tpu.memory_space<hbm>>
      %dma_wait3A_1097 = tpu.memref_squeeze %dma_wait3A_1096 : memref<1x4096xf32, #tpu.memory_space<hbm>> -> memref<4096xf32, #tpu.memory_space<hbm>>
      %dma_wait3A_1098 = arith.constant 0 : i32
      %dma_wait3A_1099 = tpu.memref_slice %arg6[%dma_wait3A_1098] : memref<851968xf32, #tpu.memory_space<vmem_shared>> -> memref<4096xf32, #tpu.memory_space<vmem_shared>>
      tpu.wait_dma2 semaphore(%arg16 : memref<!tpu.dma_semaphore, #tpu.memory_space<semaphore_mem>>) src(%dma_wait3A_1099 : memref<4096xf32, #tpu.memory_space<vmem_shared>>) dst(%dma_wait3A_1097 : memref<4096xf32, #tpu.memory_space<hbm>>)
      %dma_wait3A_1100 = arith.constant 0 : i32
      %dma_wait3A_1101 = tpu.memref_slice %arg5[%mul3A_2, %dma_wait3A_1100] : memref<16384x4096xf32, #tpu.memory_space<hbm>> -> memref<1x4096xf32, #tpu.memory_space<hbm>>
      %dma_wait3A_1102 = tpu.memref_squeeze %dma_wait3A_1101 : memref<1x4096xf32, #tpu.memory_space<hbm>> -> memref<4096xf32, #tpu.memory_space<hbm>>
      %dma_wait3A_1103 = arith.constant 0 : i32
      %dma_wait3A_1104 = tpu.memref_slice %arg6[%dma_wait3A_1103] : memref<851968xf32, #tpu.memory_space<vmem_shared>> -> memref<4096xf32, #tpu.memory_space<vmem_shared>>
      tpu.wait_dma2 semaphore(%arg16 : memref<!tpu.dma_semaphore, #tpu.memory_space<semaphore_mem>>) src(%dma_wait3A_1104 : memref<4096xf32, #tpu.memory_space<vmem_shared>>) dst(%dma_wait3A_1102 : memref<4096xf32, #tpu.memory_space<hbm>>)
      %dma_wait3A_1105 = arith.constant 0 : i32
      %dma_wait3A_1106 = tpu.memref_slice %arg5[%mul3A_2, %dma_wait3A_1105] : memref<16384x4096xf32, #tpu.memory_space<hbm>> -> memref<1x4096xf32, #tpu.memory_space<hbm>>
      %dma_wait3A_1107 = tpu.memref_squeeze %dma_wait3A_1106 : memref<1x4096xf32, #tpu.memory_space<hbm>> -> memref<4096xf32, #tpu.memory_space<hbm>>
      %dma_wait3A_1108 = arith.constant 0 : i32
      %dma_wait3A_1109 = tpu.memref_slice %arg6[%dma_wait3A_1108] : memref<851968xf32, #tpu.memory_space<vmem_shared>> -> memref<4096xf32, #tpu.memory_space<vmem_shared>>
      tpu.wait_dma2 semaphore(%arg16 : memref<!tpu.dma_semaphore, #tpu.memory_space<semaphore_mem>>) src(%dma_wait3A_1109 : memref<4096xf32, #tpu.memory_space<vmem_shared>>) dst(%dma_wait3A_1107 : memref<4096xf32, #tpu.memory_space<hbm>>)
      %mul3A_1110 = arith.constant 8 : i32
      %mul3A_1111 = arith.muli %add3A_1069, %mul3A_1110 : i32
      %add3A_1112 = arith.constant 0 : i32
      %add3A_1113 = arith.addi %mul3A_1111, %add3A_1112 : i32
      %get3A_1114 = arith.index_cast %add3A_1113 : i32 to index
      %get3A_1115 = memref.load %arg8[%get3A_1114] : memref<512xi32, #tpu.memory_space<smem>>
      %mul3A_1116 = arith.constant 4096 : i32
      %mul3A_1117 = arith.muli %get3A_1115, %mul3A_1116 : i32
      %multiple_of3A_1118 = tpu.assume_multiple %mul3A_1117, 8 : i32
      %mul3A_1119 = arith.constant 8 : i32
      %mul3A_1120 = arith.muli %add3A_1069, %mul3A_1119 : i32
      %add3A_1121 = arith.addi %mul3A_2, %mul3A_1120 : i32
      %add3A_1122 = arith.constant 0 : i32
      %add3A_1123 = arith.addi %add3A_1121, %add3A_1122 : i32
      %dma_start3A_1124 = arith.constant 0 : i32
      %dma_start3A_1125 = tpu.memref_slice %arg5[%add3A_1123, %dma_start3A_1124] : memref<16384x4096xf32, #tpu.memory_space<hbm>> -> memref<1x4096xf32, #tpu.memory_space<hbm>>
      %dma_start3A_1126 = tpu.memref_squeeze %dma_start3A_1125 : memref<1x4096xf32, #tpu.memory_space<hbm>> -> memref<4096xf32, #tpu.memory_space<hbm>>
      %dma_start3A_1127 = tpu.memref_slice %arg6[%multiple_of3A_1118] : memref<851968xf32, #tpu.memory_space<vmem_shared>> -> memref<4096xf32, #tpu.memory_space<vmem_shared>>
      tpu.enqueue_dma source(%dma_start3A_1127 : memref<4096xf32, #tpu.memory_space<vmem_shared>>) target(%dma_start3A_1126 : memref<4096xf32, #tpu.memory_space<hbm>>) target_semaphore(%arg16 : memref<!tpu.dma_semaphore, #tpu.memory_space<semaphore_mem>>)
      %mul3A_1128 = arith.constant 8 : i32
      %mul3A_1129 = arith.muli %add3A_1069, %mul3A_1128 : i32
      %add3A_1130 = arith.constant 1 : i32
      %add3A_1131 = arith.addi %mul3A_1129, %add3A_1130 : i32
      %get3A_1132 = arith.index_cast %add3A_1131 : i32 to index
      %get3A_1133 = memref.load %arg8[%get3A_1132] : memref<512xi32, #tpu.memory_space<smem>>
      %mul3A_1134 = arith.constant 4096 : i32
      %mul3A_1135 = arith.muli %get3A_1133, %mul3A_1134 : i32
      %multiple_of3A_1136 = tpu.assume_multiple %mul3A_1135, 8 : i32
      %mul3A_1137 = arith.constant 8 : i32
      %mul3A_1138 = arith.muli %add3A_1069, %mul3A_1137 : i32
      %add3A_1139 = arith.addi %mul3A_2, %mul3A_1138 : i32
      %add3A_1140 = arith.constant 1 : i32
      %add3A_1141 = arith.addi %add3A_1139, %add3A_1140 : i32
      %dma_start3A_1142 = arith.constant 0 : i32
      %dma_start3A_1143 = tpu.memref_slice %arg5[%add3A_1141, %dma_start3A_1142] : memref<16384x4096xf32, #tpu.memory_space<hbm>> -> memref<1x4096xf32, #tpu.memory_space<hbm>>
      %dma_start3A_1144 = tpu.memref_squeeze %dma_start3A_1143 : memref<1x4096xf32, #tpu.memory_space<hbm>> -> memref<4096xf32, #tpu.memory_space<hbm>>
      %dma_start3A_1145 = tpu.memref_slice %arg6[%multiple_of3A_1136] : memref<851968xf32, #tpu.memory_space<vmem_shared>> -> memref<4096xf32, #tpu.memory_space<vmem_shared>>
      tpu.enqueue_dma source(%dma_start3A_1145 : memref<4096xf32, #tpu.memory_space<vmem_shared>>) target(%dma_start3A_1144 : memref<4096xf32, #tpu.memory_space<hbm>>) target_semaphore(%arg16 : memref<!tpu.dma_semaphore, #tpu.memory_space<semaphore_mem>>)
      %mul3A_1146 = arith.constant 8 : i32
      %mul3A_1147 = arith.muli %add3A_1069, %mul3A_1146 : i32
      %add3A_1148 = arith.constant 2 : i32
      %add3A_1149 = arith.addi %mul3A_1147, %add3A_1148 : i32
      %get3A_1150 = arith.index_cast %add3A_1149 : i32 to index
      %get3A_1151 = memref.load %arg8[%get3A_1150] : memref<512xi32, #tpu.memory_space<smem>>
      %mul3A_1152 = arith.constant 4096 : i32
      %mul3A_1153 = arith.muli %get3A_1151, %mul3A_1152 : i32
      %multiple_of3A_1154 = tpu.assume_multiple %mul3A_1153, 8 : i32
      %mul3A_1155 = arith.constant 8 : i32
      %mul3A_1156 = arith.muli %add3A_1069, %mul3A_1155 : i32
      %add3A_1157 = arith.addi %mul3A_2, %mul3A_1156 : i32
      %add3A_1158 = arith.constant 2 : i32
      %add3A_1159 = arith.addi %add3A_1157, %add3A_1158 : i32
      %dma_start3A_1160 = arith.constant 0 : i32
      %dma_start3A_1161 = tpu.memref_slice %arg5[%add3A_1159, %dma_start3A_1160] : memref<16384x4096xf32, #tpu.memory_space<hbm>> -> memref<1x4096xf32, #tpu.memory_space<hbm>>
      %dma_start3A_1162 = tpu.memref_squeeze %dma_start3A_1161 : memref<1x4096xf32, #tpu.memory_space<hbm>> -> memref<4096xf32, #tpu.memory_space<hbm>>
      %dma_start3A_1163 = tpu.memref_slice %arg6[%multiple_of3A_1154] : memref<851968xf32, #tpu.memory_space<vmem_shared>> -> memref<4096xf32, #tpu.memory_space<vmem_shared>>
      tpu.enqueue_dma source(%dma_start3A_1163 : memref<4096xf32, #tpu.memory_space<vmem_shared>>) target(%dma_start3A_1162 : memref<4096xf32, #tpu.memory_space<hbm>>) target_semaphore(%arg16 : memref<!tpu.dma_semaphore, #tpu.memory_space<semaphore_mem>>)
      %mul3A_1164 = arith.constant 8 : i32
      %mul3A_1165 = arith.muli %add3A_1069, %mul3A_1164 : i32
      %add3A_1166 = arith.constant 3 : i32
      %add3A_1167 = arith.addi %mul3A_1165, %add3A_1166 : i32
      %get3A_1168 = arith.index_cast %add3A_1167 : i32 to index
      %get3A_1169 = memref.load %arg8[%get3A_1168] : memref<512xi32, #tpu.memory_space<smem>>
      %mul3A_1170 = arith.constant 4096 : i32
      %mul3A_1171 = arith.muli %get3A_1169, %mul3A_1170 : i32
      %multiple_of3A_1172 = tpu.assume_multiple %mul3A_1171, 8 : i32
      %mul3A_1173 = arith.constant 8 : i32
      %mul3A_1174 = arith.muli %add3A_1069, %mul3A_1173 : i32
      %add3A_1175 = arith.addi %mul3A_2, %mul3A_1174 : i32
      %add3A_1176 = arith.constant 3 : i32
      %add3A_1177 = arith.addi %add3A_1175, %add3A_1176 : i32
      %dma_start3A_1178 = arith.constant 0 : i32
      %dma_start3A_1179 = tpu.memref_slice %arg5[%add3A_1177, %dma_start3A_1178] : memref<16384x4096xf32, #tpu.memory_space<hbm>> -> memref<1x4096xf32, #tpu.memory_space<hbm>>
      %dma_start3A_1180 = tpu.memref_squeeze %dma_start3A_1179 : memref<1x4096xf32, #tpu.memory_space<hbm>> -> memref<4096xf32, #tpu.memory_space<hbm>>
      %dma_start3A_1181 = tpu.memref_slice %arg6[%multiple_of3A_1172] : memref<851968xf32, #tpu.memory_space<vmem_shared>> -> memref<4096xf32, #tpu.memory_space<vmem_shared>>
      tpu.enqueue_dma source(%dma_start3A_1181 : memref<4096xf32, #tpu.memory_space<vmem_shared>>) target(%dma_start3A_1180 : memref<4096xf32, #tpu.memory_space<hbm>>) target_semaphore(%arg16 : memref<!tpu.dma_semaphore, #tpu.memory_space<semaphore_mem>>)
      %mul3A_1182 = arith.constant 8 : i32
      %mul3A_1183 = arith.muli %add3A_1069, %mul3A_1182 : i32
      %add3A_1184 = arith.constant 4 : i32
      %add3A_1185 = arith.addi %mul3A_1183, %add3A_1184 : i32
      %get3A_1186 = arith.index_cast %add3A_1185 : i32 to index
      %get3A_1187 = memref.load %arg8[%get3A_1186] : memref<512xi32, #tpu.memory_space<smem>>
      %mul3A_1188 = arith.constant 4096 : i32
      %mul3A_1189 = arith.muli %get3A_1187, %mul3A_1188 : i32
      %multiple_of3A_1190 = tpu.assume_multiple %mul3A_1189, 8 : i32
      %mul3A_1191 = arith.constant 8 : i32
      %mul3A_1192 = arith.muli %add3A_1069, %mul3A_1191 : i32
      %add3A_1193 = arith.addi %mul3A_2, %mul3A_1192 : i32
      %add3A_1194 = arith.constant 4 : i32
      %add3A_1195 = arith.addi %add3A_1193, %add3A_1194 : i32
      %dma_start3A_1196 = arith.constant 0 : i32
      %dma_start3A_1197 = tpu.memref_slice %arg5[%add3A_1195, %dma_start3A_1196] : memref<16384x4096xf32, #tpu.memory_space<hbm>> -> memref<1x4096xf32, #tpu.memory_space<hbm>>
      %dma_start3A_1198 = tpu.memref_squeeze %dma_start3A_1197 : memref<1x4096xf32, #tpu.memory_space<hbm>> -> memref<4096xf32, #tpu.memory_space<hbm>>
      %dma_start3A_1199 = tpu.memref_slice %arg6[%multiple_of3A_1190] : memref<851968xf32, #tpu.memory_space<vmem_shared>> -> memref<4096xf32, #tpu.memory_space<vmem_shared>>
      tpu.enqueue_dma source(%dma_start3A_1199 : memref<4096xf32, #tpu.memory_space<vmem_shared>>) target(%dma_start3A_1198 : memref<4096xf32, #tpu.memory_space<hbm>>) target_semaphore(%arg16 : memref<!tpu.dma_semaphore, #tpu.memory_space<semaphore_mem>>)
      %mul3A_1200 = arith.constant 8 : i32
      %mul3A_1201 = arith.muli %add3A_1069, %mul3A_1200 : i32
      %add3A_1202 = arith.constant 5 : i32
      %add3A_1203 = arith.addi %mul3A_1201, %add3A_1202 : i32
      %get3A_1204 = arith.index_cast %add3A_1203 : i32 to index
      %get3A_1205 = memref.load %arg8[%get3A_1204] : memref<512xi32, #tpu.memory_space<smem>>
      %mul3A_1206 = arith.constant 4096 : i32
      %mul3A_1207 = arith.muli %get3A_1205, %mul3A_1206 : i32
      %multiple_of3A_1208 = tpu.assume_multiple %mul3A_1207, 8 : i32
      %mul3A_1209 = arith.constant 8 : i32
      %mul3A_1210 = arith.muli %add3A_1069, %mul3A_1209 : i32
      %add3A_1211 = arith.addi %mul3A_2, %mul3A_1210 : i32
      %add3A_1212 = arith.constant 5 : i32
      %add3A_1213 = arith.addi %add3A_1211, %add3A_1212 : i32
      %dma_start3A_1214 = arith.constant 0 : i32
      %dma_start3A_1215 = tpu.memref_slice %arg5[%add3A_1213, %dma_start3A_1214] : memref<16384x4096xf32, #tpu.memory_space<hbm>> -> memref<1x4096xf32, #tpu.memory_space<hbm>>
      %dma_start3A_1216 = tpu.memref_squeeze %dma_start3A_1215 : memref<1x4096xf32, #tpu.memory_space<hbm>> -> memref<4096xf32, #tpu.memory_space<hbm>>
      %dma_start3A_1217 = tpu.memref_slice %arg6[%multiple_of3A_1208] : memref<851968xf32, #tpu.memory_space<vmem_shared>> -> memref<4096xf32, #tpu.memory_space<vmem_shared>>
      tpu.enqueue_dma source(%dma_start3A_1217 : memref<4096xf32, #tpu.memory_space<vmem_shared>>) target(%dma_start3A_1216 : memref<4096xf32, #tpu.memory_space<hbm>>) target_semaphore(%arg16 : memref<!tpu.dma_semaphore, #tpu.memory_space<semaphore_mem>>)
      %mul3A_1218 = arith.constant 8 : i32
      %mul3A_1219 = arith.muli %add3A_1069, %mul3A_1218 : i32
      %add3A_1220 = arith.constant 6 : i32
      %add3A_1221 = arith.addi %mul3A_1219, %add3A_1220 : i32
      %get3A_1222 = arith.index_cast %add3A_1221 : i32 to index
      %get3A_1223 = memref.load %arg8[%get3A_1222] : memref<512xi32, #tpu.memory_space<smem>>
      %mul3A_1224 = arith.constant 4096 : i32
      %mul3A_1225 = arith.muli %get3A_1223, %mul3A_1224 : i32
      %multiple_of3A_1226 = tpu.assume_multiple %mul3A_1225, 8 : i32
      %mul3A_1227 = arith.constant 8 : i32
      %mul3A_1228 = arith.muli %add3A_1069, %mul3A_1227 : i32
      %add3A_1229 = arith.addi %mul3A_2, %mul3A_1228 : i32
      %add3A_1230 = arith.constant 6 : i32
      %add3A_1231 = arith.addi %add3A_1229, %add3A_1230 : i32
      %dma_start3A_1232 = arith.constant 0 : i32
      %dma_start3A_1233 = tpu.memref_slice %arg5[%add3A_1231, %dma_start3A_1232] : memref<16384x4096xf32, #tpu.memory_space<hbm>> -> memref<1x4096xf32, #tpu.memory_space<hbm>>
      %dma_start3A_1234 = tpu.memref_squeeze %dma_start3A_1233 : memref<1x4096xf32, #tpu.memory_space<hbm>> -> memref<4096xf32, #tpu.memory_space<hbm>>
      %dma_start3A_1235 = tpu.memref_slice %arg6[%multiple_of3A_1226] : memref<851968xf32, #tpu.memory_space<vmem_shared>> -> memref<4096xf32, #tpu.memory_space<vmem_shared>>
      tpu.enqueue_dma source(%dma_start3A_1235 : memref<4096xf32, #tpu.memory_space<vmem_shared>>) target(%dma_start3A_1234 : memref<4096xf32, #tpu.memory_space<hbm>>) target_semaphore(%arg16 : memref<!tpu.dma_semaphore, #tpu.memory_space<semaphore_mem>>)
      %mul3A_1236 = arith.constant 8 : i32
      %mul3A_1237 = arith.muli %add3A_1069, %mul3A_1236 : i32
      %add3A_1238 = arith.constant 7 : i32
      %add3A_1239 = arith.addi %mul3A_1237, %add3A_1238 : i32
      %get3A_1240 = arith.index_cast %add3A_1239 : i32 to index
      %get3A_1241 = memref.load %arg8[%get3A_1240] : memref<512xi32, #tpu.memory_space<smem>>
      %mul3A_1242 = arith.constant 4096 : i32
      %mul3A_1243 = arith.muli %get3A_1241, %mul3A_1242 : i32
      %multiple_of3A_1244 = tpu.assume_multiple %mul3A_1243, 8 : i32
      %mul3A_1245 = arith.constant 8 : i32
      %mul3A_1246 = arith.muli %add3A_1069, %mul3A_1245 : i32
      %add3A_1247 = arith.addi %mul3A_2, %mul3A_1246 : i32
      %add3A_1248 = arith.constant 7 : i32
      %add3A_1249 = arith.addi %add3A_1247, %add3A_1248 : i32
      %dma_start3A_1250 = arith.constant 0 : i32
      %dma_start3A_1251 = tpu.memref_slice %arg5[%add3A_1249, %dma_start3A_1250] : memref<16384x4096xf32, #tpu.memory_space<hbm>> -> memref<1x4096xf32, #tpu.memory_space<hbm>>
      %dma_start3A_1252 = tpu.memref_squeeze %dma_start3A_1251 : memref<1x4096xf32, #tpu.memory_space<hbm>> -> memref<4096xf32, #tpu.memory_space<hbm>>
      %dma_start3A_1253 = tpu.memref_slice %arg6[%multiple_of3A_1244] : memref<851968xf32, #tpu.memory_space<vmem_shared>> -> memref<4096xf32, #tpu.memory_space<vmem_shared>>
      tpu.enqueue_dma source(%dma_start3A_1253 : memref<4096xf32, #tpu.memory_space<vmem_shared>>) target(%dma_start3A_1252 : memref<4096xf32, #tpu.memory_space<hbm>>) target_semaphore(%arg16 : memref<!tpu.dma_semaphore, #tpu.memory_space<semaphore_mem>>)
      %mul3A_1254 = arith.constant 16 : i32
      %mul3A_1255 = arith.muli %scan3A_119, %mul3A_1254 : i32
      %add3A_1256 = arith.constant 13 : i32
      %add3A_1257 = arith.addi %mul3A_1255, %add3A_1256 : i32
      %multiple_of3A_1258 = tpu.assume_multiple %mul3A_2, 8 : i32
      %dma_wait3A_1259 = arith.constant 0 : i32
      %dma_wait3A_1260 = tpu.memref_slice %arg5[%multiple_of3A_1258, %dma_wait3A_1259] : memref<16384x4096xf32, #tpu.memory_space<hbm>> -> memref<8x4096xf32, #tpu.memory_space<hbm>>
      %dma_wait3A_1261 = arith.constant 0 : i32
      %dma_wait3A_1262 = tpu.memref_slice %arg5[%multiple_of3A_1258, %dma_wait3A_1261] : memref<16384x4096xf32, #tpu.memory_space<hbm>> -> memref<8x4096xf32, #tpu.memory_space<hbm>>
      tpu.wait_dma2 semaphore(%arg14 : memref<!tpu.dma_semaphore, #tpu.memory_space<semaphore_mem>>) src(%arg10 : memref<8x4096xf32, #tpu.memory_space<vmem>>) dst(%dma_wait3A_1262 : memref<8x4096xf32, #tpu.memory_space<hbm>>)
      %mul3A_1263 = arith.constant 8 : i32
      %mul3A_1264 = arith.muli %add3A_1257, %mul3A_1263 : i32
      %multiple_of3A_1265 = tpu.assume_multiple %mul3A_1264, 8 : i32
      %dma_start3A_1266 = tpu.memref_slice %arg9[%multiple_of3A_1265] : memref<512xi32, #tpu.memory_space<vmem>> -> memref<8xi32, #tpu.memory_space<vmem>>
      %dma_start3A_1267 = arith.constant 0 : i32
      %dma_start3A_1268 = arith.constant 0 : i32
      %dma_start3A_1269 = tpu.memref_slice %arg4[%dma_start3A_1267, %dma_start3A_1268] : memref<208x4096xf32, #tpu.memory_space<hbm>> -> memref<208x4096xf32, #tpu.memory_space<hbm>>
      tpu.enqueue_indirect_dma source(%dma_start3A_1269 : memref<208x4096xf32, #tpu.memory_space<hbm>>) target(%arg10 : memref<8x4096xf32, #tpu.memory_space<vmem>>) offsets(%dma_start3A_1266 : memref<8xi32, #tpu.memory_space<vmem>>) semaphore(%arg12 : memref<!tpu.dma_semaphore, #tpu.memory_space<semaphore_mem>>)
      %mul3A_1270 = arith.constant 16 : i32
      %mul3A_1271 = arith.muli %scan3A_119, %mul3A_1270 : i32
      %add3A_1272 = arith.constant 11 : i32
      %add3A_1273 = arith.addi %mul3A_1271, %add3A_1272 : i32
      %mul3A_1274 = arith.constant 8 : i32
      %mul3A_1275 = arith.muli %add3A_1273, %mul3A_1274 : i32
      %multiple_of3A_1276 = tpu.assume_multiple %mul3A_1275, 8 : i32
      %dma_wait3A_1277 = tpu.memref_slice %arg9[%multiple_of3A_1276] : memref<512xi32, #tpu.memory_space<vmem>> -> memref<8xi32, #tpu.memory_space<vmem>>
      %dma_wait3A_1278 = arith.constant 0 : i32
      %dma_wait3A_1279 = arith.constant 0 : i32
      %dma_wait3A_1280 = tpu.memref_slice %arg4[%dma_wait3A_1278, %dma_wait3A_1279] : memref<208x4096xf32, #tpu.memory_space<hbm>> -> memref<208x4096xf32, #tpu.memory_space<hbm>>
      tpu.wait_indirect_dma semaphore(%arg13 : memref<!tpu.dma_semaphore, #tpu.memory_space<semaphore_mem>>) src(%dma_wait3A_1280 : memref<208x4096xf32, #tpu.memory_space<hbm>>) dst(%arg11 : memref<8x4096xf32, #tpu.memory_space<vmem>>)
      %mul3A_1281 = arith.constant 8 : i32
      %mul3A_1282 = arith.muli %add3A_1273, %mul3A_1281 : i32
      %add3A_1283 = arith.addi %mul3A_2, %mul3A_1282 : i32
      %multiple_of3A_1284 = tpu.assume_multiple %add3A_1283, 8 : i32
      %dma_start3A_1285 = arith.constant 0 : i32
      %dma_start3A_1286 = tpu.memref_slice %arg5[%multiple_of3A_1284, %dma_start3A_1285] : memref<16384x4096xf32, #tpu.memory_space<hbm>> -> memref<8x4096xf32, #tpu.memory_space<hbm>>
      %dma_start3A_1287 = arith.constant 0 : i32
      %dma_start3A_1288 = tpu.memref_slice %arg5[%multiple_of3A_1284, %dma_start3A_1287] : memref<16384x4096xf32, #tpu.memory_space<hbm>> -> memref<8x4096xf32, #tpu.memory_space<hbm>>
      tpu.enqueue_dma source(%arg11 : memref<8x4096xf32, #tpu.memory_space<vmem>>) target(%dma_start3A_1288 : memref<8x4096xf32, #tpu.memory_space<hbm>>) target_semaphore(%arg15 : memref<!tpu.dma_semaphore, #tpu.memory_space<semaphore_mem>>)
      %mul3A_1289 = arith.constant 16 : i32
      %mul3A_1290 = arith.muli %scan3A_119, %mul3A_1289 : i32
      %add3A_1291 = arith.constant 14 : i32
      %add3A_1292 = arith.addi %mul3A_1290, %add3A_1291 : i32
      %multiple_of3A_1293 = tpu.assume_multiple %mul3A_2, 8 : i32
      %dma_wait3A_1294 = arith.constant 0 : i32
      %dma_wait3A_1295 = tpu.memref_slice %arg5[%multiple_of3A_1293, %dma_wait3A_1294] : memref<16384x4096xf32, #tpu.memory_space<hbm>> -> memref<8x4096xf32, #tpu.memory_space<hbm>>
      %dma_wait3A_1296 = arith.constant 0 : i32
      %dma_wait3A_1297 = tpu.memref_slice %arg5[%multiple_of3A_1293, %dma_wait3A_1296] : memref<16384x4096xf32, #tpu.memory_space<hbm>> -> memref<8x4096xf32, #tpu.memory_space<hbm>>
      tpu.wait_dma2 semaphore(%arg15 : memref<!tpu.dma_semaphore, #tpu.memory_space<semaphore_mem>>) src(%arg11 : memref<8x4096xf32, #tpu.memory_space<vmem>>) dst(%dma_wait3A_1297 : memref<8x4096xf32, #tpu.memory_space<hbm>>)
      %mul3A_1298 = arith.constant 8 : i32
      %mul3A_1299 = arith.muli %add3A_1292, %mul3A_1298 : i32
      %multiple_of3A_1300 = tpu.assume_multiple %mul3A_1299, 8 : i32
      %dma_start3A_1301 = tpu.memref_slice %arg9[%multiple_of3A_1300] : memref<512xi32, #tpu.memory_space<vmem>> -> memref<8xi32, #tpu.memory_space<vmem>>
      %dma_start3A_1302 = arith.constant 0 : i32
      %dma_start3A_1303 = arith.constant 0 : i32
      %dma_start3A_1304 = tpu.memref_slice %arg4[%dma_start3A_1302, %dma_start3A_1303] : memref<208x4096xf32, #tpu.memory_space<hbm>> -> memref<208x4096xf32, #tpu.memory_space<hbm>>
      tpu.enqueue_indirect_dma source(%dma_start3A_1304 : memref<208x4096xf32, #tpu.memory_space<hbm>>) target(%arg11 : memref<8x4096xf32, #tpu.memory_space<vmem>>) offsets(%dma_start3A_1301 : memref<8xi32, #tpu.memory_space<vmem>>) semaphore(%arg13 : memref<!tpu.dma_semaphore, #tpu.memory_space<semaphore_mem>>)
      %mul3A_1305 = arith.constant 16 : i32
      %mul3A_1306 = arith.muli %scan3A_119, %mul3A_1305 : i32
      %add3A_1307 = arith.constant 13 : i32
      %add3A_1308 = arith.addi %mul3A_1306, %add3A_1307 : i32
      %mul3A_1309 = arith.constant 8 : i32
      %mul3A_1310 = arith.muli %add3A_1308, %mul3A_1309 : i32
      %multiple_of3A_1311 = tpu.assume_multiple %mul3A_1310, 8 : i32
      %dma_wait3A_1312 = tpu.memref_slice %arg9[%multiple_of3A_1311] : memref<512xi32, #tpu.memory_space<vmem>> -> memref<8xi32, #tpu.memory_space<vmem>>
      %dma_wait3A_1313 = arith.constant 0 : i32
      %dma_wait3A_1314 = arith.constant 0 : i32
      %dma_wait3A_1315 = tpu.memref_slice %arg4[%dma_wait3A_1313, %dma_wait3A_1314] : memref<208x4096xf32, #tpu.memory_space<hbm>> -> memref<208x4096xf32, #tpu.memory_space<hbm>>
      tpu.wait_indirect_dma semaphore(%arg12 : memref<!tpu.dma_semaphore, #tpu.memory_space<semaphore_mem>>) src(%dma_wait3A_1315 : memref<208x4096xf32, #tpu.memory_space<hbm>>) dst(%arg10 : memref<8x4096xf32, #tpu.memory_space<vmem>>)
      %mul3A_1316 = arith.constant 8 : i32
      %mul3A_1317 = arith.muli %add3A_1308, %mul3A_1316 : i32
      %add3A_1318 = arith.addi %mul3A_2, %mul3A_1317 : i32
      %multiple_of3A_1319 = tpu.assume_multiple %add3A_1318, 8 : i32
      %dma_start3A_1320 = arith.constant 0 : i32
      %dma_start3A_1321 = tpu.memref_slice %arg5[%multiple_of3A_1319, %dma_start3A_1320] : memref<16384x4096xf32, #tpu.memory_space<hbm>> -> memref<8x4096xf32, #tpu.memory_space<hbm>>
      %dma_start3A_1322 = arith.constant 0 : i32
      %dma_start3A_1323 = tpu.memref_slice %arg5[%multiple_of3A_1319, %dma_start3A_1322] : memref<16384x4096xf32, #tpu.memory_space<hbm>> -> memref<8x4096xf32, #tpu.memory_space<hbm>>
      tpu.enqueue_dma source(%arg10 : memref<8x4096xf32, #tpu.memory_space<vmem>>) target(%dma_start3A_1323 : memref<8x4096xf32, #tpu.memory_space<hbm>>) target_semaphore(%arg14 : memref<!tpu.dma_semaphore, #tpu.memory_space<semaphore_mem>>)
      %mul3A_1324 = arith.constant 16 : i32
      %mul3A_1325 = arith.muli %scan3A_119, %mul3A_1324 : i32
      %add3A_1326 = arith.constant 15 : i32
      %add3A_1327 = arith.addi %mul3A_1325, %add3A_1326 : i32
      %dma_wait3A_1328 = arith.constant 0 : i32
      %dma_wait3A_1329 = tpu.memref_slice %arg5[%mul3A_2, %dma_wait3A_1328] : memref<16384x4096xf32, #tpu.memory_space<hbm>> -> memref<1x4096xf32, #tpu.memory_space<hbm>>
      %dma_wait3A_1330 = tpu.memref_squeeze %dma_wait3A_1329 : memref<1x4096xf32, #tpu.memory_space<hbm>> -> memref<4096xf32, #tpu.memory_space<hbm>>
      %dma_wait3A_1331 = arith.constant 0 : i32
      %dma_wait3A_1332 = tpu.memref_slice %arg6[%dma_wait3A_1331] : memref<851968xf32, #tpu.memory_space<vmem_shared>> -> memref<4096xf32, #tpu.memory_space<vmem_shared>>
      tpu.wait_dma2 semaphore(%arg16 : memref<!tpu.dma_semaphore, #tpu.memory_space<semaphore_mem>>) src(%dma_wait3A_1332 : memref<4096xf32, #tpu.memory_space<vmem_shared>>) dst(%dma_wait3A_1330 : memref<4096xf32, #tpu.memory_space<hbm>>)
      %dma_wait3A_1333 = arith.constant 0 : i32
      %dma_wait3A_1334 = tpu.memref_slice %arg5[%mul3A_2, %dma_wait3A_1333] : memref<16384x4096xf32, #tpu.memory_space<hbm>> -> memref<1x4096xf32, #tpu.memory_space<hbm>>
      %dma_wait3A_1335 = tpu.memref_squeeze %dma_wait3A_1334 : memref<1x4096xf32, #tpu.memory_space<hbm>> -> memref<4096xf32, #tpu.memory_space<hbm>>
      %dma_wait3A_1336 = arith.constant 0 : i32
      %dma_wait3A_1337 = tpu.memref_slice %arg6[%dma_wait3A_1336] : memref<851968xf32, #tpu.memory_space<vmem_shared>> -> memref<4096xf32, #tpu.memory_space<vmem_shared>>
      tpu.wait_dma2 semaphore(%arg16 : memref<!tpu.dma_semaphore, #tpu.memory_space<semaphore_mem>>) src(%dma_wait3A_1337 : memref<4096xf32, #tpu.memory_space<vmem_shared>>) dst(%dma_wait3A_1335 : memref<4096xf32, #tpu.memory_space<hbm>>)
      %dma_wait3A_1338 = arith.constant 0 : i32
      %dma_wait3A_1339 = tpu.memref_slice %arg5[%mul3A_2, %dma_wait3A_1338] : memref<16384x4096xf32, #tpu.memory_space<hbm>> -> memref<1x4096xf32, #tpu.memory_space<hbm>>
      %dma_wait3A_1340 = tpu.memref_squeeze %dma_wait3A_1339 : memref<1x4096xf32, #tpu.memory_space<hbm>> -> memref<4096xf32, #tpu.memory_space<hbm>>
      %dma_wait3A_1341 = arith.constant 0 : i32
      %dma_wait3A_1342 = tpu.memref_slice %arg6[%dma_wait3A_1341] : memref<851968xf32, #tpu.memory_space<vmem_shared>> -> memref<4096xf32, #tpu.memory_space<vmem_shared>>
      tpu.wait_dma2 semaphore(%arg16 : memref<!tpu.dma_semaphore, #tpu.memory_space<semaphore_mem>>) src(%dma_wait3A_1342 : memref<4096xf32, #tpu.memory_space<vmem_shared>>) dst(%dma_wait3A_1340 : memref<4096xf32, #tpu.memory_space<hbm>>)
      %dma_wait3A_1343 = arith.constant 0 : i32
      %dma_wait3A_1344 = tpu.memref_slice %arg5[%mul3A_2, %dma_wait3A_1343] : memref<16384x4096xf32, #tpu.memory_space<hbm>> -> memref<1x4096xf32, #tpu.memory_space<hbm>>
      %dma_wait3A_1345 = tpu.memref_squeeze %dma_wait3A_1344 : memref<1x4096xf32, #tpu.memory_space<hbm>> -> memref<4096xf32, #tpu.memory_space<hbm>>
      %dma_wait3A_1346 = arith.constant 0 : i32
      %dma_wait3A_1347 = tpu.memref_slice %arg6[%dma_wait3A_1346] : memref<851968xf32, #tpu.memory_space<vmem_shared>> -> memref<4096xf32, #tpu.memory_space<vmem_shared>>
      tpu.wait_dma2 semaphore(%arg16 : memref<!tpu.dma_semaphore, #tpu.memory_space<semaphore_mem>>) src(%dma_wait3A_1347 : memref<4096xf32, #tpu.memory_space<vmem_shared>>) dst(%dma_wait3A_1345 : memref<4096xf32, #tpu.memory_space<hbm>>)
      %dma_wait3A_1348 = arith.constant 0 : i32
      %dma_wait3A_1349 = tpu.memref_slice %arg5[%mul3A_2, %dma_wait3A_1348] : memref<16384x4096xf32, #tpu.memory_space<hbm>> -> memref<1x4096xf32, #tpu.memory_space<hbm>>
      %dma_wait3A_1350 = tpu.memref_squeeze %dma_wait3A_1349 : memref<1x4096xf32, #tpu.memory_space<hbm>> -> memref<4096xf32, #tpu.memory_space<hbm>>
      %dma_wait3A_1351 = arith.constant 0 : i32
      %dma_wait3A_1352 = tpu.memref_slice %arg6[%dma_wait3A_1351] : memref<851968xf32, #tpu.memory_space<vmem_shared>> -> memref<4096xf32, #tpu.memory_space<vmem_shared>>
      tpu.wait_dma2 semaphore(%arg16 : memref<!tpu.dma_semaphore, #tpu.memory_space<semaphore_mem>>) src(%dma_wait3A_1352 : memref<4096xf32, #tpu.memory_space<vmem_shared>>) dst(%dma_wait3A_1350 : memref<4096xf32, #tpu.memory_space<hbm>>)
      %dma_wait3A_1353 = arith.constant 0 : i32
      %dma_wait3A_1354 = tpu.memref_slice %arg5[%mul3A_2, %dma_wait3A_1353] : memref<16384x4096xf32, #tpu.memory_space<hbm>> -> memref<1x4096xf32, #tpu.memory_space<hbm>>
      %dma_wait3A_1355 = tpu.memref_squeeze %dma_wait3A_1354 : memref<1x4096xf32, #tpu.memory_space<hbm>> -> memref<4096xf32, #tpu.memory_space<hbm>>
      %dma_wait3A_1356 = arith.constant 0 : i32
      %dma_wait3A_1357 = tpu.memref_slice %arg6[%dma_wait3A_1356] : memref<851968xf32, #tpu.memory_space<vmem_shared>> -> memref<4096xf32, #tpu.memory_space<vmem_shared>>
      tpu.wait_dma2 semaphore(%arg16 : memref<!tpu.dma_semaphore, #tpu.memory_space<semaphore_mem>>) src(%dma_wait3A_1357 : memref<4096xf32, #tpu.memory_space<vmem_shared>>) dst(%dma_wait3A_1355 : memref<4096xf32, #tpu.memory_space<hbm>>)
      %dma_wait3A_1358 = arith.constant 0 : i32
      %dma_wait3A_1359 = tpu.memref_slice %arg5[%mul3A_2, %dma_wait3A_1358] : memref<16384x4096xf32, #tpu.memory_space<hbm>> -> memref<1x4096xf32, #tpu.memory_space<hbm>>
      %dma_wait3A_1360 = tpu.memref_squeeze %dma_wait3A_1359 : memref<1x4096xf32, #tpu.memory_space<hbm>> -> memref<4096xf32, #tpu.memory_space<hbm>>
      %dma_wait3A_1361 = arith.constant 0 : i32
      %dma_wait3A_1362 = tpu.memref_slice %arg6[%dma_wait3A_1361] : memref<851968xf32, #tpu.memory_space<vmem_shared>> -> memref<4096xf32, #tpu.memory_space<vmem_shared>>
      tpu.wait_dma2 semaphore(%arg16 : memref<!tpu.dma_semaphore, #tpu.memory_space<semaphore_mem>>) src(%dma_wait3A_1362 : memref<4096xf32, #tpu.memory_space<vmem_shared>>) dst(%dma_wait3A_1360 : memref<4096xf32, #tpu.memory_space<hbm>>)
      %dma_wait3A_1363 = arith.constant 0 : i32
      %dma_wait3A_1364 = tpu.memref_slice %arg5[%mul3A_2, %dma_wait3A_1363] : memref<16384x4096xf32, #tpu.memory_space<hbm>> -> memref<1x4096xf32, #tpu.memory_space<hbm>>
      %dma_wait3A_1365 = tpu.memref_squeeze %dma_wait3A_1364 : memref<1x4096xf32, #tpu.memory_space<hbm>> -> memref<4096xf32, #tpu.memory_space<hbm>>
      %dma_wait3A_1366 = arith.constant 0 : i32
      %dma_wait3A_1367 = tpu.memref_slice %arg6[%dma_wait3A_1366] : memref<851968xf32, #tpu.memory_space<vmem_shared>> -> memref<4096xf32, #tpu.memory_space<vmem_shared>>
      tpu.wait_dma2 semaphore(%arg16 : memref<!tpu.dma_semaphore, #tpu.memory_space<semaphore_mem>>) src(%dma_wait3A_1367 : memref<4096xf32, #tpu.memory_space<vmem_shared>>) dst(%dma_wait3A_1365 : memref<4096xf32, #tpu.memory_space<hbm>>)
      %mul3A_1368 = arith.constant 8 : i32
      %mul3A_1369 = arith.muli %add3A_1327, %mul3A_1368 : i32
      %add3A_1370 = arith.constant 0 : i32
      %add3A_1371 = arith.addi %mul3A_1369, %add3A_1370 : i32
      %get3A_1372 = arith.index_cast %add3A_1371 : i32 to index
      %get3A_1373 = memref.load %arg8[%get3A_1372] : memref<512xi32, #tpu.memory_space<smem>>
      %mul3A_1374 = arith.constant 4096 : i32
      %mul3A_1375 = arith.muli %get3A_1373, %mul3A_1374 : i32
      %multiple_of3A_1376 = tpu.assume_multiple %mul3A_1375, 8 : i32
      %mul3A_1377 = arith.constant 8 : i32
      %mul3A_1378 = arith.muli %add3A_1327, %mul3A_1377 : i32
      %add3A_1379 = arith.addi %mul3A_2, %mul3A_1378 : i32
      %add3A_1380 = arith.constant 0 : i32
      %add3A_1381 = arith.addi %add3A_1379, %add3A_1380 : i32
      %dma_start3A_1382 = arith.constant 0 : i32
      %dma_start3A_1383 = tpu.memref_slice %arg5[%add3A_1381, %dma_start3A_1382] : memref<16384x4096xf32, #tpu.memory_space<hbm>> -> memref<1x4096xf32, #tpu.memory_space<hbm>>
      %dma_start3A_1384 = tpu.memref_squeeze %dma_start3A_1383 : memref<1x4096xf32, #tpu.memory_space<hbm>> -> memref<4096xf32, #tpu.memory_space<hbm>>
      %dma_start3A_1385 = tpu.memref_slice %arg6[%multiple_of3A_1376] : memref<851968xf32, #tpu.memory_space<vmem_shared>> -> memref<4096xf32, #tpu.memory_space<vmem_shared>>
      tpu.enqueue_dma source(%dma_start3A_1385 : memref<4096xf32, #tpu.memory_space<vmem_shared>>) target(%dma_start3A_1384 : memref<4096xf32, #tpu.memory_space<hbm>>) target_semaphore(%arg16 : memref<!tpu.dma_semaphore, #tpu.memory_space<semaphore_mem>>)
      %mul3A_1386 = arith.constant 8 : i32
      %mul3A_1387 = arith.muli %add3A_1327, %mul3A_1386 : i32
      %add3A_1388 = arith.constant 1 : i32
      %add3A_1389 = arith.addi %mul3A_1387, %add3A_1388 : i32
      %get3A_1390 = arith.index_cast %add3A_1389 : i32 to index
      %get3A_1391 = memref.load %arg8[%get3A_1390] : memref<512xi32, #tpu.memory_space<smem>>
      %mul3A_1392 = arith.constant 4096 : i32
      %mul3A_1393 = arith.muli %get3A_1391, %mul3A_1392 : i32
      %multiple_of3A_1394 = tpu.assume_multiple %mul3A_1393, 8 : i32
      %mul3A_1395 = arith.constant 8 : i32
      %mul3A_1396 = arith.muli %add3A_1327, %mul3A_1395 : i32
      %add3A_1397 = arith.addi %mul3A_2, %mul3A_1396 : i32
      %add3A_1398 = arith.constant 1 : i32
      %add3A_1399 = arith.addi %add3A_1397, %add3A_1398 : i32
      %dma_start3A_1400 = arith.constant 0 : i32
      %dma_start3A_1401 = tpu.memref_slice %arg5[%add3A_1399, %dma_start3A_1400] : memref<16384x4096xf32, #tpu.memory_space<hbm>> -> memref<1x4096xf32, #tpu.memory_space<hbm>>
      %dma_start3A_1402 = tpu.memref_squeeze %dma_start3A_1401 : memref<1x4096xf32, #tpu.memory_space<hbm>> -> memref<4096xf32, #tpu.memory_space<hbm>>
      %dma_start3A_1403 = tpu.memref_slice %arg6[%multiple_of3A_1394] : memref<851968xf32, #tpu.memory_space<vmem_shared>> -> memref<4096xf32, #tpu.memory_space<vmem_shared>>
      tpu.enqueue_dma source(%dma_start3A_1403 : memref<4096xf32, #tpu.memory_space<vmem_shared>>) target(%dma_start3A_1402 : memref<4096xf32, #tpu.memory_space<hbm>>) target_semaphore(%arg16 : memref<!tpu.dma_semaphore, #tpu.memory_space<semaphore_mem>>)
      %mul3A_1404 = arith.constant 8 : i32
      %mul3A_1405 = arith.muli %add3A_1327, %mul3A_1404 : i32
      %add3A_1406 = arith.constant 2 : i32
      %add3A_1407 = arith.addi %mul3A_1405, %add3A_1406 : i32
      %get3A_1408 = arith.index_cast %add3A_1407 : i32 to index
      %get3A_1409 = memref.load %arg8[%get3A_1408] : memref<512xi32, #tpu.memory_space<smem>>
      %mul3A_1410 = arith.constant 4096 : i32
      %mul3A_1411 = arith.muli %get3A_1409, %mul3A_1410 : i32
      %multiple_of3A_1412 = tpu.assume_multiple %mul3A_1411, 8 : i32
      %mul3A_1413 = arith.constant 8 : i32
      %mul3A_1414 = arith.muli %add3A_1327, %mul3A_1413 : i32
      %add3A_1415 = arith.addi %mul3A_2, %mul3A_1414 : i32
      %add3A_1416 = arith.constant 2 : i32
      %add3A_1417 = arith.addi %add3A_1415, %add3A_1416 : i32
      %dma_start3A_1418 = arith.constant 0 : i32
      %dma_start3A_1419 = tpu.memref_slice %arg5[%add3A_1417, %dma_start3A_1418] : memref<16384x4096xf32, #tpu.memory_space<hbm>> -> memref<1x4096xf32, #tpu.memory_space<hbm>>
      %dma_start3A_1420 = tpu.memref_squeeze %dma_start3A_1419 : memref<1x4096xf32, #tpu.memory_space<hbm>> -> memref<4096xf32, #tpu.memory_space<hbm>>
      %dma_start3A_1421 = tpu.memref_slice %arg6[%multiple_of3A_1412] : memref<851968xf32, #tpu.memory_space<vmem_shared>> -> memref<4096xf32, #tpu.memory_space<vmem_shared>>
      tpu.enqueue_dma source(%dma_start3A_1421 : memref<4096xf32, #tpu.memory_space<vmem_shared>>) target(%dma_start3A_1420 : memref<4096xf32, #tpu.memory_space<hbm>>) target_semaphore(%arg16 : memref<!tpu.dma_semaphore, #tpu.memory_space<semaphore_mem>>)
      %mul3A_1422 = arith.constant 8 : i32
      %mul3A_1423 = arith.muli %add3A_1327, %mul3A_1422 : i32
      %add3A_1424 = arith.constant 3 : i32
      %add3A_1425 = arith.addi %mul3A_1423, %add3A_1424 : i32
      %get3A_1426 = arith.index_cast %add3A_1425 : i32 to index
      %get3A_1427 = memref.load %arg8[%get3A_1426] : memref<512xi32, #tpu.memory_space<smem>>
      %mul3A_1428 = arith.constant 4096 : i32
      %mul3A_1429 = arith.muli %get3A_1427, %mul3A_1428 : i32
      %multiple_of3A_1430 = tpu.assume_multiple %mul3A_1429, 8 : i32
      %mul3A_1431 = arith.constant 8 : i32
      %mul3A_1432 = arith.muli %add3A_1327, %mul3A_1431 : i32
      %add3A_1433 = arith.addi %mul3A_2, %mul3A_1432 : i32
      %add3A_1434 = arith.constant 3 : i32
      %add3A_1435 = arith.addi %add3A_1433, %add3A_1434 : i32
      %dma_start3A_1436 = arith.constant 0 : i32
      %dma_start3A_1437 = tpu.memref_slice %arg5[%add3A_1435, %dma_start3A_1436] : memref<16384x4096xf32, #tpu.memory_space<hbm>> -> memref<1x4096xf32, #tpu.memory_space<hbm>>
      %dma_start3A_1438 = tpu.memref_squeeze %dma_start3A_1437 : memref<1x4096xf32, #tpu.memory_space<hbm>> -> memref<4096xf32, #tpu.memory_space<hbm>>
      %dma_start3A_1439 = tpu.memref_slice %arg6[%multiple_of3A_1430] : memref<851968xf32, #tpu.memory_space<vmem_shared>> -> memref<4096xf32, #tpu.memory_space<vmem_shared>>
      tpu.enqueue_dma source(%dma_start3A_1439 : memref<4096xf32, #tpu.memory_space<vmem_shared>>) target(%dma_start3A_1438 : memref<4096xf32, #tpu.memory_space<hbm>>) target_semaphore(%arg16 : memref<!tpu.dma_semaphore, #tpu.memory_space<semaphore_mem>>)
      %mul3A_1440 = arith.constant 8 : i32
      %mul3A_1441 = arith.muli %add3A_1327, %mul3A_1440 : i32
      %add3A_1442 = arith.constant 4 : i32
      %add3A_1443 = arith.addi %mul3A_1441, %add3A_1442 : i32
      %get3A_1444 = arith.index_cast %add3A_1443 : i32 to index
      %get3A_1445 = memref.load %arg8[%get3A_1444] : memref<512xi32, #tpu.memory_space<smem>>
      %mul3A_1446 = arith.constant 4096 : i32
      %mul3A_1447 = arith.muli %get3A_1445, %mul3A_1446 : i32
      %multiple_of3A_1448 = tpu.assume_multiple %mul3A_1447, 8 : i32
      %mul3A_1449 = arith.constant 8 : i32
      %mul3A_1450 = arith.muli %add3A_1327, %mul3A_1449 : i32
      %add3A_1451 = arith.addi %mul3A_2, %mul3A_1450 : i32
      %add3A_1452 = arith.constant 4 : i32
      %add3A_1453 = arith.addi %add3A_1451, %add3A_1452 : i32
      %dma_start3A_1454 = arith.constant 0 : i32
      %dma_start3A_1455 = tpu.memref_slice %arg5[%add3A_1453, %dma_start3A_1454] : memref<16384x4096xf32, #tpu.memory_space<hbm>> -> memref<1x4096xf32, #tpu.memory_space<hbm>>
      %dma_start3A_1456 = tpu.memref_squeeze %dma_start3A_1455 : memref<1x4096xf32, #tpu.memory_space<hbm>> -> memref<4096xf32, #tpu.memory_space<hbm>>
      %dma_start3A_1457 = tpu.memref_slice %arg6[%multiple_of3A_1448] : memref<851968xf32, #tpu.memory_space<vmem_shared>> -> memref<4096xf32, #tpu.memory_space<vmem_shared>>
      tpu.enqueue_dma source(%dma_start3A_1457 : memref<4096xf32, #tpu.memory_space<vmem_shared>>) target(%dma_start3A_1456 : memref<4096xf32, #tpu.memory_space<hbm>>) target_semaphore(%arg16 : memref<!tpu.dma_semaphore, #tpu.memory_space<semaphore_mem>>)
      %mul3A_1458 = arith.constant 8 : i32
      %mul3A_1459 = arith.muli %add3A_1327, %mul3A_1458 : i32
      %add3A_1460 = arith.constant 5 : i32
      %add3A_1461 = arith.addi %mul3A_1459, %add3A_1460 : i32
      %get3A_1462 = arith.index_cast %add3A_1461 : i32 to index
      %get3A_1463 = memref.load %arg8[%get3A_1462] : memref<512xi32, #tpu.memory_space<smem>>
      %mul3A_1464 = arith.constant 4096 : i32
      %mul3A_1465 = arith.muli %get3A_1463, %mul3A_1464 : i32
      %multiple_of3A_1466 = tpu.assume_multiple %mul3A_1465, 8 : i32
      %mul3A_1467 = arith.constant 8 : i32
      %mul3A_1468 = arith.muli %add3A_1327, %mul3A_1467 : i32
      %add3A_1469 = arith.addi %mul3A_2, %mul3A_1468 : i32
      %add3A_1470 = arith.constant 5 : i32
      %add3A_1471 = arith.addi %add3A_1469, %add3A_1470 : i32
      %dma_start3A_1472 = arith.constant 0 : i32
      %dma_start3A_1473 = tpu.memref_slice %arg5[%add3A_1471, %dma_start3A_1472] : memref<16384x4096xf32, #tpu.memory_space<hbm>> -> memref<1x4096xf32, #tpu.memory_space<hbm>>
      %dma_start3A_1474 = tpu.memref_squeeze %dma_start3A_1473 : memref<1x4096xf32, #tpu.memory_space<hbm>> -> memref<4096xf32, #tpu.memory_space<hbm>>
      %dma_start3A_1475 = tpu.memref_slice %arg6[%multiple_of3A_1466] : memref<851968xf32, #tpu.memory_space<vmem_shared>> -> memref<4096xf32, #tpu.memory_space<vmem_shared>>
      tpu.enqueue_dma source(%dma_start3A_1475 : memref<4096xf32, #tpu.memory_space<vmem_shared>>) target(%dma_start3A_1474 : memref<4096xf32, #tpu.memory_space<hbm>>) target_semaphore(%arg16 : memref<!tpu.dma_semaphore, #tpu.memory_space<semaphore_mem>>)
      %mul3A_1476 = arith.constant 8 : i32
      %mul3A_1477 = arith.muli %add3A_1327, %mul3A_1476 : i32
      %add3A_1478 = arith.constant 6 : i32
      %add3A_1479 = arith.addi %mul3A_1477, %add3A_1478 : i32
      %get3A_1480 = arith.index_cast %add3A_1479 : i32 to index
      %get3A_1481 = memref.load %arg8[%get3A_1480] : memref<512xi32, #tpu.memory_space<smem>>
      %mul3A_1482 = arith.constant 4096 : i32
      %mul3A_1483 = arith.muli %get3A_1481, %mul3A_1482 : i32
      %multiple_of3A_1484 = tpu.assume_multiple %mul3A_1483, 8 : i32
      %mul3A_1485 = arith.constant 8 : i32
      %mul3A_1486 = arith.muli %add3A_1327, %mul3A_1485 : i32
      %add3A_1487 = arith.addi %mul3A_2, %mul3A_1486 : i32
      %add3A_1488 = arith.constant 6 : i32
      %add3A_1489 = arith.addi %add3A_1487, %add3A_1488 : i32
      %dma_start3A_1490 = arith.constant 0 : i32
      %dma_start3A_1491 = tpu.memref_slice %arg5[%add3A_1489, %dma_start3A_1490] : memref<16384x4096xf32, #tpu.memory_space<hbm>> -> memref<1x4096xf32, #tpu.memory_space<hbm>>
      %dma_start3A_1492 = tpu.memref_squeeze %dma_start3A_1491 : memref<1x4096xf32, #tpu.memory_space<hbm>> -> memref<4096xf32, #tpu.memory_space<hbm>>
      %dma_start3A_1493 = tpu.memref_slice %arg6[%multiple_of3A_1484] : memref<851968xf32, #tpu.memory_space<vmem_shared>> -> memref<4096xf32, #tpu.memory_space<vmem_shared>>
      tpu.enqueue_dma source(%dma_start3A_1493 : memref<4096xf32, #tpu.memory_space<vmem_shared>>) target(%dma_start3A_1492 : memref<4096xf32, #tpu.memory_space<hbm>>) target_semaphore(%arg16 : memref<!tpu.dma_semaphore, #tpu.memory_space<semaphore_mem>>)
      %mul3A_1494 = arith.constant 8 : i32
      %mul3A_1495 = arith.muli %add3A_1327, %mul3A_1494 : i32
      %add3A_1496 = arith.constant 7 : i32
      %add3A_1497 = arith.addi %mul3A_1495, %add3A_1496 : i32
      %get3A_1498 = arith.index_cast %add3A_1497 : i32 to index
      %get3A_1499 = memref.load %arg8[%get3A_1498] : memref<512xi32, #tpu.memory_space<smem>>
      %mul3A_1500 = arith.constant 4096 : i32
      %mul3A_1501 = arith.muli %get3A_1499, %mul3A_1500 : i32
      %multiple_of3A_1502 = tpu.assume_multiple %mul3A_1501, 8 : i32
      %mul3A_1503 = arith.constant 8 : i32
      %mul3A_1504 = arith.muli %add3A_1327, %mul3A_1503 : i32
      %add3A_1505 = arith.addi %mul3A_2, %mul3A_1504 : i32
      %add3A_1506 = arith.constant 7 : i32
      %add3A_1507 = arith.addi %add3A_1505, %add3A_1506 : i32
      %dma_start3A_1508 = arith.constant 0 : i32
      %dma_start3A_1509 = tpu.memref_slice %arg5[%add3A_1507, %dma_start3A_1508] : memref<16384x4096xf32, #tpu.memory_space<hbm>> -> memref<1x4096xf32, #tpu.memory_space<hbm>>
      %dma_start3A_1510 = tpu.memref_squeeze %dma_start3A_1509 : memref<1x4096xf32, #tpu.memory_space<hbm>> -> memref<4096xf32, #tpu.memory_space<hbm>>
      %dma_start3A_1511 = tpu.memref_slice %arg6[%multiple_of3A_1502] : memref<851968xf32, #tpu.memory_space<vmem_shared>> -> memref<4096xf32, #tpu.memory_space<vmem_shared>>
      tpu.enqueue_dma source(%dma_start3A_1511 : memref<4096xf32, #tpu.memory_space<vmem_shared>>) target(%dma_start3A_1510 : memref<4096xf32, #tpu.memory_space<hbm>>) target_semaphore(%arg16 : memref<!tpu.dma_semaphore, #tpu.memory_space<semaphore_mem>>)
    }
    %scan3A_17 = arith.constant 4 : i32
    %multiple_of3A_18 = arith.constant 496 : i32
    %multiple_of3A_19 = tpu.assume_multiple %multiple_of3A_18, 8 : i32
    %dma_wait3A = tpu.memref_slice %arg9[%multiple_of3A_19] : memref<512xi32, #tpu.memory_space<vmem>> -> memref<8xi32, #tpu.memory_space<vmem>>
    %dma_wait3A_20 = arith.constant 0 : i32
    %dma_wait3A_21 = arith.constant 0 : i32
    %dma_wait3A_22 = tpu.memref_slice %arg4[%dma_wait3A_20, %dma_wait3A_21] : memref<208x4096xf32, #tpu.memory_space<hbm>> -> memref<208x4096xf32, #tpu.memory_space<hbm>>
    tpu.wait_indirect_dma semaphore(%arg13 : memref<!tpu.dma_semaphore, #tpu.memory_space<semaphore_mem>>) src(%dma_wait3A_22 : memref<208x4096xf32, #tpu.memory_space<hbm>>) dst(%arg11 : memref<8x4096xf32, #tpu.memory_space<vmem>>)
    %add3A_23 = arith.constant 496 : i32
    %add3A_24 = arith.addi %mul3A_2, %add3A_23 : i32
    %multiple_of3A_25 = tpu.assume_multiple %add3A_24, 8 : i32
    %dma_start3A = arith.constant 0 : i32
    %dma_start3A_26 = tpu.memref_slice %arg5[%multiple_of3A_25, %dma_start3A] : memref<16384x4096xf32, #tpu.memory_space<hbm>> -> memref<8x4096xf32, #tpu.memory_space<hbm>>
    %dma_start3A_27 = arith.constant 0 : i32
    %dma_start3A_28 = tpu.memref_slice %arg5[%multiple_of3A_25, %dma_start3A_27] : memref<16384x4096xf32, #tpu.memory_space<hbm>> -> memref<8x4096xf32, #tpu.memory_space<hbm>>
    tpu.enqueue_dma source(%arg11 : memref<8x4096xf32, #tpu.memory_space<vmem>>) target(%dma_start3A_28 : memref<8x4096xf32, #tpu.memory_space<hbm>>) target_semaphore(%arg15 : memref<!tpu.dma_semaphore, #tpu.memory_space<semaphore_mem>>)
    %dma_wait3A_29 = arith.constant 0 : i32
    %dma_wait3A_30 = tpu.memref_slice %arg5[%mul3A_2, %dma_wait3A_29] : memref<16384x4096xf32, #tpu.memory_space<hbm>> -> memref<1x4096xf32, #tpu.memory_space<hbm>>
    %dma_wait3A_31 = tpu.memref_squeeze %dma_wait3A_30 : memref<1x4096xf32, #tpu.memory_space<hbm>> -> memref<4096xf32, #tpu.memory_space<hbm>>
    %dma_wait3A_32 = arith.constant 0 : i32
    %dma_wait3A_33 = tpu.memref_slice %arg6[%dma_wait3A_32] : memref<851968xf32, #tpu.memory_space<vmem_shared>> -> memref<4096xf32, #tpu.memory_space<vmem_shared>>
    tpu.wait_dma2 semaphore(%arg16 : memref<!tpu.dma_semaphore, #tpu.memory_space<semaphore_mem>>) src(%dma_wait3A_33 : memref<4096xf32, #tpu.memory_space<vmem_shared>>) dst(%dma_wait3A_31 : memref<4096xf32, #tpu.memory_space<hbm>>)
    %dma_wait3A_34 = arith.constant 0 : i32
    %dma_wait3A_35 = tpu.memref_slice %arg5[%mul3A_2, %dma_wait3A_34] : memref<16384x4096xf32, #tpu.memory_space<hbm>> -> memref<1x4096xf32, #tpu.memory_space<hbm>>
    %dma_wait3A_36 = tpu.memref_squeeze %dma_wait3A_35 : memref<1x4096xf32, #tpu.memory_space<hbm>> -> memref<4096xf32, #tpu.memory_space<hbm>>
    %dma_wait3A_37 = arith.constant 0 : i32
    %dma_wait3A_38 = tpu.memref_slice %arg6[%dma_wait3A_37] : memref<851968xf32, #tpu.memory_space<vmem_shared>> -> memref<4096xf32, #tpu.memory_space<vmem_shared>>
    tpu.wait_dma2 semaphore(%arg16 : memref<!tpu.dma_semaphore, #tpu.memory_space<semaphore_mem>>) src(%dma_wait3A_38 : memref<4096xf32, #tpu.memory_space<vmem_shared>>) dst(%dma_wait3A_36 : memref<4096xf32, #tpu.memory_space<hbm>>)
    %dma_wait3A_39 = arith.constant 0 : i32
    %dma_wait3A_40 = tpu.memref_slice %arg5[%mul3A_2, %dma_wait3A_39] : memref<16384x4096xf32, #tpu.memory_space<hbm>> -> memref<1x4096xf32, #tpu.memory_space<hbm>>
    %dma_wait3A_41 = tpu.memref_squeeze %dma_wait3A_40 : memref<1x4096xf32, #tpu.memory_space<hbm>> -> memref<4096xf32, #tpu.memory_space<hbm>>
    %dma_wait3A_42 = arith.constant 0 : i32
    %dma_wait3A_43 = tpu.memref_slice %arg6[%dma_wait3A_42] : memref<851968xf32, #tpu.memory_space<vmem_shared>> -> memref<4096xf32, #tpu.memory_space<vmem_shared>>
    tpu.wait_dma2 semaphore(%arg16 : memref<!tpu.dma_semaphore, #tpu.memory_space<semaphore_mem>>) src(%dma_wait3A_43 : memref<4096xf32, #tpu.memory_space<vmem_shared>>) dst(%dma_wait3A_41 : memref<4096xf32, #tpu.memory_space<hbm>>)
    %dma_wait3A_44 = arith.constant 0 : i32
    %dma_wait3A_45 = tpu.memref_slice %arg5[%mul3A_2, %dma_wait3A_44] : memref<16384x4096xf32, #tpu.memory_space<hbm>> -> memref<1x4096xf32, #tpu.memory_space<hbm>>
    %dma_wait3A_46 = tpu.memref_squeeze %dma_wait3A_45 : memref<1x4096xf32, #tpu.memory_space<hbm>> -> memref<4096xf32, #tpu.memory_space<hbm>>
    %dma_wait3A_47 = arith.constant 0 : i32
    %dma_wait3A_48 = tpu.memref_slice %arg6[%dma_wait3A_47] : memref<851968xf32, #tpu.memory_space<vmem_shared>> -> memref<4096xf32, #tpu.memory_space<vmem_shared>>
    tpu.wait_dma2 semaphore(%arg16 : memref<!tpu.dma_semaphore, #tpu.memory_space<semaphore_mem>>) src(%dma_wait3A_48 : memref<4096xf32, #tpu.memory_space<vmem_shared>>) dst(%dma_wait3A_46 : memref<4096xf32, #tpu.memory_space<hbm>>)
    %dma_wait3A_49 = arith.constant 0 : i32
    %dma_wait3A_50 = tpu.memref_slice %arg5[%mul3A_2, %dma_wait3A_49] : memref<16384x4096xf32, #tpu.memory_space<hbm>> -> memref<1x4096xf32, #tpu.memory_space<hbm>>
    %dma_wait3A_51 = tpu.memref_squeeze %dma_wait3A_50 : memref<1x4096xf32, #tpu.memory_space<hbm>> -> memref<4096xf32, #tpu.memory_space<hbm>>
    %dma_wait3A_52 = arith.constant 0 : i32
    %dma_wait3A_53 = tpu.memref_slice %arg6[%dma_wait3A_52] : memref<851968xf32, #tpu.memory_space<vmem_shared>> -> memref<4096xf32, #tpu.memory_space<vmem_shared>>
    tpu.wait_dma2 semaphore(%arg16 : memref<!tpu.dma_semaphore, #tpu.memory_space<semaphore_mem>>) src(%dma_wait3A_53 : memref<4096xf32, #tpu.memory_space<vmem_shared>>) dst(%dma_wait3A_51 : memref<4096xf32, #tpu.memory_space<hbm>>)
    %dma_wait3A_54 = arith.constant 0 : i32
    %dma_wait3A_55 = tpu.memref_slice %arg5[%mul3A_2, %dma_wait3A_54] : memref<16384x4096xf32, #tpu.memory_space<hbm>> -> memref<1x4096xf32, #tpu.memory_space<hbm>>
    %dma_wait3A_56 = tpu.memref_squeeze %dma_wait3A_55 : memref<1x4096xf32, #tpu.memory_space<hbm>> -> memref<4096xf32, #tpu.memory_space<hbm>>
    %dma_wait3A_57 = arith.constant 0 : i32
    %dma_wait3A_58 = tpu.memref_slice %arg6[%dma_wait3A_57] : memref<851968xf32, #tpu.memory_space<vmem_shared>> -> memref<4096xf32, #tpu.memory_space<vmem_shared>>
    tpu.wait_dma2 semaphore(%arg16 : memref<!tpu.dma_semaphore, #tpu.memory_space<semaphore_mem>>) src(%dma_wait3A_58 : memref<4096xf32, #tpu.memory_space<vmem_shared>>) dst(%dma_wait3A_56 : memref<4096xf32, #tpu.memory_space<hbm>>)
    %dma_wait3A_59 = arith.constant 0 : i32
    %dma_wait3A_60 = tpu.memref_slice %arg5[%mul3A_2, %dma_wait3A_59] : memref<16384x4096xf32, #tpu.memory_space<hbm>> -> memref<1x4096xf32, #tpu.memory_space<hbm>>
    %dma_wait3A_61 = tpu.memref_squeeze %dma_wait3A_60 : memref<1x4096xf32, #tpu.memory_space<hbm>> -> memref<4096xf32, #tpu.memory_space<hbm>>
    %dma_wait3A_62 = arith.constant 0 : i32
    %dma_wait3A_63 = tpu.memref_slice %arg6[%dma_wait3A_62] : memref<851968xf32, #tpu.memory_space<vmem_shared>> -> memref<4096xf32, #tpu.memory_space<vmem_shared>>
    tpu.wait_dma2 semaphore(%arg16 : memref<!tpu.dma_semaphore, #tpu.memory_space<semaphore_mem>>) src(%dma_wait3A_63 : memref<4096xf32, #tpu.memory_space<vmem_shared>>) dst(%dma_wait3A_61 : memref<4096xf32, #tpu.memory_space<hbm>>)
    %dma_wait3A_64 = arith.constant 0 : i32
    %dma_wait3A_65 = tpu.memref_slice %arg5[%mul3A_2, %dma_wait3A_64] : memref<16384x4096xf32, #tpu.memory_space<hbm>> -> memref<1x4096xf32, #tpu.memory_space<hbm>>
    %dma_wait3A_66 = tpu.memref_squeeze %dma_wait3A_65 : memref<1x4096xf32, #tpu.memory_space<hbm>> -> memref<4096xf32, #tpu.memory_space<hbm>>
    %dma_wait3A_67 = arith.constant 0 : i32
    %dma_wait3A_68 = tpu.memref_slice %arg6[%dma_wait3A_67] : memref<851968xf32, #tpu.memory_space<vmem_shared>> -> memref<4096xf32, #tpu.memory_space<vmem_shared>>
    tpu.wait_dma2 semaphore(%arg16 : memref<!tpu.dma_semaphore, #tpu.memory_space<semaphore_mem>>) src(%dma_wait3A_68 : memref<4096xf32, #tpu.memory_space<vmem_shared>>) dst(%dma_wait3A_66 : memref<4096xf32, #tpu.memory_space<hbm>>)
    %dma_wait3A_69 = arith.constant 0 : i32
    %dma_wait3A_70 = tpu.memref_slice %arg5[%mul3A_2, %dma_wait3A_69] : memref<16384x4096xf32, #tpu.memory_space<hbm>> -> memref<1x4096xf32, #tpu.memory_space<hbm>>
    %dma_wait3A_71 = tpu.memref_squeeze %dma_wait3A_70 : memref<1x4096xf32, #tpu.memory_space<hbm>> -> memref<4096xf32, #tpu.memory_space<hbm>>
    %dma_wait3A_72 = arith.constant 0 : i32
    %dma_wait3A_73 = tpu.memref_slice %arg6[%dma_wait3A_72] : memref<851968xf32, #tpu.memory_space<vmem_shared>> -> memref<4096xf32, #tpu.memory_space<vmem_shared>>
    tpu.wait_dma2 semaphore(%arg16 : memref<!tpu.dma_semaphore, #tpu.memory_space<semaphore_mem>>) src(%dma_wait3A_73 : memref<4096xf32, #tpu.memory_space<vmem_shared>>) dst(%dma_wait3A_71 : memref<4096xf32, #tpu.memory_space<hbm>>)
    %dma_wait3A_74 = arith.constant 0 : i32
    %dma_wait3A_75 = tpu.memref_slice %arg5[%mul3A_2, %dma_wait3A_74] : memref<16384x4096xf32, #tpu.memory_space<hbm>> -> memref<1x4096xf32, #tpu.memory_space<hbm>>
    %dma_wait3A_76 = tpu.memref_squeeze %dma_wait3A_75 : memref<1x4096xf32, #tpu.memory_space<hbm>> -> memref<4096xf32, #tpu.memory_space<hbm>>
    %dma_wait3A_77 = arith.constant 0 : i32
    %dma_wait3A_78 = tpu.memref_slice %arg6[%dma_wait3A_77] : memref<851968xf32, #tpu.memory_space<vmem_shared>> -> memref<4096xf32, #tpu.memory_space<vmem_shared>>
    tpu.wait_dma2 semaphore(%arg16 : memref<!tpu.dma_semaphore, #tpu.memory_space<semaphore_mem>>) src(%dma_wait3A_78 : memref<4096xf32, #tpu.memory_space<vmem_shared>>) dst(%dma_wait3A_76 : memref<4096xf32, #tpu.memory_space<hbm>>)
    %dma_wait3A_79 = arith.constant 0 : i32
    %dma_wait3A_80 = tpu.memref_slice %arg5[%mul3A_2, %dma_wait3A_79] : memref<16384x4096xf32, #tpu.memory_space<hbm>> -> memref<1x4096xf32, #tpu.memory_space<hbm>>
    %dma_wait3A_81 = tpu.memref_squeeze %dma_wait3A_80 : memref<1x4096xf32, #tpu.memory_space<hbm>> -> memref<4096xf32, #tpu.memory_space<hbm>>
    %dma_wait3A_82 = arith.constant 0 : i32
    %dma_wait3A_83 = tpu.memref_slice %arg6[%dma_wait3A_82] : memref<851968xf32, #tpu.memory_space<vmem_shared>> -> memref<4096xf32, #tpu.memory_space<vmem_shared>>
    tpu.wait_dma2 semaphore(%arg16 : memref<!tpu.dma_semaphore, #tpu.memory_space<semaphore_mem>>) src(%dma_wait3A_83 : memref<4096xf32, #tpu.memory_space<vmem_shared>>) dst(%dma_wait3A_81 : memref<4096xf32, #tpu.memory_space<hbm>>)
    %dma_wait3A_84 = arith.constant 0 : i32
    %dma_wait3A_85 = tpu.memref_slice %arg5[%mul3A_2, %dma_wait3A_84] : memref<16384x4096xf32, #tpu.memory_space<hbm>> -> memref<1x4096xf32, #tpu.memory_space<hbm>>
    %dma_wait3A_86 = tpu.memref_squeeze %dma_wait3A_85 : memref<1x4096xf32, #tpu.memory_space<hbm>> -> memref<4096xf32, #tpu.memory_space<hbm>>
    %dma_wait3A_87 = arith.constant 0 : i32
    %dma_wait3A_88 = tpu.memref_slice %arg6[%dma_wait3A_87] : memref<851968xf32, #tpu.memory_space<vmem_shared>> -> memref<4096xf32, #tpu.memory_space<vmem_shared>>
    tpu.wait_dma2 semaphore(%arg16 : memref<!tpu.dma_semaphore, #tpu.memory_space<semaphore_mem>>) src(%dma_wait3A_88 : memref<4096xf32, #tpu.memory_space<vmem_shared>>) dst(%dma_wait3A_86 : memref<4096xf32, #tpu.memory_space<hbm>>)
    %dma_wait3A_89 = arith.constant 0 : i32
    %dma_wait3A_90 = tpu.memref_slice %arg5[%mul3A_2, %dma_wait3A_89] : memref<16384x4096xf32, #tpu.memory_space<hbm>> -> memref<1x4096xf32, #tpu.memory_space<hbm>>
    %dma_wait3A_91 = tpu.memref_squeeze %dma_wait3A_90 : memref<1x4096xf32, #tpu.memory_space<hbm>> -> memref<4096xf32, #tpu.memory_space<hbm>>
    %dma_wait3A_92 = arith.constant 0 : i32
    %dma_wait3A_93 = tpu.memref_slice %arg6[%dma_wait3A_92] : memref<851968xf32, #tpu.memory_space<vmem_shared>> -> memref<4096xf32, #tpu.memory_space<vmem_shared>>
    tpu.wait_dma2 semaphore(%arg16 : memref<!tpu.dma_semaphore, #tpu.memory_space<semaphore_mem>>) src(%dma_wait3A_93 : memref<4096xf32, #tpu.memory_space<vmem_shared>>) dst(%dma_wait3A_91 : memref<4096xf32, #tpu.memory_space<hbm>>)
    %dma_wait3A_94 = arith.constant 0 : i32
    %dma_wait3A_95 = tpu.memref_slice %arg5[%mul3A_2, %dma_wait3A_94] : memref<16384x4096xf32, #tpu.memory_space<hbm>> -> memref<1x4096xf32, #tpu.memory_space<hbm>>
    %dma_wait3A_96 = tpu.memref_squeeze %dma_wait3A_95 : memref<1x4096xf32, #tpu.memory_space<hbm>> -> memref<4096xf32, #tpu.memory_space<hbm>>
    %dma_wait3A_97 = arith.constant 0 : i32
    %dma_wait3A_98 = tpu.memref_slice %arg6[%dma_wait3A_97] : memref<851968xf32, #tpu.memory_space<vmem_shared>> -> memref<4096xf32, #tpu.memory_space<vmem_shared>>
    tpu.wait_dma2 semaphore(%arg16 : memref<!tpu.dma_semaphore, #tpu.memory_space<semaphore_mem>>) src(%dma_wait3A_98 : memref<4096xf32, #tpu.memory_space<vmem_shared>>) dst(%dma_wait3A_96 : memref<4096xf32, #tpu.memory_space<hbm>>)
    %dma_wait3A_99 = arith.constant 0 : i32
    %dma_wait3A_100 = tpu.memref_slice %arg5[%mul3A_2, %dma_wait3A_99] : memref<16384x4096xf32, #tpu.memory_space<hbm>> -> memref<1x4096xf32, #tpu.memory_space<hbm>>
    %dma_wait3A_101 = tpu.memref_squeeze %dma_wait3A_100 : memref<1x4096xf32, #tpu.memory_space<hbm>> -> memref<4096xf32, #tpu.memory_space<hbm>>
    %dma_wait3A_102 = arith.constant 0 : i32
    %dma_wait3A_103 = tpu.memref_slice %arg6[%dma_wait3A_102] : memref<851968xf32, #tpu.memory_space<vmem_shared>> -> memref<4096xf32, #tpu.memory_space<vmem_shared>>
    tpu.wait_dma2 semaphore(%arg16 : memref<!tpu.dma_semaphore, #tpu.memory_space<semaphore_mem>>) src(%dma_wait3A_103 : memref<4096xf32, #tpu.memory_space<vmem_shared>>) dst(%dma_wait3A_101 : memref<4096xf32, #tpu.memory_space<hbm>>)
    %dma_wait3A_104 = arith.constant 0 : i32
    %dma_wait3A_105 = tpu.memref_slice %arg5[%mul3A_2, %dma_wait3A_104] : memref<16384x4096xf32, #tpu.memory_space<hbm>> -> memref<1x4096xf32, #tpu.memory_space<hbm>>
    %dma_wait3A_106 = tpu.memref_squeeze %dma_wait3A_105 : memref<1x4096xf32, #tpu.memory_space<hbm>> -> memref<4096xf32, #tpu.memory_space<hbm>>
    %dma_wait3A_107 = arith.constant 0 : i32
    %dma_wait3A_108 = tpu.memref_slice %arg6[%dma_wait3A_107] : memref<851968xf32, #tpu.memory_space<vmem_shared>> -> memref<4096xf32, #tpu.memory_space<vmem_shared>>
    tpu.wait_dma2 semaphore(%arg16 : memref<!tpu.dma_semaphore, #tpu.memory_space<semaphore_mem>>) src(%dma_wait3A_108 : memref<4096xf32, #tpu.memory_space<vmem_shared>>) dst(%dma_wait3A_106 : memref<4096xf32, #tpu.memory_space<hbm>>)
    %multiple_of3A_109 = tpu.assume_multiple %mul3A_2, 8 : i32
    %dma_wait3A_110 = arith.constant 0 : i32
    %dma_wait3A_111 = tpu.memref_slice %arg5[%multiple_of3A_109, %dma_wait3A_110] : memref<16384x4096xf32, #tpu.memory_space<hbm>> -> memref<8x4096xf32, #tpu.memory_space<hbm>>
    %dma_wait3A_112 = arith.constant 0 : i32
    %dma_wait3A_113 = tpu.memref_slice %arg5[%multiple_of3A_109, %dma_wait3A_112] : memref<16384x4096xf32, #tpu.memory_space<hbm>> -> memref<8x4096xf32, #tpu.memory_space<hbm>>
    tpu.wait_dma2 semaphore(%arg14 : memref<!tpu.dma_semaphore, #tpu.memory_space<semaphore_mem>>) src(%arg10 : memref<8x4096xf32, #tpu.memory_space<vmem>>) dst(%dma_wait3A_113 : memref<8x4096xf32, #tpu.memory_space<hbm>>)
    %multiple_of3A_114 = tpu.assume_multiple %mul3A_2, 8 : i32
    %dma_wait3A_115 = arith.constant 0 : i32
    %dma_wait3A_116 = tpu.memref_slice %arg5[%multiple_of3A_114, %dma_wait3A_115] : memref<16384x4096xf32, #tpu.memory_space<hbm>> -> memref<8x4096xf32, #tpu.memory_space<hbm>>
    %dma_wait3A_117 = arith.constant 0 : i32
    %dma_wait3A_118 = tpu.memref_slice %arg5[%multiple_of3A_114, %dma_wait3A_117] : memref<16384x4096xf32, #tpu.memory_space<hbm>> -> memref<8x4096xf32, #tpu.memory_space<hbm>>
    tpu.wait_dma2 semaphore(%arg15 : memref<!tpu.dma_semaphore, #tpu.memory_space<semaphore_mem>>) src(%arg11 : memref<8x4096xf32, #tpu.memory_space<vmem>>) dst(%dma_wait3A_118 : memref<8x4096xf32, #tpu.memory_space<hbm>>)
    return
  }
}

</mosaic_0001>

<sc_bundles>
// kernel: kernel.3.cloned.1.call-start
scs
__scs_entry_jumppad:
0x0: {  	(pc) =	sbr.rel $0x88, $3  }
0x1: {  	(tag) =	ssettag $0x0;
	lr =	simm.s32 $0x1  }
0x2: {  	[smem:$0x3F9F] =	sst lr;
	_ =	strace $0xD0000000  }
0x3: {  	_ = 	snop  }
0x4: {  	_ = 	snop  }
0x5: {  	_ = 	snop  }
0x6: {  	_ = 	snop  }
0x7: {  	_ = 	snop  }
__scs_overlays_trampoline_lowered:
0x8: {  	[smem:$0x3FAE] =	sst s0  }
0x9: {  	[smem:$0x3FAF] =	sst s1  }
0xa: {  	[smem:$0x3FB0] =	sst s2  }
0xb: {  	[smem:$0x3FB1] =	sst s3  }
0xc: {  	[smem:$0x3FB2] =	sst s4  }
0xd: {  	[smem:$0x3FB3] =	sst s5  }
0xe: {  	[smem:$0x3FB4] =	sst s6  }
0xf: {  	[smem:$0x3FB5] =	sst s7  }
0x10: {  	[smem:$0x3FB6] =	sst s8  }
0x11: {  	[smem:$0x3FB7] =	sst s9;
	s0 =	simm.s32 @!p0 $0x0  }
0x12: {  	s1 =	sld [smem:$0x3F9D];
	s0 =	simm.s32 @p0 $0x1  }
0x13: {  	[smem:$0x3FB8] =	sst s0;
	s0 =	simm.s32 @!p1 $0x0  }
0x14: {  	s2 =	sld [smem:$0x3F9C];
	s0 =	simm.s32 @p1 $0x1  }
0x15: {  	[smem:$0x3FB9] =	sst s0;
	s0 =	simm.s32 @!p2 $0x0  }
0x16: {  	s3 =	sld [smem:$0x3FDB];
	s0 =	simm.s32 @p2 $0x1  }
0x17: {  	s4 =	simm.s32 $0x1BF5;
	[smem:$0x3FBB] =	sst s0  }
0x18: {  	s0 =	sld [smem:$0x3F9E];
	_ =	swait.ge [sflag:s4], $0x0  }
0x19: {  	s7 =	sld [smem:$0x3F9F]  }
0x1a: {  	s8 =	sadd.s32 $0xFFFFE003, lr  }
0x1b: {  	s9 =	sadd.s32 $0xFFFFFEF7, lr;
	s5 =	simm.s32 $0xFFFFFFFF;
	p2 =	slt.u32 s8, $0xFFFFF086  }
0x1c: {  	p1 =	slt.u32 s9, $0xF7A;
	s5 =	simm.s32 @!p2 $0x0  }
0x1d: {  	s5 =	simm.s32 @p1 $0x1;
	p0 =	seq.s32 s7, s2  }
0x1e: {  	s7 =	smul.u32 @!p0 $0xF7A, s2;
	p2 =	seq.s32 @!p0 s5, $0x0  }
0x1f: {  	s9 =	smul.u32 $0xF7A, s1;
	s8 =	simm.s32 @!p0 $0x1BF5;
	p2 =	por !p2, p0  }
0x20: {  	[sflag:s8] =	ssyncset.s32 @!p0 $0xFFFFF086;
	s6 =	sadd.s32 @!p0 s3, s7;
	s7 =	simm.s32 @!p0 $0x108  }
0x21: {  	s3 =	sadd.s32 s3, s9;
	s6 =	sadd.s32 @!p0 $0x88, s6;
	s7 =	simm.s32 @p2 $0x1082  }
0x22: {  	[simem:s7], [sflag:s8] =	dma.local @!p0 [hbm:s6], $0xF7A  }
0x23: {  	s9 =	sor.u32 $0xD0000000, s2;
	s6 =	simm.s32 $0x108;
	_ =	swait.ge @!p0 [sflag:s8], $0x0  }
0x24: {  	s3 =	sadd.s32 $0x88, s3;
	s6 =	simm.s32 @!p1 $0x1082;
	[sflag:s4] =	ssyncset.s32 $0xFFFFF086  }
0x25: {  	[simem:s6], [sflag:s4] =	dma.local [hbm:s3], $0xF7A  }
0x26: {  	[smem:$0x3F9F] =	sst s1;
	(tag) =	ssettag s2;
	_ =	strace s9  }
0x27: {  	s1 =	sld [smem:$0x3FAF]  }
0x28: {  	s2 =	sld [smem:$0x3FB0]  }
0x29: {  	s4 =	sld [smem:$0x3FB2]  }
0x2a: {  	p0 =	seq.s32 s5, $0x0;
	s5 =	sld [smem:$0x3FB3]  }
0x2b: {  	s6 =	sld [smem:$0x3FB4]  }
0x2c: {  	s7 =	sld [smem:$0x3FB5]  }
0x2d: {  	s3 =	simm.s32 $0x108;
	s8 =	sld [smem:$0x3FB6]  }
0x2e: {  	s3 =	simm.s32 @!p0 $0x1082;
	s9 =	sld [smem:$0x3FB7]  }
0x2f: {  	lr =	sadd.s32 s0, s3;
	s0 =	sld [smem:$0x3FAE]  }
0x30: {  	s3 =	sld [smem:$0x3FB1]  }
0x31: {  	[smem:$0x3FBA] =	sst s10  }
0x32: {  	s10 =	sld [smem:$0x3FB8];
	_ =	sdelay $0x3  }
0x33: {  	p0 =	seq.s32 s10, $0x1;
	s10 =	sld [smem:$0x3FBA];
	_ =	sdelay $0x3  }
0x34: {  	[smem:$0x3FBA] =	sst s10  }
0x35: {  	s10 =	sld [smem:$0x3FB9];
	_ =	sdelay $0x3  }
0x36: {  	p1 =	seq.s32 s10, $0x1;
	s10 =	sld [smem:$0x3FBA];
	_ =	sdelay $0x3  }
0x37: {  	[smem:$0x3FBA] =	sst s10  }
0x38: {  	s10 =	sld [smem:$0x3FBB]  }
0x39: {  	_ = 	snop;
	(pc) =	sbr.ind lr, $3  }
0x3a: {  	_ = 	snop  }
0x3b: {  	_ = 	snop  }
0x3c: {  	p2 =	seq.s32 s10, $0x1;
	s10 =	sld [smem:$0x3FBA]  }
0x3d: {  	_ =	shalt  }
0x3e: {  	_ =	shalt  }
0x3f: {  	_ =	shalt  }
0x40: {  	_ =	shalt  }
0x41: {  	_ =	shalt  }
0x42: {  	_ =	shalt  }
0x43: {  	_ =	shalt  }
0x44: {  	_ =	shalt  }
0x45: {  	_ =	shalt  }
0x46: {  	_ =	shalt  }
0x47: {  	_ =	shalt  }
0x48: {  	_ =	shalt  }
0x49: {  	_ =	shalt  }
0x4a: {  	_ =	shalt  }
0x4b: {  	_ =	shalt  }
0x4c: {  	_ =	shalt  }
0x4d: {  	_ =	shalt  }
0x4e: {  	_ =	shalt  }
0x4f: {  	_ =	shalt  }
0x50: {  	_ =	shalt  }
0x51: {  	_ =	shalt  }
0x52: {  	_ =	shalt  }
0x53: {  	_ =	shalt  }
0x54: {  	_ =	shalt  }
0x55: {  	_ =	shalt  }
0x56: {  	_ =	shalt  }
0x57: {  	_ =	shalt  }
0x58: {  	_ =	shalt  }
0x59: {  	_ =	shalt  }
0x5a: {  	_ =	shalt  }
0x5b: {  	_ =	shalt  }
0x5c: {  	_ =	shalt  }
0x5d: {  	_ =	shalt  }
0x5e: {  	_ =	shalt  }
0x5f: {  	_ =	shalt  }
0x60: {  	_ =	shalt  }
0x61: {  	_ =	shalt  }
0x62: {  	_ =	shalt  }
0x63: {  	_ =	shalt  }
0x64: {  	_ =	shalt  }
0x65: {  	_ =	shalt  }
0x66: {  	_ =	shalt  }
0x67: {  	_ =	shalt  }
0x68: {  	_ =	shalt  }
0x69: {  	_ =	shalt  }
0x6a: {  	_ =	shalt  }
0x6b: {  	_ =	shalt  }
0x6c: {  	_ =	shalt  }
0x6d: {  	_ =	shalt  }
0x6e: {  	_ =	shalt  }
0x6f: {  	_ =	shalt  }
0x70: {  	_ =	shalt  }
0x71: {  	_ =	shalt  }
0x72: {  	_ =	shalt  }
0x73: {  	_ =	shalt  }
0x74: {  	_ =	shalt  }
0x75: {  	_ =	shalt  }
0x76: {  	_ =	shalt  }
0x77: {  	_ =	shalt  }
0x78: {  	_ =	shalt  }
0x79: {  	_ =	shalt  }
0x7a: {  	_ =	shalt  }
0x7b: {  	_ =	shalt  }
0x7c: {  	_ =	shalt  }
0x7d: {  	_ =	shalt  }
0x7e: {  	_ =	shalt  }
0x7f: {  	_ =	shalt  }
0x80: {  	_ =	shalt  }
0x81: {  	_ =	shalt  }
0x82: {  	_ =	shalt  }
0x83: {  	_ =	shalt  }
0x84: {  	_ =	shalt  }
0x85: {  	_ =	shalt  }
0x86: {  	_ =	shalt  }
0x87: {  	_ =	shalt  }
.Lfunc_end0:
.L_simem_size_0:
called_computation_lowered:
.L_overlay_start_0:
0x88: {  	s2 =	sld [smem:$0x3FD9]  }
0x89: {  	s3 =	sld [smem:$0x3FFE];
	_ =	sdelay $0x1  }
0x8a: {  	s1 =	srdreg.scid  }
0x8b: {  	s0 =	sand.u32 $0x1, s1  }
0x8c: {  	s17 =	sshll.u32 s0, $0xA;
	s2 =	sadd.s32 s3, s2  }
0x8d: {  	s2 =	sadd.s32 s2, s17  }
0x8e: {  	[smem:$0x3FC6] =	sst s2  }
0x8f: {  	_ = 	snop  }
0x90: {  	s2 =	sld [smem:$0x3FC9]  }
0x91: {  	s18 =	sld [smem:$0x3FD0];
	(tm) =	ssettm $0x1  }
0x92: {  	s4 =	sld [smem:$0x3FFB];
	_ =	sdelay $0x3  }
0x93: {  	_ =	strace s4  }
0x94: {  	s4 =	sld [smem:$0x3FFC];
	_ =	sdelay $0x3  }
0x95: {  	_ =	strace s4  }
0x96: {  	s4 =	sld [smem:$0x3FFD];
	_ =	sdelay $0x3  }
0x97: {  	_ =	strace s4  }
0x98: {  	_ =	strace $0x8FFFFFFF  }
0x99: {  	s19 =	sld [smem:$0x3FDB];
	_ =	sdelay $0x1  }
0x9a: {  	s5 =	simm.s32 $_scs_section_size  }
0x9b: {  	s6 =	simm.s32 $_size__tile_overlayer_lowered;
	s7 =	simm.s32 $_tile_overlayer_lowered  }
0x9c: {  	s22 =	simm.s32 $0x1BFF;
	s21 =	sshll.u32 s7, $0x1;
	s4 =	sadd.s32 s5, s19  }
0x9d: {  	s8 =	simm.s32 $0x0;
	s20 =	sshll.u32 s6, $0x1;
	s6 =	sadd.s32 s21, s4  }
0x9e: {  	[timem:s8], [sflag:s22] =	dma.local [hbm:s6], s20  }
0x9f: {  	_ =	swait.ge [sflag:s22], s20  }
0xa0: {  	s5 =	ssub.s32 $0x0, s20;
	[sflag:s22] =	ssyncset.done $0x0  }
0xa1: {  	[sflag:s22] =	ssyncadd.s32 s5;
	_ =	sdelay $0x1  }
0xa2: {  	s23 =	simm.s32 $0x1B8B  }
0xa3: {  	_ =	swait.ge [sflag:s23], $0x1  }
0xa4: {  	[sflag:s23] =	ssyncset.done $0x0  }
0xa5: {  	s25 =	simm.s32 $0x1B8E;
	s24 =	sld [smem:$0x3FFE];
	[sflag:s23] =	ssyncadd.s32 $0xFFFFFFFF  }
0xa6: {  	s26 =	simm.s32 $execute0_lowered;
	[smem:$0x3FD2] =	sst s25  }
0xa7: {  	s6 =	sshll.u32 s26, $0x1;
	_ =	strace $0x80000046;
	[dreg:$0x1] =	wrdreg $0xFFFFFFFF  }
0xa8: {  	s28 =	simm.s32 $_size_execute0_lowered;
	s4 =	sadd.s32 s4, s6;
	[dreg:$0x0] =	wrdreg $0x0  }
0xa9: {  	s6 =	sshll.u32 s28, $0x1;
	[dreg:$0x2] =	wrdreg s4  }
0xaa: {  	[dreg:$0x3] =	wrdreg s6  }
0xab: {  	[dreg:$0x4] =	wrdreg $0xC0  }
0xac: {  	_ =	task [dreg:s8], $0x5FFFF  }
0xad: {  	[dreg:$0x1] =	wrdreg $0xFFFFFFFF  }
0xae: {  	[dreg:$0x0] =	wrdreg $0x60  }
0xaf: {  	[dreg:$0x2] =	wrdreg s2  }
0xb0: {  	[dreg:$0x3] =	wrdreg s24  }
0xb1: {  	[dreg:$0x4] =	wrdreg s18  }
0xb2: {  	[dreg:$0x5] =	wrdreg $0x0  }
0xb3: {  	[dreg:$0x6] =	wrdreg $0xD0000  }
0xb4: {  	[dreg:$0x7] =	wrdreg $0x9  }
0xb5: {  	_ =	task.clear_ibuf [dreg:s8], $0x8FFFF;
	_ =	strace $0x90000046  }
0xb6: {  	s29 =	simm.s32 $0x9;
	_ =	strace $0x80000048  }
0xb7: {  	_ =	swait.ge [sflag:s29], $0x1  }
0xb8: {  	[sflag:s29] =	ssyncadd.s32 $0xFFFFFFFF  }
0xb9: {  	_ =	strace $0x90000048  }
0xba: {  	_ =	sfence  }
0xbb: {  	s30 =	sld [smem:$0x0];
	_ =	sdelay $0x2  }
0xbc: {  	s31 =	sshll.u32 s1, $0xD;
	s1 =	sshrl.u32 s1, $0x2  }
0xbd: {  	s3 =	sand.u32 $0x4000, s31;
	s1 =	sadd.s32 s1, s30  }
0xbe: {  	s0 =	sor.u32 s3, s0;
	s1 =	sshll.u32 s1, $0x11  }
0xbf: {  	s0 =	sor.u32 s1, s0  }
0xc0: {  	s0 =	sadd.s32 $0x8F2B, s0  }
0xc1: {  	[sflag:s0] =	ssyncadd.remote.s32 $0x1  }
0xc2: {  	_ =	sfence.sel $0xFFFF  }
0xc3: {  	[dreg:$0x0] =	wrdreg $0xFFFFFFFF;
	(pc) =	sbr.abs _section_cstart, $3  }
0xc4: {  	[dreg:$0x1] =	wrdreg $0xFFFFFFFF  }
0xc5: {  	_ =	task.clear_ibuf [dreg:s8], $0x2FFFF;
	_ =	strace $0x9FFFFFFF  }
0xc6: {  	(tm) =	ssettm $0x7FFFFFFF  }
0xc7: {  	_ =	shalt  }
tec
execute0_lowered:
.L_overlay_start_1:
0x0: {  	(tag) =	ssettag $0x1  }
0x1: {  	s11 =	rddreg [dreg:$0x0]  }
0x2: {  	s0 =	rddreg [dreg:$0x1]  }
0x3: {  	s1 =	rddreg [dreg:$0x2]  }
0x4: {  	s2 =	rddreg [dreg:$0x3]  }
0x5: {  	s12 =	rddreg [dreg:$0x4]  }
0x6: {  	s5 =	simm.s32 $0x0;
	s20 =	stileid.u32;
	s4 =	srdreg.scid  }
0x7: {  	s29 =	simm.s32 $0x1;
	s31 =	simm.s32 $0x80;
	s30 =	simm.s32 $0x5  }
0x8: {  	[smem:$0x7FF] =	sst s5;
	s3 =	sshll.u32 s20, $0xD;
	s6 =	sadd.s32 $0x600, s0  }
0x9: {  	s4 =	sand.u32 $0x1, s4;
	s8 =	sshll.u32 s20, $0xA;
	s21 =	sshll.u32 s20, $0x10  }
0xa: {  	s13 =	sadd.s32 $0x900, s0;
	s14 =	sadd.s32 $0xA00, s0;
	s15 =	sadd.s32 $0xB00, s0  }
0xb: {  	s16 =	sadd.s32 $0xC00, s0;
	s17 =	sadd.s32 $0xD00, s0;
	s18 =	sadd.s32 $0xE00, s0  }
0xc: {  	s19 =	sadd.s32 $0xF00, s0;
	s26 =	sshll.u32 s20, $0x13;
	p0 =	sgt.u32 s20, $0xC  }
0xd: {  	_ =	strace $0x80000047;
	s3 =	sadd.s32 s3, s0;
	s7 =	ssub.s32 $0x2, s4  }
0xe: {  	s9 =	sshll.u32 s4, $0x9;
	s4 =	sshll.u32 s4, $0x12;
	p1 =	sne.s32 @!p0 s20, $0x0  }
0xf: {  	s10 =	sshrl.u32 s7, $0x1;
	s8 =	sor.u32 s9, s8;
	s9 =	sadd.s32 s21, s2  }
0x10: {  	s3 =	sadd.s32 $0x1A600, s3;
	s21 =	sadd.s32 $0x1000, s0;
	s7 =	ssub.s32 s7, s10  }
0x11: {  	s22 =	sshrl.u32 s8, $0x3;
	[dreg:$0x6] =	wrdreg s3;
	s24 =	sadd.s32 s8, s12  }
0x12: {  	s12 =	sadd.s32 $0x800, s0;
	s25 =	sshll.u32 s8, $0x9;
	s23 =	sadd.s32 s11, s22  }
0x13: {  	[dreg:$0x8] =	wrdreg s24;
	s11 =	sadd.s32 $0x700, s0;
	s3 =	sadd.s32 s25, s1  }
0x14: {  	s1 =	sadd.s32 s26, s1;
	s22 =	sadd.s32 $0x1100, s0;
	s24 =	sadd.s32 $0x1300, s0  }
0x15: {  	s25 =	sadd.s32 $0x1400, s0;
	s10 =	smax.u32 s7, $0x1;
	[dreg:$0x7] =	wrdreg s23  }
0x16: {  	s26 =	sadd.s32 $0x1500, s0;
	s8 =	sadd.s32 $0x3E000, s3;
	[dreg:$0xb] =	wrdreg s10  }
0x17: {  	v0 =	vlaneseq.u32;
	s23 =	sadd.s32 $0x1200, s0;
	s0 =	sshrl.u32 @!p0 s9, $0x3;
	[dreg:$0xa] =	wrdreg s8  }
0x18: {  	v1 =	vshrl.u32 v0, $0x3;
	p1 =	por p1, p0;
	s28 =	sadd.s32 s4, s1;
	[dreg:$0xc] =	wrdreg s0  }
0x19: {  	vm0 =	vmmov $0xffff;
	v0 =	vand.u32 $0x7, v0;
	v1 =	vmul.u32 $0x8, v1;
	s4 =	simm.s32 $0x10;
	s1 =	simm.s32 $0x0;
	[dreg:$0x9] =	wrdreg s28  }
.LBB2_1:
0x1a: {  	[dreg:$0xd] =	wrdreg s1  }
0x1b: {  	s0 =	sshll.u32 @!p0 s20, $0x6;
	s1 =	rddreg [dreg:$0x6]  }
0x1c: {  	s7 =	rddreg [dreg:$0xc];
	s0 =	sor.u32 @!p0 $0x1C06, s0  }
0x1d: {  	[spmem:s7], [sflag:s0] =	dma.local @!p0 [hbm:s1], $0x2000  }
0x1e: {  	s0 =	simm.s32 @!p0 $0x6  }
0x1f: {  	_ =	swait.ge @!p0 [sflag:s0], $0x2000  }
0x20: {  	[sflag:s0] =	ssyncset.done @!p0 $0x0  }
0x21: {  	[sflag:s0] =	ssyncadd.s32 @!p0 $0xFFFFE000  }
0x22: {  	s0 =	rddreg [dreg:$0x4]  }
0x23: {  	s7 =	simm.s32 @!p1 $0x1C06;
	s1 =	rddreg [dreg:$0x0];
	s0 =	sshrl.u32 @!p1 s0, $0x3  }
0x24: {  	[spmem:s0], [sflag:s7] =	dma.local @!p1 [hbm:s1], $0x800  }
0x25: {  	s0 =	simm.s32 @!p1 $0x6  }
0x26: {  	_ =	swait.ge @!p1 [sflag:s0], $0x800  }
0x27: {  	s9 =	simm.s32 $0xD400;
	[sflag:s0] =	ssyncset.done @!p1 $0x0  }
0x28: {  	s10 =	simm.s32 $0x6;
	s8 =	rddreg [dreg:$0x7];
	[sflag:s0] =	ssyncadd.s32 @!p1 $0xFFFFF800  }
0x29: {  	[tilespmem:s9], [sflag:$0x6] =	stream.linear.gather [hbm4b:s8+s5], $0x200, $0x38;
	[tilespmem:$0x1D600] =	vst v63  }
0x2a: {  	_ =	swait.ge [sflag:s10], $0x200  }
0x2b: {  	[sflag:s10] =	ssyncset.done $0x0  }
0x2c: {  	[sflag:s10] =	ssyncadd.s32 $0xFFFFFE00  }
0x2d: {  	[bflag:$0x0] =	sbarrier.arrive $0xFFFF  }
0x2e: {  	s20 =	rddreg [dreg:$0x8]  }
0x2f: {  	[smem:s5], [sflag:$0x6] =	stream.linear.gather [spmem:s20], $0x200, $0x38;
	[tilespmem:$0x1D600] =	vst v63  }
0x30: {  	_ =	swait.ge [sflag:s10], $0x200  }
0x31: {  	s3 =	simm.s32 $0xD600;
	s0 =	simm.s32 $0x0;
	[sflag:s10] =	ssyncset.done $0x0  }
0x32: {  	s8 =	simm.s32 $0xD440;
	s9 =	simm.s32 $0x50;
	[sflag:s10] =	ssyncadd.s32 $0xFFFFFE00  }
.LBB2_2:
0x33: {  	p2 =	seq.s32 s0, $0x0  }
0x34: {  	[dreg:$0xe] =	wrdreg s0;
	s0 =	simm.s32 @!p2 $0x3  }
0x35: {  	_ =	swait.ge @!p2 [sflag:s0], $0x8000  }
0x36: {  	[sflag:s0] =	ssyncset.done @!p2 $0x0  }
0x37: {  	[sflag:s0] =	ssyncadd.s32 @!p2 $0xFFFF8000  }
0x38: {  	v2 =	vld.msk [tilespmem:s8+$0xFFFFFFC0], $0xff;
	_ =	sdelay $0x4  }
0x39: {  	v3 =	vshll.u32 v2, $0x5  }
0x3a: {  	v2 =	vand.u32 $0x7, v2;
	v3 =	vand.u32 $0xFFFFFF00, v3  }
0x3b: {  	v2 =	vor.u32 v2, v3  }
0x3c: {  	v2 =	vperm.xlane v2, v0;
	_ =	sdelay $0x1  }
0x3d: {  	v2 =	vadd.s32 v1, v2;
	_ =	sdelay $0x4  }
0x3e: {  	[tilespmem:s3], [sflag:$0x1] =	stream.indirect_vreg.gather [hbm4b:s6+s5], $0x80, v2, vm0, $0xb8;
	[tilespmem:$0x1D600] =	vst v63  }
0x3f: {  	s1 =	simm.s32 $0xDE00  }
0x40: {  	[tilespmem:s1], [sflag:$0x1] =	stream.indirect_vreg.gather [hbm4b:s11+s5], $0x80, v2, vm0, $0xb8;
	[tilespmem:$0x1D600] =	vst v63  }
0x41: {  	s7 =	simm.s32 $0xE600  }
0x42: {  	[tilespmem:s7], [sflag:$0x1] =	stream.indirect_vreg.gather [hbm4b:s12+s5], $0x80, v2, vm0, $0xb8;
	[tilespmem:$0x1D600] =	vst v63  }
0x43: {  	s10 =	simm.s32 $0xEE00  }
0x44: {  	[tilespmem:s10], [sflag:$0x1] =	stream.indirect_vreg.gather [hbm4b:s13+s5], $0x80, v2, vm0, $0xb8;
	[tilespmem:$0x1D600] =	vst v63  }
0x45: {  	s20 =	simm.s32 $0xF600  }
0x46: {  	[tilespmem:s20], [sflag:$0x1] =	stream.indirect_vreg.gather [hbm4b:s14+s5], $0x80, v2, vm0, $0xb8;
	[tilespmem:$0x1D600] =	vst v63  }
0x47: {  	s1 =	simm.s32 $0xFE00  }
0x48: {  	[tilespmem:s1], [sflag:$0x1] =	stream.indirect_vreg.gather [hbm4b:s15+s5], $0x80, v2, vm0, $0xb8;
	[tilespmem:$0x1D600] =	vst v63  }
0x49: {  	s7 =	simm.s32 $0x10600  }
0x4a: {  	[tilespmem:s7], [sflag:$0x1] =	stream.indirect_vreg.gather [hbm4b:s16+s5], $0x80, v2, vm0, $0xb8;
	[tilespmem:$0x1D600] =	vst v63  }
0x4b: {  	s10 =	simm.s32 $0x10E00  }
0x4c: {  	[tilespmem:s10], [sflag:$0x1] =	stream.indirect_vreg.gather [hbm4b:s17+s5], $0x80, v2, vm0, $0xb8;
	[tilespmem:$0x1D600] =	vst v63  }
0x4d: {  	s20 =	simm.s32 $0x11600  }
0x4e: {  	[tilespmem:s20], [sflag:$0x1] =	stream.indirect_vreg.gather [hbm4b:s18+s5], $0x80, v2, vm0, $0xb8;
	[tilespmem:$0x1D600] =	vst v63  }
0x4f: {  	s1 =	simm.s32 $0x11E00  }
0x50: {  	[tilespmem:s1], [sflag:$0x1] =	stream.indirect_vreg.gather [hbm4b:s19+s5], $0x80, v2, vm0, $0xb8;
	[tilespmem:$0x1D600] =	vst v63  }
0x51: {  	s7 =	simm.s32 $0x12600  }
0x52: {  	[tilespmem:s7], [sflag:$0x1] =	stream.indirect_vreg.gather [hbm4b:s21+s5], $0x80, v2, vm0, $0xb8;
	[tilespmem:$0x1D600] =	vst v63  }
0x53: {  	s10 =	simm.s32 $0x12E00  }
0x54: {  	[tilespmem:s10], [sflag:$0x1] =	stream.indirect_vreg.gather [hbm4b:s22+s5], $0x80, v2, vm0, $0xb8;
	[tilespmem:$0x1D600] =	vst v63  }
0x55: {  	s20 =	simm.s32 $0x13600  }
0x56: {  	[tilespmem:s20], [sflag:$0x1] =	stream.indirect_vreg.gather [hbm4b:s23+s5], $0x80, v2, vm0, $0xb8;
	[tilespmem:$0x1D600] =	vst v63  }
0x57: {  	s1 =	simm.s32 $0x13E00  }
0x58: {  	[tilespmem:s1], [sflag:$0x1] =	stream.indirect_vreg.gather [hbm4b:s24+s5], $0x80, v2, vm0, $0xb8;
	[tilespmem:$0x1D600] =	vst v63  }
0x59: {  	s7 =	simm.s32 $0x14600  }
0x5a: {  	[tilespmem:s7], [sflag:$0x1] =	stream.indirect_vreg.gather [hbm4b:s25+s5], $0x80, v2, vm0, $0xb8;
	[tilespmem:$0x1D600] =	vst v63  }
0x5b: {  	s0 =	simm.s32 @!p2 $0x2;
	s10 =	simm.s32 $0x14E00  }
0x5c: {  	[tilespmem:s10], [sflag:$0x1] =	stream.indirect_vreg.gather [hbm4b:s26+s5], $0x80, v2, vm0, $0xb8;
	[tilespmem:$0x1D600] =	vst v63  }
0x5d: {  	_ =	swait.ge @!p2 [sflag:s0], $0x8000  }
0x5e: {  	[sflag:s0] =	ssyncset.done @!p2 $0x0  }
0x5f: {  	[sflag:s0] =	ssyncadd.s32 @!p2 $0xFFFF8000;
	s0 =	rddreg [dreg:$0xe]  }
0x60: {  	s0 =	sadd.s32 @!p2 s0, s28  }
0x61: {  	s7 =	simm.s32 @!p2 $0x0;
	s28 =	simm.s32 @!p2 $0x15600;
	s0 =	sadd.s32 @!p2 $0xFFFFE000, s0  }
0x62: {  	[hbm4b:s0+s7] =	stream.linear.scatter @!p2 [tilespmem:s28], [sflag:$0x4], $0x8000, $0x38;
	[tilespmem:$0x1D600] =	vst v63  }
0x63: {  	s0 =	simm.s32 @!p2 $0x4  }
0x64: {  	_ =	swait.ge @!p2 [sflag:s0], $0x8000  }
0x65: {  	[sflag:s0] =	ssyncset.done @!p2 $0x0  }
0x66: {  	[sflag:s0] =	ssyncadd.s32 @!p2 $0xFFFF8000  }
0x67: {  	v2 =	vld.msk [tilespmem:s8+$0xFFFFFFC8], $0xff;
	_ =	sdelay $0x4  }
0x68: {  	v3 =	vshll.u32 v2, $0x5  }
0x69: {  	v2 =	vand.u32 $0x7, v2;
	v3 =	vand.u32 $0xFFFFFF00, v3  }
0x6a: {  	v2 =	vor.u32 v2, v3  }
0x6b: {  	v2 =	vperm.xlane v2, v0;
	_ =	sdelay $0x1  }
0x6c: {  	v2 =	vadd.s32 v1, v2;
	_ =	sdelay $0x3  }
0x6d: {  	s20 =	simm.s32 $0x15600  }
0x6e: {  	[tilespmem:s20], [sflag:$0x2] =	stream.indirect_vreg.gather [hbm4b:s6+s5], $0x80, v2, vm0, $0xb8;
	[tilespmem:$0x1D600] =	vst v63  }
0x6f: {  	s1 =	simm.s32 $0x15E00  }
0x70: {  	[tilespmem:s1], [sflag:$0x2] =	stream.indirect_vreg.gather [hbm4b:s11+s5], $0x80, v2, vm0, $0xb8;
	[tilespmem:$0x1D600] =	vst v63  }
0x71: {  	s7 =	simm.s32 $0x16600  }
0x72: {  	[tilespmem:s7], [sflag:$0x2] =	stream.indirect_vreg.gather [hbm4b:s12+s5], $0x80, v2, vm0, $0xb8;
	[tilespmem:$0x1D600] =	vst v63  }
0x73: {  	s10 =	simm.s32 $0x16E00  }
0x74: {  	[tilespmem:s10], [sflag:$0x2] =	stream.indirect_vreg.gather [hbm4b:s13+s5], $0x80, v2, vm0, $0xb8;
	[tilespmem:$0x1D600] =	vst v63  }
0x75: {  	s20 =	simm.s32 $0x17600  }
0x76: {  	[tilespmem:s20], [sflag:$0x2] =	stream.indirect_vreg.gather [hbm4b:s14+s5], $0x80, v2, vm0, $0xb8;
	[tilespmem:$0x1D600] =	vst v63  }
0x77: {  	s1 =	simm.s32 $0x17E00  }
0x78: {  	[tilespmem:s1], [sflag:$0x2] =	stream.indirect_vreg.gather [hbm4b:s15+s5], $0x80, v2, vm0, $0xb8;
	[tilespmem:$0x1D600] =	vst v63  }
0x79: {  	s7 =	simm.s32 $0x18600  }
0x7a: {  	[tilespmem:s7], [sflag:$0x2] =	stream.indirect_vreg.gather [hbm4b:s16+s5], $0x80, v2, vm0, $0xb8;
	[tilespmem:$0x1D600] =	vst v63  }
0x7b: {  	s10 =	simm.s32 $0x18E00  }
0x7c: {  	[tilespmem:s10], [sflag:$0x2] =	stream.indirect_vreg.gather [hbm4b:s17+s5], $0x80, v2, vm0, $0xb8;
	[tilespmem:$0x1D600] =	vst v63  }
0x7d: {  	s20 =	simm.s32 $0x19600  }
0x7e: {  	[tilespmem:s20], [sflag:$0x2] =	stream.indirect_vreg.gather [hbm4b:s18+s5], $0x80, v2, vm0, $0xb8;
	[tilespmem:$0x1D600] =	vst v63  }
0x7f: {  	s1 =	simm.s32 $0x19E00  }
0x80: {  	[tilespmem:s1], [sflag:$0x2] =	stream.indirect_vreg.gather [hbm4b:s19+s5], $0x80, v2, vm0, $0xb8;
	[tilespmem:$0x1D600] =	vst v63  }
0x81: {  	s7 =	simm.s32 $0x1A600  }
0x82: {  	[tilespmem:s7], [sflag:$0x2] =	stream.indirect_vreg.gather [hbm4b:s21+s5], $0x80, v2, vm0, $0xb8;
	[tilespmem:$0x1D600] =	vst v63  }
0x83: {  	s10 =	simm.s32 $0x1AE00  }
0x84: {  	[tilespmem:s10], [sflag:$0x2] =	stream.indirect_vreg.gather [hbm4b:s22+s5], $0x80, v2, vm0, $0xb8;
	[tilespmem:$0x1D600] =	vst v63  }
0x85: {  	s20 =	simm.s32 $0x1B600  }
0x86: {  	[tilespmem:s20], [sflag:$0x2] =	stream.indirect_vreg.gather [hbm4b:s23+s5], $0x80, v2, vm0, $0xb8;
	[tilespmem:$0x1D600] =	vst v63  }
0x87: {  	s1 =	simm.s32 $0x1BE00  }
0x88: {  	[tilespmem:s1], [sflag:$0x2] =	stream.indirect_vreg.gather [hbm4b:s24+s5], $0x80, v2, vm0, $0xb8;
	[tilespmem:$0x1D600] =	vst v63  }
0x89: {  	s7 =	simm.s32 $0x1C600  }
0x8a: {  	[tilespmem:s7], [sflag:$0x2] =	stream.indirect_vreg.gather [hbm4b:s25+s5], $0x80, v2, vm0, $0xb8;
	[tilespmem:$0x1D600] =	vst v63  }
0x8b: {  	s10 =	simm.s32 $0x1CE00  }
0x8c: {  	[tilespmem:s10], [sflag:$0x2] =	stream.indirect_vreg.gather [hbm4b:s26+s5], $0x80, v2, vm0, $0xb8;
	[tilespmem:$0x1D600] =	vst v63  }
0x8d: {  	_ =	swait.ge [sflag:s29], $0x8000  }
0x8e: {  	s20 =	rddreg [dreg:$0x9]  }
0x8f: {  	[sflag:s29] =	ssyncset.done $0x0;
	s1 =	rddreg [dreg:$0xe]  }
0x90: {  	s0 =	simm.s32 @!p2 $0x5;
	[sflag:s29] =	ssyncadd.s32 $0xFFFF8000;
	s28 =	sadd.s32 s1, s20  }
0x91: {  	[hbm4b:s28+s5] =	stream.linear.scatter [tilespmem:s3], [sflag:$0x3], $0x8000, $0x38;
	[tilespmem:$0x1D600] =	vst v63  }
0x92: {  	_ =	swait.ge @!p2 [sflag:s0], $0x200  }
0x93: {  	[sflag:s0] =	ssyncset.done @!p2 $0x0  }
0x94: {  	[sflag:s0] =	ssyncadd.s32 @!p2 $0xFFFFFE00  }
0x95: {  	_ =	swait.ge @!p2 [sflag:s0], $0x200  }
0x96: {  	[sflag:s0] =	ssyncset.done @!p2 $0x0  }
0x97: {  	[sflag:s0] =	ssyncadd.s32 @!p2 $0xFFFFFE00  }
0x98: {  	_ =	swait.ge @!p2 [sflag:s0], $0x200  }
0x99: {  	[sflag:s0] =	ssyncset.done @!p2 $0x0  }
0x9a: {  	[sflag:s0] =	ssyncadd.s32 @!p2 $0xFFFFFE00  }
0x9b: {  	_ =	swait.ge @!p2 [sflag:s0], $0x200  }
0x9c: {  	[sflag:s0] =	ssyncset.done @!p2 $0x0  }
0x9d: {  	[sflag:s0] =	ssyncadd.s32 @!p2 $0xFFFFFE00  }
0x9e: {  	_ =	swait.ge @!p2 [sflag:s0], $0x200  }
0x9f: {  	[sflag:s0] =	ssyncset.done @!p2 $0x0  }
0xa0: {  	[sflag:s0] =	ssyncadd.s32 @!p2 $0xFFFFFE00  }
0xa1: {  	_ =	swait.ge @!p2 [sflag:s0], $0x200  }
0xa2: {  	[sflag:s0] =	ssyncset.done @!p2 $0x0  }
0xa3: {  	[sflag:s0] =	ssyncadd.s32 @!p2 $0xFFFFFE00  }
0xa4: {  	_ =	swait.ge @!p2 [sflag:s0], $0x200  }
0xa5: {  	[sflag:s0] =	ssyncset.done @!p2 $0x0  }
0xa6: {  	[sflag:s0] =	ssyncadd.s32 @!p2 $0xFFFFFE00  }
0xa7: {  	_ =	swait.ge @!p2 [sflag:s0], $0x200  }
0xa8: {  	[sflag:s0] =	ssyncset.done @!p2 $0x0  }
0xa9: {  	[sflag:s0] =	ssyncadd.s32 @!p2 $0xFFFFFE00  }
0xaa: {  	s3 =	sld [smem:s9+$0xFFFFFFC0];
	_ =	sdelay $0x2  }
0xab: {  	s7 =	sshll.u32 s3, $0xE  }
0xac: {  	s10 =	stileid.u32;
	s7 =	sshra.s32 s7, $0x2  }
0xad: {  	s1 =	sshll.u32 s10, $0x6;
	s20 =	sadd.s32 s7, s2  }
0xae: {  	s3 =	sadd.s32 $0x2000, s28;
	s7 =	sor.u32 $0x1C05, s1;
	s20 =	sshrl.u32 s20, $0x3  }
0xaf: {  	[hbm:s3@s31], [sflag:s7] =	dma.strided [spmem:s20@s4], $0x200, s29, $0x10   }
0xb0: {  	s1 =	sld [smem:s9+$0xFFFFFFC1];
	_ =	sdelay $0x2  }
0xb1: {  	s1 =	sshll.u32 s1, $0xE  }
0xb2: {  	s1 =	sshra.s32 s1, $0x2  }
0xb3: {  	s1 =	sadd.s32 s1, s2  }
0xb4: {  	s10 =	sadd.s32 $0x2010, s28;
	s1 =	sshrl.u32 s1, $0x3  }
0xb5: {  	[hbm:s10@s31], [sflag:s7] =	dma.strided [spmem:s1@s4], $0x200, s29, $0x10   }
0xb6: {  	s1 =	sld [smem:s9+$0xFFFFFFC2];
	_ =	sdelay $0x2  }
0xb7: {  	s1 =	sshll.u32 s1, $0xE  }
0xb8: {  	s1 =	sshra.s32 s1, $0x2  }
0xb9: {  	s1 =	sadd.s32 s1, s2  }
0xba: {  	s3 =	sadd.s32 $0x2020, s28;
	s1 =	sshrl.u32 s1, $0x3  }
0xbb: {  	[hbm:s3@s31], [sflag:s7] =	dma.strided [spmem:s1@s4], $0x200, s29, $0x10   }
0xbc: {  	s1 =	sld [smem:s9+$0xFFFFFFC3];
	_ =	sdelay $0x2  }
0xbd: {  	s1 =	sshll.u32 s1, $0xE  }
0xbe: {  	s1 =	sshra.s32 s1, $0x2  }
0xbf: {  	s1 =	sadd.s32 s1, s2  }
0xc0: {  	s10 =	sadd.s32 $0x2030, s28;
	s1 =	sshrl.u32 s1, $0x3  }
0xc1: {  	[hbm:s10@s31], [sflag:s7] =	dma.strided [spmem:s1@s4], $0x200, s29, $0x10   }
0xc2: {  	s1 =	sld [smem:s9+$0xFFFFFFC4];
	_ =	sdelay $0x2  }
0xc3: {  	s1 =	sshll.u32 s1, $0xE  }
0xc4: {  	s1 =	sshra.s32 s1, $0x2  }
0xc5: {  	s1 =	sadd.s32 s1, s2  }
0xc6: {  	s3 =	sadd.s32 $0x2040, s28;
	s1 =	sshrl.u32 s1, $0x3  }
0xc7: {  	[hbm:s3@s31], [sflag:s7] =	dma.strided [spmem:s1@s4], $0x200, s29, $0x10   }
0xc8: {  	s1 =	sld [smem:s9+$0xFFFFFFC5];
	_ =	sdelay $0x2  }
0xc9: {  	s1 =	sshll.u32 s1, $0xE  }
0xca: {  	s1 =	sshra.s32 s1, $0x2  }
0xcb: {  	s1 =	sadd.s32 s1, s2  }
0xcc: {  	s10 =	sadd.s32 $0x2050, s28;
	s1 =	sshrl.u32 s1, $0x3  }
0xcd: {  	[hbm:s10@s31], [sflag:s7] =	dma.strided [spmem:s1@s4], $0x200, s29, $0x10   }
0xce: {  	s1 =	sld [smem:s9+$0xFFFFFFC6];
	_ =	sdelay $0x2  }
0xcf: {  	s1 =	sshll.u32 s1, $0xE  }
0xd0: {  	s1 =	sshra.s32 s1, $0x2  }
0xd1: {  	s1 =	sadd.s32 s1, s2  }
0xd2: {  	s3 =	sadd.s32 $0x2060, s28;
	s1 =	sshrl.u32 s1, $0x3  }
0xd3: {  	[hbm:s3@s31], [sflag:s7] =	dma.strided [spmem:s1@s4], $0x200, s29, $0x10   }
0xd4: {  	s1 =	sld [smem:s9+$0xFFFFFFC7];
	_ =	sdelay $0x2  }
0xd5: {  	s1 =	sshll.u32 s1, $0xE  }
0xd6: {  	s1 =	sshra.s32 s1, $0x2  }
0xd7: {  	s1 =	sadd.s32 s1, s2  }
0xd8: {  	s20 =	simm.s32 $0x3;
	s10 =	sadd.s32 $0x2070, s28;
	s1 =	sshrl.u32 s1, $0x3  }
0xd9: {  	[hbm:s10@s31], [sflag:s7] =	dma.strided [spmem:s1@s4], $0x200, s29, $0x10   }
0xda: {  	_ =	swait.ge [sflag:s20], $0x8000  }
0xdb: {  	[sflag:s20] =	ssyncset.done $0x0  }
0xdc: {  	[sflag:s20] =	ssyncadd.s32 $0xFFFF8000  }
0xdd: {  	v2 =	vld.msk [tilespmem:s8+$0xFFFFFFD8], $0xff;
	_ =	sdelay $0x4  }
0xde: {  	v3 =	vshll.u32 v2, $0x5  }
0xdf: {  	v2 =	vand.u32 $0x7, v2;
	v3 =	vand.u32 $0xFFFFFF00, v3  }
0xe0: {  	v2 =	vor.u32 v2, v3  }
0xe1: {  	v2 =	vperm.xlane v2, v0;
	_ =	sdelay $0x1  }
0xe2: {  	v2 =	vadd.s32 v1, v2;
	_ =	sdelay $0x3  }
0xe3: {  	s3 =	simm.s32 $0xD600  }
0xe4: {  	[tilespmem:s3], [sflag:$0x1] =	stream.indirect_vreg.gather [hbm4b:s6+s5], $0x80, v2, vm0, $0xb8;
	[tilespmem:$0x1D600] =	vst v63  }
0xe5: {  	s10 =	smov.u32 s6;
	s6 =	simm.s32 $0xDE00  }
0xe6: {  	[tilespmem:s6], [sflag:$0x1] =	stream.indirect_vreg.gather [hbm4b:s11+s5], $0x80, v2, vm0, $0xb8;
	[tilespmem:$0x1D600] =	vst v63  }
0xe7: {  	s20 =	simm.s32 $0xE600  }
0xe8: {  	[tilespmem:s20], [sflag:$0x1] =	stream.indirect_vreg.gather [hbm4b:s12+s5], $0x80, v2, vm0, $0xb8;
	[tilespmem:$0x1D600] =	vst v63  }
0xe9: {  	s6 =	simm.s32 $0xEE00  }
0xea: {  	[tilespmem:s6], [sflag:$0x1] =	stream.indirect_vreg.gather [hbm4b:s13+s5], $0x80, v2, vm0, $0xb8;
	[tilespmem:$0x1D600] =	vst v63  }
0xeb: {  	s20 =	simm.s32 $0xF600  }
0xec: {  	[tilespmem:s20], [sflag:$0x1] =	stream.indirect_vreg.gather [hbm4b:s14+s5], $0x80, v2, vm0, $0xb8;
	[tilespmem:$0x1D600] =	vst v63  }
0xed: {  	s6 =	simm.s32 $0xFE00  }
0xee: {  	[tilespmem:s6], [sflag:$0x1] =	stream.indirect_vreg.gather [hbm4b:s15+s5], $0x80, v2, vm0, $0xb8;
	[tilespmem:$0x1D600] =	vst v63  }
0xef: {  	s20 =	simm.s32 $0x10600  }
0xf0: {  	[tilespmem:s20], [sflag:$0x1] =	stream.indirect_vreg.gather [hbm4b:s16+s5], $0x80, v2, vm0, $0xb8;
	[tilespmem:$0x1D600] =	vst v63  }
0xf1: {  	s6 =	simm.s32 $0x10E00  }
0xf2: {  	[tilespmem:s6], [sflag:$0x1] =	stream.indirect_vreg.gather [hbm4b:s17+s5], $0x80, v2, vm0, $0xb8;
	[tilespmem:$0x1D600] =	vst v63  }
0xf3: {  	s20 =	simm.s32 $0x11600  }
0xf4: {  	[tilespmem:s20], [sflag:$0x1] =	stream.indirect_vreg.gather [hbm4b:s18+s5], $0x80, v2, vm0, $0xb8;
	[tilespmem:$0x1D600] =	vst v63  }
0xf5: {  	s6 =	simm.s32 $0x11E00  }
0xf6: {  	[tilespmem:s6], [sflag:$0x1] =	stream.indirect_vreg.gather [hbm4b:s19+s5], $0x80, v2, vm0, $0xb8;
	[tilespmem:$0x1D600] =	vst v63  }
0xf7: {  	s20 =	simm.s32 $0x12600  }
0xf8: {  	[tilespmem:s20], [sflag:$0x1] =	stream.indirect_vreg.gather [hbm4b:s21+s5], $0x80, v2, vm0, $0xb8;
	[tilespmem:$0x1D600] =	vst v63  }
0xf9: {  	s6 =	simm.s32 $0x12E00  }
0xfa: {  	[tilespmem:s6], [sflag:$0x1] =	stream.indirect_vreg.gather [hbm4b:s22+s5], $0x80, v2, vm0, $0xb8;
	[tilespmem:$0x1D600] =	vst v63  }
0xfb: {  	s20 =	simm.s32 $0x13600  }
0xfc: {  	[tilespmem:s20], [sflag:$0x1] =	stream.indirect_vreg.gather [hbm4b:s23+s5], $0x80, v2, vm0, $0xb8;
	[tilespmem:$0x1D600] =	vst v63  }
0xfd: {  	s6 =	simm.s32 $0x13E00  }
0xfe: {  	[tilespmem:s6], [sflag:$0x1] =	stream.indirect_vreg.gather [hbm4b:s24+s5], $0x80, v2, vm0, $0xb8;
	[tilespmem:$0x1D600] =	vst v63  }
0xff: {  	s20 =	simm.s32 $0x14600  }
0x100: {  	[tilespmem:s20], [sflag:$0x1] =	stream.indirect_vreg.gather [hbm4b:s25+s5], $0x80, v2, vm0, $0xb8;
	[tilespmem:$0x1D600] =	vst v63  }
0x101: {  	s6 =	simm.s32 $0x14E00;
	s20 =	simm.s32 $0x2  }
0x102: {  	[tilespmem:s6], [sflag:$0x1] =	stream.indirect_vreg.gather [hbm4b:s26+s5], $0x80, v2, vm0, $0xb8;
	[tilespmem:$0x1D600] =	vst v63  }
0x103: {  	_ =	swait.ge [sflag:s20], $0x8000  }
0x104: {  	[sflag:s20] =	ssyncset.done $0x0  }
0x105: {  	s6 =	sadd.s32 $0x1000, s28;
	[sflag:s20] =	ssyncadd.s32 $0xFFFF8000;
	s20 =	simm.s32 $0x15600  }
0x106: {  	[hbm4b:s6+s5] =	stream.linear.scatter [tilespmem:s20], [sflag:$0x4], $0x8000, $0x38;
	[tilespmem:$0x1D600] =	vst v63  }
0x107: {  	s6 =	simm.s32 $0x4  }
0x108: {  	_ =	swait.ge [sflag:s6], $0x8000  }
0x109: {  	[sflag:s6] =	ssyncset.done $0x0  }
0x10a: {  	[sflag:s6] =	ssyncadd.s32 $0xFFFF8000  }
0x10b: {  	v2 =	vld.msk [tilespmem:s8+$0xFFFFFFE0], $0xff;
	_ =	sdelay $0x4  }
0x10c: {  	v3 =	vshll.u32 v2, $0x5  }
0x10d: {  	v2 =	vand.u32 $0x7, v2;
	v3 =	vand.u32 $0xFFFFFF00, v3  }
0x10e: {  	v2 =	vor.u32 v2, v3  }
0x10f: {  	v2 =	vperm.xlane v2, v0;
	_ =	sdelay $0x1  }
0x110: {  	v2 =	vadd.s32 v1, v2;
	_ =	sdelay $0x4  }
0x111: {  	[tilespmem:s20], [sflag:$0x2] =	stream.indirect_vreg.gather [hbm4b:s10+s5], $0x80, v2, vm0, $0xb8;
	[tilespmem:$0x1D600] =	vst v63  }
0x112: {  	s20 =	simm.s32 $0x15E00  }
0x113: {  	[tilespmem:s20], [sflag:$0x2] =	stream.indirect_vreg.gather [hbm4b:s11+s5], $0x80, v2, vm0, $0xb8;
	[tilespmem:$0x1D600] =	vst v63  }
0x114: {  	s20 =	simm.s32 $0x16600  }
0x115: {  	[tilespmem:s20], [sflag:$0x2] =	stream.indirect_vreg.gather [hbm4b:s12+s5], $0x80, v2, vm0, $0xb8;
	[tilespmem:$0x1D600] =	vst v63  }
0x116: {  	s20 =	simm.s32 $0x16E00  }
0x117: {  	[tilespmem:s20], [sflag:$0x2] =	stream.indirect_vreg.gather [hbm4b:s13+s5], $0x80, v2, vm0, $0xb8;
	[tilespmem:$0x1D600] =	vst v63  }
0x118: {  	s20 =	simm.s32 $0x17600  }
0x119: {  	[tilespmem:s20], [sflag:$0x2] =	stream.indirect_vreg.gather [hbm4b:s14+s5], $0x80, v2, vm0, $0xb8;
	[tilespmem:$0x1D600] =	vst v63  }
0x11a: {  	s20 =	simm.s32 $0x17E00  }
0x11b: {  	[tilespmem:s20], [sflag:$0x2] =	stream.indirect_vreg.gather [hbm4b:s15+s5], $0x80, v2, vm0, $0xb8;
	[tilespmem:$0x1D600] =	vst v63  }
0x11c: {  	s20 =	simm.s32 $0x18600  }
0x11d: {  	[tilespmem:s20], [sflag:$0x2] =	stream.indirect_vreg.gather [hbm4b:s16+s5], $0x80, v2, vm0, $0xb8;
	[tilespmem:$0x1D600] =	vst v63  }
0x11e: {  	s20 =	simm.s32 $0x18E00  }
0x11f: {  	[tilespmem:s20], [sflag:$0x2] =	stream.indirect_vreg.gather [hbm4b:s17+s5], $0x80, v2, vm0, $0xb8;
	[tilespmem:$0x1D600] =	vst v63  }
0x120: {  	s20 =	simm.s32 $0x19600  }
0x121: {  	[tilespmem:s20], [sflag:$0x2] =	stream.indirect_vreg.gather [hbm4b:s18+s5], $0x80, v2, vm0, $0xb8;
	[tilespmem:$0x1D600] =	vst v63  }
0x122: {  	s20 =	simm.s32 $0x19E00  }
0x123: {  	[tilespmem:s20], [sflag:$0x2] =	stream.indirect_vreg.gather [hbm4b:s19+s5], $0x80, v2, vm0, $0xb8;
	[tilespmem:$0x1D600] =	vst v63  }
0x124: {  	s20 =	simm.s32 $0x1A600  }
0x125: {  	[tilespmem:s20], [sflag:$0x2] =	stream.indirect_vreg.gather [hbm4b:s21+s5], $0x80, v2, vm0, $0xb8;
	[tilespmem:$0x1D600] =	vst v63  }
0x126: {  	s20 =	simm.s32 $0x1AE00  }
0x127: {  	[tilespmem:s20], [sflag:$0x2] =	stream.indirect_vreg.gather [hbm4b:s22+s5], $0x80, v2, vm0, $0xb8;
	[tilespmem:$0x1D600] =	vst v63  }
0x128: {  	s20 =	simm.s32 $0x1B600  }
0x129: {  	[tilespmem:s20], [sflag:$0x2] =	stream.indirect_vreg.gather [hbm4b:s23+s5], $0x80, v2, vm0, $0xb8;
	[tilespmem:$0x1D600] =	vst v63  }
0x12a: {  	s20 =	simm.s32 $0x1BE00  }
0x12b: {  	[tilespmem:s20], [sflag:$0x2] =	stream.indirect_vreg.gather [hbm4b:s24+s5], $0x80, v2, vm0, $0xb8;
	[tilespmem:$0x1D600] =	vst v63  }
0x12c: {  	s20 =	simm.s32 $0x1C600  }
0x12d: {  	[tilespmem:s20], [sflag:$0x2] =	stream.indirect_vreg.gather [hbm4b:s25+s5], $0x80, v2, vm0, $0xb8;
	[tilespmem:$0x1D600] =	vst v63  }
0x12e: {  	s20 =	simm.s32 $0x1CE00  }
0x12f: {  	[tilespmem:s20], [sflag:$0x2] =	stream.indirect_vreg.gather [hbm4b:s26+s5], $0x80, v2, vm0, $0xb8;
	[tilespmem:$0x1D600] =	vst v63  }
0x130: {  	_ =	swait.ge [sflag:s29], $0x8000  }
0x131: {  	[sflag:s29] =	ssyncset.done $0x0  }
0x132: {  	s20 =	sadd.s32 $0x3000, s28;
	[sflag:s29] =	ssyncadd.s32 $0xFFFF8000  }
0x133: {  	[hbm4b:s20+s5] =	stream.linear.scatter [tilespmem:s3], [sflag:$0x3], $0x8000, $0x38;
	[tilespmem:$0x1D600] =	vst v63  }
0x134: {  	_ =	swait.ge @!p2 [sflag:s0], $0x200  }
0x135: {  	[sflag:s0] =	ssyncset.done @!p2 $0x0  }
0x136: {  	[sflag:s0] =	ssyncadd.s32 @!p2 $0xFFFFFE00  }
0x137: {  	_ =	swait.ge @!p2 [sflag:s0], $0x200  }
0x138: {  	[sflag:s0] =	ssyncset.done @!p2 $0x0  }
0x139: {  	[sflag:s0] =	ssyncadd.s32 @!p2 $0xFFFFFE00  }
0x13a: {  	_ =	swait.ge @!p2 [sflag:s0], $0x200  }
0x13b: {  	[sflag:s0] =	ssyncset.done @!p2 $0x0  }
0x13c: {  	[sflag:s0] =	ssyncadd.s32 @!p2 $0xFFFFFE00  }
0x13d: {  	_ =	swait.ge @!p2 [sflag:s0], $0x200  }
0x13e: {  	[sflag:s0] =	ssyncset.done @!p2 $0x0  }
0x13f: {  	[sflag:s0] =	ssyncadd.s32 @!p2 $0xFFFFFE00  }
0x140: {  	_ =	swait.ge @!p2 [sflag:s0], $0x200  }
0x141: {  	[sflag:s0] =	ssyncset.done @!p2 $0x0  }
0x142: {  	[sflag:s0] =	ssyncadd.s32 @!p2 $0xFFFFFE00  }
0x143: {  	_ =	swait.ge @!p2 [sflag:s0], $0x200  }
0x144: {  	[sflag:s0] =	ssyncset.done @!p2 $0x0  }
0x145: {  	[sflag:s0] =	ssyncadd.s32 @!p2 $0xFFFFFE00  }
0x146: {  	_ =	swait.ge @!p2 [sflag:s0], $0x200  }
0x147: {  	[sflag:s0] =	ssyncset.done @!p2 $0x0  }
0x148: {  	[sflag:s0] =	ssyncadd.s32 @!p2 $0xFFFFFE00  }
0x149: {  	_ =	swait.ge @!p2 [sflag:s0], $0x200  }
0x14a: {  	[sflag:s0] =	ssyncset.done @!p2 $0x0  }
0x14b: {  	[sflag:s0] =	ssyncadd.s32 @!p2 $0xFFFFFE00  }
0x14c: {  	s0 =	sld [smem:s9+$0xFFFFFFD8];
	_ =	sdelay $0x2  }
0x14d: {  	s0 =	sshll.u32 s0, $0xE  }
0x14e: {  	s0 =	sshra.s32 s0, $0x2  }
0x14f: {  	s0 =	sadd.s32 s0, s2  }
0x150: {  	s20 =	sadd.s32 $0x5000, s28;
	s0 =	sshrl.u32 s0, $0x3  }
0x151: {  	[hbm:s20@s31], [sflag:s7] =	dma.strided [spmem:s0@s4], $0x200, s29, $0x10   }
0x152: {  	s0 =	sld [smem:s9+$0xFFFFFFD9];
	_ =	sdelay $0x2  }
0x153: {  	s0 =	sshll.u32 s0, $0xE  }
0x154: {  	s0 =	sshra.s32 s0, $0x2  }
0x155: {  	s0 =	sadd.s32 s0, s2  }
0x156: {  	s20 =	sadd.s32 $0x5010, s28;
	s0 =	sshrl.u32 s0, $0x3  }
0x157: {  	[hbm:s20@s31], [sflag:s7] =	dma.strided [spmem:s0@s4], $0x200, s29, $0x10   }
0x158: {  	s0 =	sld [smem:s9+$0xFFFFFFDA];
	_ =	sdelay $0x2  }
0x159: {  	s0 =	sshll.u32 s0, $0xE  }
0x15a: {  	s0 =	sshra.s32 s0, $0x2  }
0x15b: {  	s0 =	sadd.s32 s0, s2  }
0x15c: {  	s20 =	sadd.s32 $0x5020, s28;
	s0 =	sshrl.u32 s0, $0x3  }
0x15d: {  	[hbm:s20@s31], [sflag:s7] =	dma.strided [spmem:s0@s4], $0x200, s29, $0x10   }
0x15e: {  	s0 =	sld [smem:s9+$0xFFFFFFDB];
	_ =	sdelay $0x2  }
0x15f: {  	s0 =	sshll.u32 s0, $0xE  }
0x160: {  	s0 =	sshra.s32 s0, $0x2  }
0x161: {  	s0 =	sadd.s32 s0, s2  }
0x162: {  	s20 =	sadd.s32 $0x5030, s28;
	s0 =	sshrl.u32 s0, $0x3  }
0x163: {  	[hbm:s20@s31], [sflag:s7] =	dma.strided [spmem:s0@s4], $0x200, s29, $0x10   }
0x164: {  	s0 =	sld [smem:s9+$0xFFFFFFDC];
	_ =	sdelay $0x2  }
0x165: {  	s0 =	sshll.u32 s0, $0xE  }
0x166: {  	s0 =	sshra.s32 s0, $0x2  }
0x167: {  	s0 =	sadd.s32 s0, s2  }
0x168: {  	s20 =	sadd.s32 $0x5040, s28;
	s0 =	sshrl.u32 s0, $0x3  }
0x169: {  	[hbm:s20@s31], [sflag:s7] =	dma.strided [spmem:s0@s4], $0x200, s29, $0x10   }
0x16a: {  	s0 =	sld [smem:s9+$0xFFFFFFDD];
	_ =	sdelay $0x2  }
0x16b: {  	s0 =	sshll.u32 s0, $0xE  }
0x16c: {  	s0 =	sshra.s32 s0, $0x2  }
0x16d: {  	s0 =	sadd.s32 s0, s2  }
0x16e: {  	s20 =	sadd.s32 $0x5050, s28;
	s0 =	sshrl.u32 s0, $0x3  }
0x16f: {  	[hbm:s20@s31], [sflag:s7] =	dma.strided [spmem:s0@s4], $0x200, s29, $0x10   }
0x170: {  	s0 =	sld [smem:s9+$0xFFFFFFDE];
	_ =	sdelay $0x2  }
0x171: {  	s0 =	sshll.u32 s0, $0xE  }
0x172: {  	s0 =	sshra.s32 s0, $0x2  }
0x173: {  	s0 =	sadd.s32 s0, s2  }
0x174: {  	s20 =	sadd.s32 $0x5060, s28;
	s0 =	sshrl.u32 s0, $0x3  }
0x175: {  	[hbm:s20@s31], [sflag:s7] =	dma.strided [spmem:s0@s4], $0x200, s29, $0x10   }
0x176: {  	s0 =	sld [smem:s9+$0xFFFFFFDF];
	_ =	sdelay $0x2  }
0x177: {  	s0 =	sshll.u32 s0, $0xE  }
0x178: {  	s0 =	sshra.s32 s0, $0x2  }
0x179: {  	s0 =	sadd.s32 s0, s2  }
0x17a: {  	s20 =	sadd.s32 $0x5070, s28;
	s0 =	sshrl.u32 s0, $0x3  }
0x17b: {  	[hbm:s20@s31], [sflag:s7] =	dma.strided [spmem:s0@s4], $0x200, s29, $0x10   }
0x17c: {  	s20 =	simm.s32 $0x3  }
0x17d: {  	_ =	swait.ge [sflag:s20], $0x8000  }
0x17e: {  	[sflag:s20] =	ssyncset.done $0x0  }
0x17f: {  	[sflag:s20] =	ssyncadd.s32 $0xFFFF8000  }
0x180: {  	v2 =	vld.msk [tilespmem:s8+$0xFFFFFFF0], $0xff;
	_ =	sdelay $0x4  }
0x181: {  	v3 =	vshll.u32 v2, $0x5  }
0x182: {  	v2 =	vand.u32 $0x7, v2;
	v3 =	vand.u32 $0xFFFFFF00, v3  }
0x183: {  	v2 =	vor.u32 v2, v3  }
0x184: {  	v2 =	vperm.xlane v2, v0;
	_ =	sdelay $0x1  }
0x185: {  	v2 =	vadd.s32 v1, v2;
	_ =	sdelay $0x4  }
0x186: {  	[tilespmem:s3], [sflag:$0x1] =	stream.indirect_vreg.gather [hbm4b:s10+s5], $0x80, v2, vm0, $0xb8;
	[tilespmem:$0x1D600] =	vst v63  }
0x187: {  	s1 =	simm.s32 $0xDE00  }
0x188: {  	[tilespmem:s1], [sflag:$0x1] =	stream.indirect_vreg.gather [hbm4b:s11+s5], $0x80, v2, vm0, $0xb8;
	[tilespmem:$0x1D600] =	vst v63  }
0x189: {  	s20 =	simm.s32 $0xE600  }
0x18a: {  	[tilespmem:s20], [sflag:$0x1] =	stream.indirect_vreg.gather [hbm4b:s12+s5], $0x80, v2, vm0, $0xb8;
	[tilespmem:$0x1D600] =	vst v63  }
0x18b: {  	s1 =	simm.s32 $0xEE00  }
0x18c: {  	[tilespmem:s1], [sflag:$0x1] =	stream.indirect_vreg.gather [hbm4b:s13+s5], $0x80, v2, vm0, $0xb8;
	[tilespmem:$0x1D600] =	vst v63  }
0x18d: {  	s20 =	simm.s32 $0xF600  }
0x18e: {  	[tilespmem:s20], [sflag:$0x1] =	stream.indirect_vreg.gather [hbm4b:s14+s5], $0x80, v2, vm0, $0xb8;
	[tilespmem:$0x1D600] =	vst v63  }
0x18f: {  	s1 =	simm.s32 $0xFE00  }
0x190: {  	[tilespmem:s1], [sflag:$0x1] =	stream.indirect_vreg.gather [hbm4b:s15+s5], $0x80, v2, vm0, $0xb8;
	[tilespmem:$0x1D600] =	vst v63  }
0x191: {  	s20 =	simm.s32 $0x10600  }
0x192: {  	[tilespmem:s20], [sflag:$0x1] =	stream.indirect_vreg.gather [hbm4b:s16+s5], $0x80, v2, vm0, $0xb8;
	[tilespmem:$0x1D600] =	vst v63  }
0x193: {  	s20 =	simm.s32 $0x10E00  }
0x194: {  	[tilespmem:s20], [sflag:$0x1] =	stream.indirect_vreg.gather [hbm4b:s17+s5], $0x80, v2, vm0, $0xb8;
	[tilespmem:$0x1D600] =	vst v63  }
0x195: {  	s1 =	simm.s32 $0x11600  }
0x196: {  	[tilespmem:s1], [sflag:$0x1] =	stream.indirect_vreg.gather [hbm4b:s18+s5], $0x80, v2, vm0, $0xb8;
	[tilespmem:$0x1D600] =	vst v63  }
0x197: {  	s1 =	simm.s32 $0x11E00  }
0x198: {  	[tilespmem:s1], [sflag:$0x1] =	stream.indirect_vreg.gather [hbm4b:s19+s5], $0x80, v2, vm0, $0xb8;
	[tilespmem:$0x1D600] =	vst v63  }
0x199: {  	s1 =	simm.s32 $0x12600  }
0x19a: {  	[tilespmem:s1], [sflag:$0x1] =	stream.indirect_vreg.gather [hbm4b:s21+s5], $0x80, v2, vm0, $0xb8;
	[tilespmem:$0x1D600] =	vst v63  }
0x19b: {  	s1 =	simm.s32 $0x12E00  }
0x19c: {  	[tilespmem:s1], [sflag:$0x1] =	stream.indirect_vreg.gather [hbm4b:s22+s5], $0x80, v2, vm0, $0xb8;
	[tilespmem:$0x1D600] =	vst v63  }
0x19d: {  	s1 =	simm.s32 $0x13600  }
0x19e: {  	[tilespmem:s1], [sflag:$0x1] =	stream.indirect_vreg.gather [hbm4b:s23+s5], $0x80, v2, vm0, $0xb8;
	[tilespmem:$0x1D600] =	vst v63  }
0x19f: {  	s1 =	simm.s32 $0x13E00  }
0x1a0: {  	[tilespmem:s1], [sflag:$0x1] =	stream.indirect_vreg.gather [hbm4b:s24+s5], $0x80, v2, vm0, $0xb8;
	[tilespmem:$0x1D600] =	vst v63  }
0x1a1: {  	s1 =	simm.s32 $0x14600  }
0x1a2: {  	[tilespmem:s1], [sflag:$0x1] =	stream.indirect_vreg.gather [hbm4b:s25+s5], $0x80, v2, vm0, $0xb8;
	[tilespmem:$0x1D600] =	vst v63  }
0x1a3: {  	s1 =	simm.s32 $0x14E00  }
0x1a4: {  	[tilespmem:s1], [sflag:$0x1] =	stream.indirect_vreg.gather [hbm4b:s26+s5], $0x80, v2, vm0, $0xb8;
	[tilespmem:$0x1D600] =	vst v63  }
0x1a5: {  	s1 =	simm.s32 $0x2  }
0x1a6: {  	_ =	swait.ge [sflag:s1], $0x8000  }
0x1a7: {  	[sflag:s1] =	ssyncset.done $0x0  }
0x1a8: {  	s0 =	sadd.s32 $0x4000, s28;
	[sflag:s1] =	ssyncadd.s32 $0xFFFF8000;
	s1 =	simm.s32 $0x15600  }
0x1a9: {  	[hbm4b:s0+s5] =	stream.linear.scatter [tilespmem:s1], [sflag:$0x4], $0x8000, $0x38;
	[tilespmem:$0x1D600] =	vst v63  }
0x1aa: {  	_ =	swait.ge [sflag:s30], $0x200  }
0x1ab: {  	[sflag:s30] =	ssyncset.done $0x0  }
0x1ac: {  	[sflag:s30] =	ssyncadd.s32 $0xFFFFFE00  }
0x1ad: {  	_ =	swait.ge [sflag:s30], $0x200  }
0x1ae: {  	[sflag:s30] =	ssyncset.done $0x0  }
0x1af: {  	[sflag:s30] =	ssyncadd.s32 $0xFFFFFE00  }
0x1b0: {  	_ =	swait.ge [sflag:s30], $0x200  }
0x1b1: {  	[sflag:s30] =	ssyncset.done $0x0  }
0x1b2: {  	[sflag:s30] =	ssyncadd.s32 $0xFFFFFE00  }
0x1b3: {  	_ =	swait.ge [sflag:s30], $0x200  }
0x1b4: {  	[sflag:s30] =	ssyncset.done $0x0  }
0x1b5: {  	[sflag:s30] =	ssyncadd.s32 $0xFFFFFE00  }
0x1b6: {  	_ =	swait.ge [sflag:s30], $0x200  }
0x1b7: {  	[sflag:s30] =	ssyncset.done $0x0  }
0x1b8: {  	[sflag:s30] =	ssyncadd.s32 $0xFFFFFE00  }
0x1b9: {  	_ =	swait.ge [sflag:s30], $0x200  }
0x1ba: {  	[sflag:s30] =	ssyncset.done $0x0  }
0x1bb: {  	[sflag:s30] =	ssyncadd.s32 $0xFFFFFE00  }
0x1bc: {  	_ =	swait.ge [sflag:s30], $0x200  }
0x1bd: {  	[sflag:s30] =	ssyncset.done $0x0  }
0x1be: {  	[sflag:s30] =	ssyncadd.s32 $0xFFFFFE00  }
0x1bf: {  	_ =	swait.ge [sflag:s30], $0x200  }
0x1c0: {  	[sflag:s30] =	ssyncset.done $0x0  }
0x1c1: {  	[sflag:s30] =	ssyncadd.s32 $0xFFFFFE00  }
0x1c2: {  	s1 =	sld [smem:s9+$0xFFFFFFE8];
	_ =	sdelay $0x2  }
0x1c3: {  	s0 =	sshll.u32 s1, $0xE  }
0x1c4: {  	s0 =	sshra.s32 s0, $0x2  }
0x1c5: {  	s0 =	sadd.s32 s0, s2  }
0x1c6: {  	s1 =	sadd.s32 $0x7000, s28;
	s0 =	sshrl.u32 s0, $0x3  }
0x1c7: {  	[hbm:s1@s31], [sflag:s7] =	dma.strided [spmem:s0@s4], $0x200, s29, $0x10   }
0x1c8: {  	s0 =	sld [smem:s9+$0xFFFFFFE9];
	_ =	sdelay $0x2  }
0x1c9: {  	s0 =	sshll.u32 s0, $0xE  }
0x1ca: {  	s0 =	sshra.s32 s0, $0x2  }
0x1cb: {  	s0 =	sadd.s32 s0, s2  }
0x1cc: {  	s1 =	sadd.s32 $0x7010, s28;
	s0 =	sshrl.u32 s0, $0x3  }
0x1cd: {  	[hbm:s1@s31], [sflag:s7] =	dma.strided [spmem:s0@s4], $0x200, s29, $0x10   }
0x1ce: {  	s0 =	sld [smem:s9+$0xFFFFFFEA];
	_ =	sdelay $0x2  }
0x1cf: {  	s0 =	sshll.u32 s0, $0xE  }
0x1d0: {  	s0 =	sshra.s32 s0, $0x2  }
0x1d1: {  	s0 =	sadd.s32 s0, s2  }
0x1d2: {  	s1 =	sadd.s32 $0x7020, s28;
	s0 =	sshrl.u32 s0, $0x3  }
0x1d3: {  	[hbm:s1@s31], [sflag:s7] =	dma.strided [spmem:s0@s4], $0x200, s29, $0x10   }
0x1d4: {  	s0 =	sld [smem:s9+$0xFFFFFFEB];
	_ =	sdelay $0x2  }
0x1d5: {  	s0 =	sshll.u32 s0, $0xE  }
0x1d6: {  	s0 =	sshra.s32 s0, $0x2  }
0x1d7: {  	s0 =	sadd.s32 s0, s2  }
0x1d8: {  	s1 =	sadd.s32 $0x7030, s28;
	s0 =	sshrl.u32 s0, $0x3  }
0x1d9: {  	[hbm:s1@s31], [sflag:s7] =	dma.strided [spmem:s0@s4], $0x200, s29, $0x10   }
0x1da: {  	s0 =	sld [smem:s9+$0xFFFFFFEC];
	_ =	sdelay $0x2  }
0x1db: {  	s0 =	sshll.u32 s0, $0xE  }
0x1dc: {  	s0 =	sshra.s32 s0, $0x2  }
0x1dd: {  	s0 =	sadd.s32 s0, s2  }
0x1de: {  	s1 =	sadd.s32 $0x7040, s28;
	s0 =	sshrl.u32 s0, $0x3  }
0x1df: {  	[hbm:s1@s31], [sflag:s7] =	dma.strided [spmem:s0@s4], $0x200, s29, $0x10   }
0x1e0: {  	s0 =	sld [smem:s9+$0xFFFFFFED];
	_ =	sdelay $0x2  }
0x1e1: {  	s0 =	sshll.u32 s0, $0xE  }
0x1e2: {  	s0 =	sshra.s32 s0, $0x2  }
0x1e3: {  	s0 =	sadd.s32 s0, s2  }
0x1e4: {  	s1 =	sadd.s32 $0x7050, s28;
	s0 =	sshrl.u32 s0, $0x3  }
0x1e5: {  	[hbm:s1@s31], [sflag:s7] =	dma.strided [spmem:s0@s4], $0x200, s29, $0x10   }
0x1e6: {  	s0 =	sld [smem:s9+$0xFFFFFFEE];
	_ =	sdelay $0x2  }
0x1e7: {  	s0 =	sshll.u32 s0, $0xE  }
0x1e8: {  	s0 =	sshra.s32 s0, $0x2  }
0x1e9: {  	s0 =	sadd.s32 s0, s2  }
0x1ea: {  	s1 =	sadd.s32 $0x7060, s28;
	s0 =	sshrl.u32 s0, $0x3  }
0x1eb: {  	[hbm:s1@s31], [sflag:s7] =	dma.strided [spmem:s0@s4], $0x200, s29, $0x10   }
0x1ec: {  	s0 =	sld [smem:s9+$0xFFFFFFEF];
	_ =	sdelay $0x2  }
0x1ed: {  	s0 =	sshll.u32 s0, $0xE  }
0x1ee: {  	s0 =	sshra.s32 s0, $0x2  }
0x1ef: {  	s0 =	sadd.s32 s0, s2  }
0x1f0: {  	s1 =	sadd.s32 $0x7070, s28;
	s0 =	sshrl.u32 s0, $0x3  }
0x1f1: {  	[hbm:s1@s31], [sflag:s7] =	dma.strided [spmem:s0@s4], $0x200, s29, $0x10   }
0x1f2: {  	_ =	swait.ge [sflag:s6], $0x8000  }
0x1f3: {  	[sflag:s6] =	ssyncset.done $0x0  }
0x1f4: {  	[sflag:s6] =	ssyncadd.s32 $0xFFFF8000  }
0x1f5: {  	v2 =	vld.msk [tilespmem:s8+$0x0], $0xff;
	_ =	sdelay $0x4  }
0x1f6: {  	v3 =	vshll.u32 v2, $0x5  }
0x1f7: {  	v2 =	vand.u32 $0x7, v2;
	v3 =	vand.u32 $0xFFFFFF00, v3  }
0x1f8: {  	v2 =	vor.u32 v2, v3  }
0x1f9: {  	v2 =	vperm.xlane v2, v0;
	_ =	sdelay $0x1  }
0x1fa: {  	v2 =	vadd.s32 v1, v2;
	_ =	sdelay $0x3  }
0x1fb: {  	s1 =	simm.s32 $0x15600  }
0x1fc: {  	[tilespmem:s1], [sflag:$0x2] =	stream.indirect_vreg.gather [hbm4b:s10+s5], $0x80, v2, vm0, $0xb8;
	[tilespmem:$0x1D600] =	vst v63  }
0x1fd: {  	s6 =	simm.s32 $0x15E00  }
0x1fe: {  	[tilespmem:s6], [sflag:$0x2] =	stream.indirect_vreg.gather [hbm4b:s11+s5], $0x80, v2, vm0, $0xb8;
	[tilespmem:$0x1D600] =	vst v63  }
0x1ff: {  	s6 =	simm.s32 $0x16600  }
0x200: {  	[tilespmem:s6], [sflag:$0x2] =	stream.indirect_vreg.gather [hbm4b:s12+s5], $0x80, v2, vm0, $0xb8;
	[tilespmem:$0x1D600] =	vst v63  }
0x201: {  	s6 =	simm.s32 $0x16E00  }
0x202: {  	[tilespmem:s6], [sflag:$0x2] =	stream.indirect_vreg.gather [hbm4b:s13+s5], $0x80, v2, vm0, $0xb8;
	[tilespmem:$0x1D600] =	vst v63  }
0x203: {  	s6 =	simm.s32 $0x17600  }
0x204: {  	[tilespmem:s6], [sflag:$0x2] =	stream.indirect_vreg.gather [hbm4b:s14+s5], $0x80, v2, vm0, $0xb8;
	[tilespmem:$0x1D600] =	vst v63  }
0x205: {  	s6 =	simm.s32 $0x17E00  }
0x206: {  	[tilespmem:s6], [sflag:$0x2] =	stream.indirect_vreg.gather [hbm4b:s15+s5], $0x80, v2, vm0, $0xb8;
	[tilespmem:$0x1D600] =	vst v63  }
0x207: {  	s6 =	simm.s32 $0x18600  }
0x208: {  	[tilespmem:s6], [sflag:$0x2] =	stream.indirect_vreg.gather [hbm4b:s16+s5], $0x80, v2, vm0, $0xb8;
	[tilespmem:$0x1D600] =	vst v63  }
0x209: {  	s6 =	simm.s32 $0x18E00  }
0x20a: {  	[tilespmem:s6], [sflag:$0x2] =	stream.indirect_vreg.gather [hbm4b:s17+s5], $0x80, v2, vm0, $0xb8;
	[tilespmem:$0x1D600] =	vst v63  }
0x20b: {  	s6 =	simm.s32 $0x19600  }
0x20c: {  	[tilespmem:s6], [sflag:$0x2] =	stream.indirect_vreg.gather [hbm4b:s18+s5], $0x80, v2, vm0, $0xb8;
	[tilespmem:$0x1D600] =	vst v63  }
0x20d: {  	s6 =	simm.s32 $0x19E00  }
0x20e: {  	[tilespmem:s6], [sflag:$0x2] =	stream.indirect_vreg.gather [hbm4b:s19+s5], $0x80, v2, vm0, $0xb8;
	[tilespmem:$0x1D600] =	vst v63  }
0x20f: {  	s6 =	simm.s32 $0x1A600  }
0x210: {  	[tilespmem:s6], [sflag:$0x2] =	stream.indirect_vreg.gather [hbm4b:s21+s5], $0x80, v2, vm0, $0xb8;
	[tilespmem:$0x1D600] =	vst v63  }
0x211: {  	s6 =	simm.s32 $0x1AE00  }
0x212: {  	[tilespmem:s6], [sflag:$0x2] =	stream.indirect_vreg.gather [hbm4b:s22+s5], $0x80, v2, vm0, $0xb8;
	[tilespmem:$0x1D600] =	vst v63  }
0x213: {  	s6 =	simm.s32 $0x1B600  }
0x214: {  	[tilespmem:s6], [sflag:$0x2] =	stream.indirect_vreg.gather [hbm4b:s23+s5], $0x80, v2, vm0, $0xb8;
	[tilespmem:$0x1D600] =	vst v63  }
0x215: {  	s6 =	simm.s32 $0x1BE00  }
0x216: {  	[tilespmem:s6], [sflag:$0x2] =	stream.indirect_vreg.gather [hbm4b:s24+s5], $0x80, v2, vm0, $0xb8;
	[tilespmem:$0x1D600] =	vst v63  }
0x217: {  	s6 =	simm.s32 $0x1C600  }
0x218: {  	[tilespmem:s6], [sflag:$0x2] =	stream.indirect_vreg.gather [hbm4b:s25+s5], $0x80, v2, vm0, $0xb8;
	[tilespmem:$0x1D600] =	vst v63  }
0x219: {  	s6 =	simm.s32 $0x1CE00  }
0x21a: {  	[tilespmem:s6], [sflag:$0x2] =	stream.indirect_vreg.gather [hbm4b:s26+s5], $0x80, v2, vm0, $0xb8;
	[tilespmem:$0x1D600] =	vst v63  }
0x21b: {  	_ =	swait.ge [sflag:s29], $0x8000  }
0x21c: {  	[sflag:s29] =	ssyncset.done $0x0  }
0x21d: {  	s6 =	sadd.s32 $0x6000, s28;
	[sflag:s29] =	ssyncadd.s32 $0xFFFF8000  }
0x21e: {  	[hbm4b:s6+s5] =	stream.linear.scatter [tilespmem:s3], [sflag:$0x3], $0x8000, $0x38;
	[tilespmem:$0x1D600] =	vst v63  }
0x21f: {  	s6 =	simm.s32 $0x3  }
0x220: {  	_ =	swait.ge [sflag:s6], $0x8000  }
0x221: {  	[sflag:s6] =	ssyncset.done $0x0  }
0x222: {  	[sflag:s6] =	ssyncadd.s32 $0xFFFF8000  }
0x223: {  	v2 =	vld.msk [tilespmem:s8+$0x8], $0xff;
	_ =	sdelay $0x4  }
0x224: {  	v3 =	vshll.u32 v2, $0x5  }
0x225: {  	v2 =	vand.u32 $0x7, v2;
	v3 =	vand.u32 $0xFFFFFF00, v3  }
0x226: {  	v2 =	vor.u32 v2, v3  }
0x227: {  	v2 =	vperm.xlane v2, v0;
	_ =	sdelay $0x1  }
0x228: {  	v2 =	vadd.s32 v1, v2;
	_ =	sdelay $0x4  }
0x229: {  	[tilespmem:s3], [sflag:$0x1] =	stream.indirect_vreg.gather [hbm4b:s10+s5], $0x80, v2, vm0, $0xb8;
	[tilespmem:$0x1D600] =	vst v63  }
0x22a: {  	s6 =	simm.s32 $0xDE00  }
0x22b: {  	[tilespmem:s6], [sflag:$0x1] =	stream.indirect_vreg.gather [hbm4b:s11+s5], $0x80, v2, vm0, $0xb8;
	[tilespmem:$0x1D600] =	vst v63  }
0x22c: {  	s6 =	simm.s32 $0xE600  }
0x22d: {  	[tilespmem:s6], [sflag:$0x1] =	stream.indirect_vreg.gather [hbm4b:s12+s5], $0x80, v2, vm0, $0xb8;
	[tilespmem:$0x1D600] =	vst v63  }
0x22e: {  	s6 =	simm.s32 $0xEE00  }
0x22f: {  	[tilespmem:s6], [sflag:$0x1] =	stream.indirect_vreg.gather [hbm4b:s13+s5], $0x80, v2, vm0, $0xb8;
	[tilespmem:$0x1D600] =	vst v63  }
0x230: {  	s6 =	simm.s32 $0xF600  }
0x231: {  	[tilespmem:s6], [sflag:$0x1] =	stream.indirect_vreg.gather [hbm4b:s14+s5], $0x80, v2, vm0, $0xb8;
	[tilespmem:$0x1D600] =	vst v63  }
0x232: {  	s6 =	simm.s32 $0xFE00  }
0x233: {  	[tilespmem:s6], [sflag:$0x1] =	stream.indirect_vreg.gather [hbm4b:s15+s5], $0x80, v2, vm0, $0xb8;
	[tilespmem:$0x1D600] =	vst v63  }
0x234: {  	s6 =	simm.s32 $0x10600  }
0x235: {  	[tilespmem:s6], [sflag:$0x1] =	stream.indirect_vreg.gather [hbm4b:s16+s5], $0x80, v2, vm0, $0xb8;
	[tilespmem:$0x1D600] =	vst v63  }
0x236: {  	_ = 	snop  }
0x237: {  	[tilespmem:s20], [sflag:$0x1] =	stream.indirect_vreg.gather [hbm4b:s17+s5], $0x80, v2, vm0, $0xb8;
	[tilespmem:$0x1D600] =	vst v63  }
0x238: {  	s6 =	simm.s32 $0x11600  }
0x239: {  	[tilespmem:s6], [sflag:$0x1] =	stream.indirect_vreg.gather [hbm4b:s18+s5], $0x80, v2, vm0, $0xb8;
	[tilespmem:$0x1D600] =	vst v63  }
0x23a: {  	s20 =	simm.s32 $0x11E00  }
0x23b: {  	[tilespmem:s20], [sflag:$0x1] =	stream.indirect_vreg.gather [hbm4b:s19+s5], $0x80, v2, vm0, $0xb8;
	[tilespmem:$0x1D600] =	vst v63  }
0x23c: {  	s6 =	simm.s32 $0x12600  }
0x23d: {  	[tilespmem:s6], [sflag:$0x1] =	stream.indirect_vreg.gather [hbm4b:s21+s5], $0x80, v2, vm0, $0xb8;
	[tilespmem:$0x1D600] =	vst v63  }
0x23e: {  	s20 =	simm.s32 $0x12E00  }
0x23f: {  	[tilespmem:s20], [sflag:$0x1] =	stream.indirect_vreg.gather [hbm4b:s22+s5], $0x80, v2, vm0, $0xb8;
	[tilespmem:$0x1D600] =	vst v63  }
0x240: {  	s6 =	simm.s32 $0x13600  }
0x241: {  	[tilespmem:s6], [sflag:$0x1] =	stream.indirect_vreg.gather [hbm4b:s23+s5], $0x80, v2, vm0, $0xb8;
	[tilespmem:$0x1D600] =	vst v63  }
0x242: {  	s20 =	simm.s32 $0x13E00  }
0x243: {  	[tilespmem:s20], [sflag:$0x1] =	stream.indirect_vreg.gather [hbm4b:s24+s5], $0x80, v2, vm0, $0xb8;
	[tilespmem:$0x1D600] =	vst v63  }
0x244: {  	s6 =	simm.s32 $0x14600  }
0x245: {  	[tilespmem:s6], [sflag:$0x1] =	stream.indirect_vreg.gather [hbm4b:s25+s5], $0x80, v2, vm0, $0xb8;
	[tilespmem:$0x1D600] =	vst v63  }
0x246: {  	s20 =	simm.s32 $0x14E00;
	s6 =	simm.s32 $0x2  }
0x247: {  	[tilespmem:s20], [sflag:$0x1] =	stream.indirect_vreg.gather [hbm4b:s26+s5], $0x80, v2, vm0, $0xb8;
	[tilespmem:$0x1D600] =	vst v63  }
0x248: {  	_ =	swait.ge [sflag:s6], $0x8000  }
0x249: {  	[sflag:s6] =	ssyncset.done $0x0  }
0x24a: {  	s20 =	sadd.s32 $0x8000, s28;
	[sflag:s6] =	ssyncadd.s32 $0xFFFF8000  }
0x24b: {  	[hbm4b:s20+s5] =	stream.linear.scatter [tilespmem:s1], [sflag:$0x4], $0x8000, $0x38;
	[tilespmem:$0x1D600] =	vst v63  }
0x24c: {  	_ =	swait.ge [sflag:s30], $0x200  }
0x24d: {  	[sflag:s30] =	ssyncset.done $0x0  }
0x24e: {  	[sflag:s30] =	ssyncadd.s32 $0xFFFFFE00  }
0x24f: {  	_ =	swait.ge [sflag:s30], $0x200  }
0x250: {  	[sflag:s30] =	ssyncset.done $0x0  }
0x251: {  	[sflag:s30] =	ssyncadd.s32 $0xFFFFFE00  }
0x252: {  	_ =	swait.ge [sflag:s30], $0x200  }
0x253: {  	[sflag:s30] =	ssyncset.done $0x0  }
0x254: {  	[sflag:s30] =	ssyncadd.s32 $0xFFFFFE00  }
0x255: {  	_ =	swait.ge [sflag:s30], $0x200  }
0x256: {  	[sflag:s30] =	ssyncset.done $0x0  }
0x257: {  	[sflag:s30] =	ssyncadd.s32 $0xFFFFFE00  }
0x258: {  	_ =	swait.ge [sflag:s30], $0x200  }
0x259: {  	[sflag:s30] =	ssyncset.done $0x0  }
0x25a: {  	[sflag:s30] =	ssyncadd.s32 $0xFFFFFE00  }
0x25b: {  	_ =	swait.ge [sflag:s30], $0x200  }
0x25c: {  	[sflag:s30] =	ssyncset.done $0x0  }
0x25d: {  	[sflag:s30] =	ssyncadd.s32 $0xFFFFFE00  }
0x25e: {  	_ =	swait.ge [sflag:s30], $0x200  }
0x25f: {  	[sflag:s30] =	ssyncset.done $0x0  }
0x260: {  	[sflag:s30] =	ssyncadd.s32 $0xFFFFFE00  }
0x261: {  	_ =	swait.ge [sflag:s30], $0x200  }
0x262: {  	[sflag:s30] =	ssyncset.done $0x0  }
0x263: {  	[sflag:s30] =	ssyncadd.s32 $0xFFFFFE00  }
0x264: {  	s1 =	sld [smem:s9+$0x0];
	_ =	sdelay $0x2  }
0x265: {  	s0 =	sshll.u32 s1, $0xE  }
0x266: {  	s0 =	sshra.s32 s0, $0x2  }
0x267: {  	s0 =	sadd.s32 s0, s2  }
0x268: {  	s20 =	sadd.s32 $0xA000, s28;
	s0 =	sshrl.u32 s0, $0x3  }
0x269: {  	[hbm:s20@s31], [sflag:s7] =	dma.strided [spmem:s0@s4], $0x200, s29, $0x10   }
0x26a: {  	s0 =	sld [smem:s9+$0x1];
	_ =	sdelay $0x2  }
0x26b: {  	s0 =	sshll.u32 s0, $0xE  }
0x26c: {  	s0 =	sshra.s32 s0, $0x2  }
0x26d: {  	s0 =	sadd.s32 s0, s2  }
0x26e: {  	s20 =	sadd.s32 $0xA010, s28;
	s0 =	sshrl.u32 s0, $0x3  }
0x26f: {  	[hbm:s20@s31], [sflag:s7] =	dma.strided [spmem:s0@s4], $0x200, s29, $0x10   }
0x270: {  	s0 =	sld [smem:s9+$0x2];
	_ =	sdelay $0x2  }
0x271: {  	s0 =	sshll.u32 s0, $0xE  }
0x272: {  	s0 =	sshra.s32 s0, $0x2  }
0x273: {  	s0 =	sadd.s32 s0, s2  }
0x274: {  	s20 =	sadd.s32 $0xA020, s28;
	s0 =	sshrl.u32 s0, $0x3  }
0x275: {  	[hbm:s20@s31], [sflag:s7] =	dma.strided [spmem:s0@s4], $0x200, s29, $0x10   }
0x276: {  	s0 =	sld [smem:s9+$0x3];
	_ =	sdelay $0x2  }
0x277: {  	s0 =	sshll.u32 s0, $0xE  }
0x278: {  	s0 =	sshra.s32 s0, $0x2  }
0x279: {  	s0 =	sadd.s32 s0, s2  }
0x27a: {  	s20 =	sadd.s32 $0xA030, s28;
	s0 =	sshrl.u32 s0, $0x3  }
0x27b: {  	[hbm:s20@s31], [sflag:s7] =	dma.strided [spmem:s0@s4], $0x200, s29, $0x10   }
0x27c: {  	s0 =	sld [smem:s9+$0x4];
	_ =	sdelay $0x2  }
0x27d: {  	s0 =	sshll.u32 s0, $0xE  }
0x27e: {  	s0 =	sshra.s32 s0, $0x2  }
0x27f: {  	s0 =	sadd.s32 s0, s2  }
0x280: {  	s20 =	sadd.s32 $0xA040, s28;
	s0 =	sshrl.u32 s0, $0x3  }
0x281: {  	[hbm:s20@s31], [sflag:s7] =	dma.strided [spmem:s0@s4], $0x200, s29, $0x10   }
0x282: {  	s0 =	sld [smem:s9+$0x5];
	_ =	sdelay $0x2  }
0x283: {  	s0 =	sshll.u32 s0, $0xE  }
0x284: {  	s0 =	sshra.s32 s0, $0x2  }
0x285: {  	s0 =	sadd.s32 s0, s2  }
0x286: {  	s20 =	sadd.s32 $0xA050, s28;
	s0 =	sshrl.u32 s0, $0x3  }
0x287: {  	[hbm:s20@s31], [sflag:s7] =	dma.strided [spmem:s0@s4], $0x200, s29, $0x10   }
0x288: {  	s0 =	sld [smem:s9+$0x6];
	_ =	sdelay $0x2  }
0x289: {  	s0 =	sshll.u32 s0, $0xE  }
0x28a: {  	s0 =	sshra.s32 s0, $0x2  }
0x28b: {  	s0 =	sadd.s32 s0, s2  }
0x28c: {  	s20 =	sadd.s32 $0xA060, s28;
	s0 =	sshrl.u32 s0, $0x3  }
0x28d: {  	[hbm:s20@s31], [sflag:s7] =	dma.strided [spmem:s0@s4], $0x200, s29, $0x10   }
0x28e: {  	s0 =	sld [smem:s9+$0x7];
	_ =	sdelay $0x2  }
0x28f: {  	s0 =	sshll.u32 s0, $0xE  }
0x290: {  	s0 =	sshra.s32 s0, $0x2  }
0x291: {  	s0 =	sadd.s32 s0, s2  }
0x292: {  	s20 =	sadd.s32 $0xA070, s28;
	s0 =	sshrl.u32 s0, $0x3  }
0x293: {  	[hbm:s20@s31], [sflag:s7] =	dma.strided [spmem:s0@s4], $0x200, s29, $0x10   }
0x294: {  	s20 =	simm.s32 $0x4  }
0x295: {  	_ =	swait.ge [sflag:s20], $0x8000  }
0x296: {  	[sflag:s20] =	ssyncset.done $0x0  }
0x297: {  	[sflag:s20] =	ssyncadd.s32 $0xFFFF8000  }
0x298: {  	v2 =	vld.msk [tilespmem:s8+$0x18], $0xff;
	_ =	sdelay $0x4  }
0x299: {  	v3 =	vshll.u32 v2, $0x5  }
0x29a: {  	v2 =	vand.u32 $0x7, v2;
	v3 =	vand.u32 $0xFFFFFF00, v3  }
0x29b: {  	v2 =	vor.u32 v2, v3  }
0x29c: {  	v2 =	vperm.xlane v2, v0;
	_ =	sdelay $0x1  }
0x29d: {  	v2 =	vadd.s32 v1, v2;
	_ =	sdelay $0x3  }
0x29e: {  	s6 =	simm.s32 $0x15600  }
0x29f: {  	[tilespmem:s6], [sflag:$0x2] =	stream.indirect_vreg.gather [hbm4b:s10+s5], $0x80, v2, vm0, $0xb8;
	[tilespmem:$0x1D600] =	vst v63  }
0x2a0: {  	s1 =	simm.s32 $0x15E00  }
0x2a1: {  	[tilespmem:s1], [sflag:$0x2] =	stream.indirect_vreg.gather [hbm4b:s11+s5], $0x80, v2, vm0, $0xb8;
	[tilespmem:$0x1D600] =	vst v63  }
0x2a2: {  	s6 =	simm.s32 $0x16600  }
0x2a3: {  	[tilespmem:s6], [sflag:$0x2] =	stream.indirect_vreg.gather [hbm4b:s12+s5], $0x80, v2, vm0, $0xb8;
	[tilespmem:$0x1D600] =	vst v63  }
0x2a4: {  	s1 =	simm.s32 $0x16E00  }
0x2a5: {  	[tilespmem:s1], [sflag:$0x2] =	stream.indirect_vreg.gather [hbm4b:s13+s5], $0x80, v2, vm0, $0xb8;
	[tilespmem:$0x1D600] =	vst v63  }
0x2a6: {  	s6 =	simm.s32 $0x17600  }
0x2a7: {  	[tilespmem:s6], [sflag:$0x2] =	stream.indirect_vreg.gather [hbm4b:s14+s5], $0x80, v2, vm0, $0xb8;
	[tilespmem:$0x1D600] =	vst v63  }
0x2a8: {  	s1 =	simm.s32 $0x17E00  }
0x2a9: {  	[tilespmem:s1], [sflag:$0x2] =	stream.indirect_vreg.gather [hbm4b:s15+s5], $0x80, v2, vm0, $0xb8;
	[tilespmem:$0x1D600] =	vst v63  }
0x2aa: {  	s6 =	simm.s32 $0x18600  }
0x2ab: {  	[tilespmem:s6], [sflag:$0x2] =	stream.indirect_vreg.gather [hbm4b:s16+s5], $0x80, v2, vm0, $0xb8;
	[tilespmem:$0x1D600] =	vst v63  }
0x2ac: {  	s1 =	simm.s32 $0x18E00  }
0x2ad: {  	[tilespmem:s1], [sflag:$0x2] =	stream.indirect_vreg.gather [hbm4b:s17+s5], $0x80, v2, vm0, $0xb8;
	[tilespmem:$0x1D600] =	vst v63  }
0x2ae: {  	s6 =	simm.s32 $0x19600  }
0x2af: {  	[tilespmem:s6], [sflag:$0x2] =	stream.indirect_vreg.gather [hbm4b:s18+s5], $0x80, v2, vm0, $0xb8;
	[tilespmem:$0x1D600] =	vst v63  }
0x2b0: {  	s1 =	simm.s32 $0x19E00  }
0x2b1: {  	[tilespmem:s1], [sflag:$0x2] =	stream.indirect_vreg.gather [hbm4b:s19+s5], $0x80, v2, vm0, $0xb8;
	[tilespmem:$0x1D600] =	vst v63  }
0x2b2: {  	s6 =	simm.s32 $0x1A600  }
0x2b3: {  	[tilespmem:s6], [sflag:$0x2] =	stream.indirect_vreg.gather [hbm4b:s21+s5], $0x80, v2, vm0, $0xb8;
	[tilespmem:$0x1D600] =	vst v63  }
0x2b4: {  	s1 =	simm.s32 $0x1AE00  }
0x2b5: {  	[tilespmem:s1], [sflag:$0x2] =	stream.indirect_vreg.gather [hbm4b:s22+s5], $0x80, v2, vm0, $0xb8;
	[tilespmem:$0x1D600] =	vst v63  }
0x2b6: {  	s6 =	simm.s32 $0x1B600  }
0x2b7: {  	[tilespmem:s6], [sflag:$0x2] =	stream.indirect_vreg.gather [hbm4b:s23+s5], $0x80, v2, vm0, $0xb8;
	[tilespmem:$0x1D600] =	vst v63  }
0x2b8: {  	s1 =	simm.s32 $0x1BE00  }
0x2b9: {  	[tilespmem:s1], [sflag:$0x2] =	stream.indirect_vreg.gather [hbm4b:s24+s5], $0x80, v2, vm0, $0xb8;
	[tilespmem:$0x1D600] =	vst v63  }
0x2ba: {  	s6 =	simm.s32 $0x1C600  }
0x2bb: {  	[tilespmem:s6], [sflag:$0x2] =	stream.indirect_vreg.gather [hbm4b:s25+s5], $0x80, v2, vm0, $0xb8;
	[tilespmem:$0x1D600] =	vst v63  }
0x2bc: {  	s1 =	simm.s32 $0x1CE00  }
0x2bd: {  	[tilespmem:s1], [sflag:$0x2] =	stream.indirect_vreg.gather [hbm4b:s26+s5], $0x80, v2, vm0, $0xb8;
	[tilespmem:$0x1D600] =	vst v63  }
0x2be: {  	_ =	swait.ge [sflag:s29], $0x8000  }
0x2bf: {  	[sflag:s29] =	ssyncset.done $0x0  }
0x2c0: {  	s6 =	sadd.s32 $0x9000, s28;
	[sflag:s29] =	ssyncadd.s32 $0xFFFF8000  }
0x2c1: {  	[hbm4b:s6+s5] =	stream.linear.scatter [tilespmem:s3], [sflag:$0x3], $0x8000, $0x38;
	[tilespmem:$0x1D600] =	vst v63  }
0x2c2: {  	_ =	swait.ge [sflag:s30], $0x200  }
0x2c3: {  	[sflag:s30] =	ssyncset.done $0x0  }
0x2c4: {  	[sflag:s30] =	ssyncadd.s32 $0xFFFFFE00  }
0x2c5: {  	_ =	swait.ge [sflag:s30], $0x200  }
0x2c6: {  	[sflag:s30] =	ssyncset.done $0x0  }
0x2c7: {  	[sflag:s30] =	ssyncadd.s32 $0xFFFFFE00  }
0x2c8: {  	_ =	swait.ge [sflag:s30], $0x200  }
0x2c9: {  	[sflag:s30] =	ssyncset.done $0x0  }
0x2ca: {  	[sflag:s30] =	ssyncadd.s32 $0xFFFFFE00  }
0x2cb: {  	_ =	swait.ge [sflag:s30], $0x200  }
0x2cc: {  	[sflag:s30] =	ssyncset.done $0x0  }
0x2cd: {  	[sflag:s30] =	ssyncadd.s32 $0xFFFFFE00  }
0x2ce: {  	_ =	swait.ge [sflag:s30], $0x200  }
0x2cf: {  	[sflag:s30] =	ssyncset.done $0x0  }
0x2d0: {  	[sflag:s30] =	ssyncadd.s32 $0xFFFFFE00  }
0x2d1: {  	_ =	swait.ge [sflag:s30], $0x200  }
0x2d2: {  	[sflag:s30] =	ssyncset.done $0x0  }
0x2d3: {  	[sflag:s30] =	ssyncadd.s32 $0xFFFFFE00  }
0x2d4: {  	_ =	swait.ge [sflag:s30], $0x200  }
0x2d5: {  	[sflag:s30] =	ssyncset.done $0x0  }
0x2d6: {  	[sflag:s30] =	ssyncadd.s32 $0xFFFFFE00  }
0x2d7: {  	_ =	swait.ge [sflag:s30], $0x200  }
0x2d8: {  	[sflag:s30] =	ssyncset.done $0x0  }
0x2d9: {  	[sflag:s30] =	ssyncadd.s32 $0xFFFFFE00  }
0x2da: {  	s1 =	sld [smem:s9+$0x10];
	_ =	sdelay $0x2  }
0x2db: {  	s0 =	sshll.u32 s1, $0xE  }
0x2dc: {  	s0 =	sshra.s32 s0, $0x2  }
0x2dd: {  	s0 =	sadd.s32 s0, s2  }
0x2de: {  	s6 =	sadd.s32 $0xC000, s28;
	s0 =	sshrl.u32 s0, $0x3  }
0x2df: {  	[hbm:s6@s31], [sflag:s7] =	dma.strided [spmem:s0@s4], $0x200, s29, $0x10   }
0x2e0: {  	s0 =	sld [smem:s9+$0x11];
	_ =	sdelay $0x2  }
0x2e1: {  	s0 =	sshll.u32 s0, $0xE  }
0x2e2: {  	s0 =	sshra.s32 s0, $0x2  }
0x2e3: {  	s0 =	sadd.s32 s0, s2  }
0x2e4: {  	s6 =	sadd.s32 $0xC010, s28;
	s0 =	sshrl.u32 s0, $0x3  }
0x2e5: {  	[hbm:s6@s31], [sflag:s7] =	dma.strided [spmem:s0@s4], $0x200, s29, $0x10   }
0x2e6: {  	s0 =	sld [smem:s9+$0x12];
	_ =	sdelay $0x2  }
0x2e7: {  	s0 =	sshll.u32 s0, $0xE  }
0x2e8: {  	s0 =	sshra.s32 s0, $0x2  }
0x2e9: {  	s0 =	sadd.s32 s0, s2  }
0x2ea: {  	s6 =	sadd.s32 $0xC020, s28;
	s0 =	sshrl.u32 s0, $0x3  }
0x2eb: {  	[hbm:s6@s31], [sflag:s7] =	dma.strided [spmem:s0@s4], $0x200, s29, $0x10   }
0x2ec: {  	s0 =	sld [smem:s9+$0x13];
	_ =	sdelay $0x2  }
0x2ed: {  	s0 =	sshll.u32 s0, $0xE  }
0x2ee: {  	s0 =	sshra.s32 s0, $0x2  }
0x2ef: {  	s0 =	sadd.s32 s0, s2  }
0x2f0: {  	s6 =	sadd.s32 $0xC030, s28;
	s0 =	sshrl.u32 s0, $0x3  }
0x2f1: {  	[hbm:s6@s31], [sflag:s7] =	dma.strided [spmem:s0@s4], $0x200, s29, $0x10   }
0x2f2: {  	s0 =	sld [smem:s9+$0x14];
	_ =	sdelay $0x2  }
0x2f3: {  	s0 =	sshll.u32 s0, $0xE  }
0x2f4: {  	s0 =	sshra.s32 s0, $0x2  }
0x2f5: {  	s0 =	sadd.s32 s0, s2  }
0x2f6: {  	s6 =	sadd.s32 $0xC040, s28;
	s0 =	sshrl.u32 s0, $0x3  }
0x2f7: {  	[hbm:s6@s31], [sflag:s7] =	dma.strided [spmem:s0@s4], $0x200, s29, $0x10   }
0x2f8: {  	s0 =	sld [smem:s9+$0x15];
	_ =	sdelay $0x2  }
0x2f9: {  	s0 =	sshll.u32 s0, $0xE  }
0x2fa: {  	s0 =	sshra.s32 s0, $0x2  }
0x2fb: {  	s0 =	sadd.s32 s0, s2  }
0x2fc: {  	s6 =	sadd.s32 $0xC050, s28;
	s0 =	sshrl.u32 s0, $0x3  }
0x2fd: {  	[hbm:s6@s31], [sflag:s7] =	dma.strided [spmem:s0@s4], $0x200, s29, $0x10   }
0x2fe: {  	s0 =	sld [smem:s9+$0x16];
	_ =	sdelay $0x2  }
0x2ff: {  	s0 =	sshll.u32 s0, $0xE  }
0x300: {  	s0 =	sshra.s32 s0, $0x2  }
0x301: {  	s0 =	sadd.s32 s0, s2  }
0x302: {  	s6 =	sadd.s32 $0xC060, s28;
	s0 =	sshrl.u32 s0, $0x3  }
0x303: {  	[hbm:s6@s31], [sflag:s7] =	dma.strided [spmem:s0@s4], $0x200, s29, $0x10   }
0x304: {  	s0 =	sld [smem:s9+$0x17];
	_ =	sdelay $0x2  }
0x305: {  	s0 =	sshll.u32 s0, $0xE  }
0x306: {  	s0 =	sshra.s32 s0, $0x2  }
0x307: {  	s0 =	sadd.s32 s0, s2  }
0x308: {  	s6 =	sadd.s32 $0xC070, s28;
	s0 =	sshrl.u32 s0, $0x3  }
0x309: {  	[hbm:s6@s31], [sflag:s7] =	dma.strided [spmem:s0@s4], $0x200, s29, $0x10   }
0x30a: {  	s6 =	simm.s32 $0x3  }
0x30b: {  	_ =	swait.ge [sflag:s6], $0x8000  }
0x30c: {  	[sflag:s6] =	ssyncset.done $0x0  }
0x30d: {  	[sflag:s6] =	ssyncadd.s32 $0xFFFF8000  }
0x30e: {  	v2 =	vld.msk [tilespmem:s8+$0x28], $0xff;
	_ =	sdelay $0x4  }
0x30f: {  	v3 =	vshll.u32 v2, $0x5  }
0x310: {  	v2 =	vand.u32 $0x7, v2;
	v3 =	vand.u32 $0xFFFFFF00, v3  }
0x311: {  	v2 =	vor.u32 v2, v3  }
0x312: {  	v2 =	vperm.xlane v2, v0;
	_ =	sdelay $0x1  }
0x313: {  	v2 =	vadd.s32 v1, v2;
	_ =	sdelay $0x4  }
0x314: {  	[tilespmem:s3], [sflag:$0x1] =	stream.indirect_vreg.gather [hbm4b:s10+s5], $0x80, v2, vm0, $0xb8;
	[tilespmem:$0x1D600] =	vst v63  }
0x315: {  	s6 =	smov.u32 s10;
	s10 =	simm.s32 $0xDE00  }
0x316: {  	[tilespmem:s10], [sflag:$0x1] =	stream.indirect_vreg.gather [hbm4b:s11+s5], $0x80, v2, vm0, $0xb8;
	[tilespmem:$0x1D600] =	vst v63  }
0x317: {  	s1 =	simm.s32 $0xE600  }
0x318: {  	[tilespmem:s1], [sflag:$0x1] =	stream.indirect_vreg.gather [hbm4b:s12+s5], $0x80, v2, vm0, $0xb8;
	[tilespmem:$0x1D600] =	vst v63  }
0x319: {  	s10 =	simm.s32 $0xEE00  }
0x31a: {  	[tilespmem:s10], [sflag:$0x1] =	stream.indirect_vreg.gather [hbm4b:s13+s5], $0x80, v2, vm0, $0xb8;
	[tilespmem:$0x1D600] =	vst v63  }
0x31b: {  	s1 =	simm.s32 $0xF600  }
0x31c: {  	[tilespmem:s1], [sflag:$0x1] =	stream.indirect_vreg.gather [hbm4b:s14+s5], $0x80, v2, vm0, $0xb8;
	[tilespmem:$0x1D600] =	vst v63  }
0x31d: {  	s10 =	simm.s32 $0xFE00  }
0x31e: {  	[tilespmem:s10], [sflag:$0x1] =	stream.indirect_vreg.gather [hbm4b:s15+s5], $0x80, v2, vm0, $0xb8;
	[tilespmem:$0x1D600] =	vst v63  }
0x31f: {  	s1 =	simm.s32 $0x10600  }
0x320: {  	[tilespmem:s1], [sflag:$0x1] =	stream.indirect_vreg.gather [hbm4b:s16+s5], $0x80, v2, vm0, $0xb8;
	[tilespmem:$0x1D600] =	vst v63  }
0x321: {  	s10 =	simm.s32 $0x10E00  }
0x322: {  	[tilespmem:s10], [sflag:$0x1] =	stream.indirect_vreg.gather [hbm4b:s17+s5], $0x80, v2, vm0, $0xb8;
	[tilespmem:$0x1D600] =	vst v63  }
0x323: {  	s1 =	simm.s32 $0x11600  }
0x324: {  	[tilespmem:s1], [sflag:$0x1] =	stream.indirect_vreg.gather [hbm4b:s18+s5], $0x80, v2, vm0, $0xb8;
	[tilespmem:$0x1D600] =	vst v63  }
0x325: {  	s10 =	simm.s32 $0x11E00  }
0x326: {  	[tilespmem:s10], [sflag:$0x1] =	stream.indirect_vreg.gather [hbm4b:s19+s5], $0x80, v2, vm0, $0xb8;
	[tilespmem:$0x1D600] =	vst v63  }
0x327: {  	s1 =	simm.s32 $0x12600  }
0x328: {  	[tilespmem:s1], [sflag:$0x1] =	stream.indirect_vreg.gather [hbm4b:s21+s5], $0x80, v2, vm0, $0xb8;
	[tilespmem:$0x1D600] =	vst v63  }
0x329: {  	s10 =	simm.s32 $0x12E00  }
0x32a: {  	[tilespmem:s10], [sflag:$0x1] =	stream.indirect_vreg.gather [hbm4b:s22+s5], $0x80, v2, vm0, $0xb8;
	[tilespmem:$0x1D600] =	vst v63  }
0x32b: {  	s1 =	simm.s32 $0x13600  }
0x32c: {  	[tilespmem:s1], [sflag:$0x1] =	stream.indirect_vreg.gather [hbm4b:s23+s5], $0x80, v2, vm0, $0xb8;
	[tilespmem:$0x1D600] =	vst v63  }
0x32d: {  	s10 =	simm.s32 $0x13E00  }
0x32e: {  	[tilespmem:s10], [sflag:$0x1] =	stream.indirect_vreg.gather [hbm4b:s24+s5], $0x80, v2, vm0, $0xb8;
	[tilespmem:$0x1D600] =	vst v63  }
0x32f: {  	s1 =	simm.s32 $0x14600  }
0x330: {  	[tilespmem:s1], [sflag:$0x1] =	stream.indirect_vreg.gather [hbm4b:s25+s5], $0x80, v2, vm0, $0xb8;
	[tilespmem:$0x1D600] =	vst v63  }
0x331: {  	s10 =	simm.s32 $0x14E00;
	s1 =	simm.s32 $0x2  }
0x332: {  	[tilespmem:s10], [sflag:$0x1] =	stream.indirect_vreg.gather [hbm4b:s26+s5], $0x80, v2, vm0, $0xb8;
	[tilespmem:$0x1D600] =	vst v63  }
0x333: {  	_ =	swait.ge [sflag:s1], $0x8000  }
0x334: {  	s20 =	simm.s32 $0x4;
	[sflag:s1] =	ssyncset.done $0x0  }
0x335: {  	s10 =	sadd.s32 $0xB000, s28;
	[sflag:s1] =	ssyncadd.s32 $0xFFFF8000;
	s1 =	simm.s32 $0x15600  }
0x336: {  	[hbm4b:s10+s5] =	stream.linear.scatter [tilespmem:s1], [sflag:$0x4], $0x8000, $0x38;
	[tilespmem:$0x1D600] =	vst v63  }
0x337: {  	_ =	swait.ge [sflag:s20], $0x8000  }
0x338: {  	[sflag:s20] =	ssyncset.done $0x0  }
0x339: {  	[sflag:s20] =	ssyncadd.s32 $0xFFFF8000  }
0x33a: {  	v2 =	vld.msk [tilespmem:s8+$0x30], $0xff;
	_ =	sdelay $0x4  }
0x33b: {  	v3 =	vshll.u32 v2, $0x5  }
0x33c: {  	v2 =	vand.u32 $0x7, v2;
	v3 =	vand.u32 $0xFFFFFF00, v3  }
0x33d: {  	v2 =	vor.u32 v2, v3  }
0x33e: {  	v2 =	vperm.xlane v2, v0;
	_ =	sdelay $0x1  }
0x33f: {  	v2 =	vadd.s32 v1, v2;
	_ =	sdelay $0x4  }
0x340: {  	[tilespmem:s1], [sflag:$0x2] =	stream.indirect_vreg.gather [hbm4b:s6+s5], $0x80, v2, vm0, $0xb8;
	[tilespmem:$0x1D600] =	vst v63  }
0x341: {  	s1 =	simm.s32 $0x15E00  }
0x342: {  	[tilespmem:s1], [sflag:$0x2] =	stream.indirect_vreg.gather [hbm4b:s11+s5], $0x80, v2, vm0, $0xb8;
	[tilespmem:$0x1D600] =	vst v63  }
0x343: {  	s20 =	simm.s32 $0x16600  }
0x344: {  	[tilespmem:s20], [sflag:$0x2] =	stream.indirect_vreg.gather [hbm4b:s12+s5], $0x80, v2, vm0, $0xb8;
	[tilespmem:$0x1D600] =	vst v63  }
0x345: {  	s1 =	simm.s32 $0x16E00  }
0x346: {  	[tilespmem:s1], [sflag:$0x2] =	stream.indirect_vreg.gather [hbm4b:s13+s5], $0x80, v2, vm0, $0xb8;
	[tilespmem:$0x1D600] =	vst v63  }
0x347: {  	s20 =	simm.s32 $0x17600  }
0x348: {  	[tilespmem:s20], [sflag:$0x2] =	stream.indirect_vreg.gather [hbm4b:s14+s5], $0x80, v2, vm0, $0xb8;
	[tilespmem:$0x1D600] =	vst v63  }
0x349: {  	s1 =	simm.s32 $0x17E00  }
0x34a: {  	[tilespmem:s1], [sflag:$0x2] =	stream.indirect_vreg.gather [hbm4b:s15+s5], $0x80, v2, vm0, $0xb8;
	[tilespmem:$0x1D600] =	vst v63  }
0x34b: {  	s20 =	simm.s32 $0x18600  }
0x34c: {  	[tilespmem:s20], [sflag:$0x2] =	stream.indirect_vreg.gather [hbm4b:s16+s5], $0x80, v2, vm0, $0xb8;
	[tilespmem:$0x1D600] =	vst v63  }
0x34d: {  	s1 =	simm.s32 $0x18E00  }
0x34e: {  	[tilespmem:s1], [sflag:$0x2] =	stream.indirect_vreg.gather [hbm4b:s17+s5], $0x80, v2, vm0, $0xb8;
	[tilespmem:$0x1D600] =	vst v63  }
0x34f: {  	s20 =	simm.s32 $0x19600  }
0x350: {  	[tilespmem:s20], [sflag:$0x2] =	stream.indirect_vreg.gather [hbm4b:s18+s5], $0x80, v2, vm0, $0xb8;
	[tilespmem:$0x1D600] =	vst v63  }
0x351: {  	s1 =	simm.s32 $0x19E00  }
0x352: {  	[tilespmem:s1], [sflag:$0x2] =	stream.indirect_vreg.gather [hbm4b:s19+s5], $0x80, v2, vm0, $0xb8;
	[tilespmem:$0x1D600] =	vst v63  }
0x353: {  	s20 =	simm.s32 $0x1A600  }
0x354: {  	[tilespmem:s20], [sflag:$0x2] =	stream.indirect_vreg.gather [hbm4b:s21+s5], $0x80, v2, vm0, $0xb8;
	[tilespmem:$0x1D600] =	vst v63  }
0x355: {  	s1 =	simm.s32 $0x1AE00  }
0x356: {  	[tilespmem:s1], [sflag:$0x2] =	stream.indirect_vreg.gather [hbm4b:s22+s5], $0x80, v2, vm0, $0xb8;
	[tilespmem:$0x1D600] =	vst v63  }
0x357: {  	s20 =	simm.s32 $0x1B600  }
0x358: {  	[tilespmem:s20], [sflag:$0x2] =	stream.indirect_vreg.gather [hbm4b:s23+s5], $0x80, v2, vm0, $0xb8;
	[tilespmem:$0x1D600] =	vst v63  }
0x359: {  	s1 =	simm.s32 $0x1BE00  }
0x35a: {  	[tilespmem:s1], [sflag:$0x2] =	stream.indirect_vreg.gather [hbm4b:s24+s5], $0x80, v2, vm0, $0xb8;
	[tilespmem:$0x1D600] =	vst v63  }
0x35b: {  	s20 =	simm.s32 $0x1C600  }
0x35c: {  	[tilespmem:s20], [sflag:$0x2] =	stream.indirect_vreg.gather [hbm4b:s25+s5], $0x80, v2, vm0, $0xb8;
	[tilespmem:$0x1D600] =	vst v63  }
0x35d: {  	s1 =	simm.s32 $0x1CE00  }
0x35e: {  	[tilespmem:s1], [sflag:$0x2] =	stream.indirect_vreg.gather [hbm4b:s26+s5], $0x80, v2, vm0, $0xb8;
	[tilespmem:$0x1D600] =	vst v63  }
0x35f: {  	_ =	swait.ge [sflag:s29], $0x8000  }
0x360: {  	[sflag:s29] =	ssyncset.done $0x0  }
0x361: {  	s20 =	sadd.s32 $0xD000, s28;
	[sflag:s29] =	ssyncadd.s32 $0xFFFF8000  }
0x362: {  	[hbm4b:s20+s5] =	stream.linear.scatter [tilespmem:s3], [sflag:$0x3], $0x8000, $0x38;
	[tilespmem:$0x1D600] =	vst v63  }
0x363: {  	_ =	swait.ge [sflag:s30], $0x200  }
0x364: {  	[sflag:s30] =	ssyncset.done $0x0  }
0x365: {  	[sflag:s30] =	ssyncadd.s32 $0xFFFFFE00  }
0x366: {  	_ =	swait.ge [sflag:s30], $0x200  }
0x367: {  	[sflag:s30] =	ssyncset.done $0x0  }
0x368: {  	[sflag:s30] =	ssyncadd.s32 $0xFFFFFE00  }
0x369: {  	_ =	swait.ge [sflag:s30], $0x200  }
0x36a: {  	[sflag:s30] =	ssyncset.done $0x0  }
0x36b: {  	[sflag:s30] =	ssyncadd.s32 $0xFFFFFE00  }
0x36c: {  	_ =	swait.ge [sflag:s30], $0x200  }
0x36d: {  	[sflag:s30] =	ssyncset.done $0x0  }
0x36e: {  	[sflag:s30] =	ssyncadd.s32 $0xFFFFFE00  }
0x36f: {  	_ =	swait.ge [sflag:s30], $0x200  }
0x370: {  	[sflag:s30] =	ssyncset.done $0x0  }
0x371: {  	[sflag:s30] =	ssyncadd.s32 $0xFFFFFE00  }
0x372: {  	_ =	swait.ge [sflag:s30], $0x200  }
0x373: {  	[sflag:s30] =	ssyncset.done $0x0  }
0x374: {  	[sflag:s30] =	ssyncadd.s32 $0xFFFFFE00  }
0x375: {  	_ =	swait.ge [sflag:s30], $0x200  }
0x376: {  	[sflag:s30] =	ssyncset.done $0x0  }
0x377: {  	[sflag:s30] =	ssyncadd.s32 $0xFFFFFE00  }
0x378: {  	_ =	swait.ge [sflag:s30], $0x200  }
0x379: {  	[sflag:s30] =	ssyncset.done $0x0  }
0x37a: {  	[sflag:s30] =	ssyncadd.s32 $0xFFFFFE00  }
0x37b: {  	s1 =	sld [smem:s9+$0x28];
	_ =	sdelay $0x2  }
0x37c: {  	s0 =	sshll.u32 s1, $0xE  }
0x37d: {  	s0 =	sshra.s32 s0, $0x2  }
0x37e: {  	s0 =	sadd.s32 s0, s2  }
0x37f: {  	s20 =	sadd.s32 $0xF000, s28;
	s0 =	sshrl.u32 s0, $0x3  }
0x380: {  	[hbm:s20@s31], [sflag:s7] =	dma.strided [spmem:s0@s4], $0x200, s29, $0x10   }
0x381: {  	s0 =	sld [smem:s9+$0x29];
	_ =	sdelay $0x2  }
0x382: {  	s0 =	sshll.u32 s0, $0xE  }
0x383: {  	s0 =	sshra.s32 s0, $0x2  }
0x384: {  	s0 =	sadd.s32 s0, s2  }
0x385: {  	s20 =	sadd.s32 $0xF010, s28;
	s0 =	sshrl.u32 s0, $0x3  }
0x386: {  	[hbm:s20@s31], [sflag:s7] =	dma.strided [spmem:s0@s4], $0x200, s29, $0x10   }
0x387: {  	s0 =	sld [smem:s9+$0x2A];
	_ =	sdelay $0x2  }
0x388: {  	s0 =	sshll.u32 s0, $0xE  }
0x389: {  	s0 =	sshra.s32 s0, $0x2  }
0x38a: {  	s0 =	sadd.s32 s0, s2  }
0x38b: {  	s20 =	sadd.s32 $0xF020, s28;
	s0 =	sshrl.u32 s0, $0x3  }
0x38c: {  	[hbm:s20@s31], [sflag:s7] =	dma.strided [spmem:s0@s4], $0x200, s29, $0x10   }
0x38d: {  	s0 =	sld [smem:s9+$0x2B];
	_ =	sdelay $0x2  }
0x38e: {  	s0 =	sshll.u32 s0, $0xE  }
0x38f: {  	s0 =	sshra.s32 s0, $0x2  }
0x390: {  	s0 =	sadd.s32 s0, s2  }
0x391: {  	s20 =	sadd.s32 $0xF030, s28;
	s0 =	sshrl.u32 s0, $0x3  }
0x392: {  	[hbm:s20@s31], [sflag:s7] =	dma.strided [spmem:s0@s4], $0x200, s29, $0x10   }
0x393: {  	s0 =	sld [smem:s9+$0x2C];
	_ =	sdelay $0x2  }
0x394: {  	s0 =	sshll.u32 s0, $0xE  }
0x395: {  	s0 =	sshra.s32 s0, $0x2  }
0x396: {  	s0 =	sadd.s32 s0, s2  }
0x397: {  	s20 =	sadd.s32 $0xF040, s28;
	s0 =	sshrl.u32 s0, $0x3  }
0x398: {  	[hbm:s20@s31], [sflag:s7] =	dma.strided [spmem:s0@s4], $0x200, s29, $0x10   }
0x399: {  	s0 =	sld [smem:s9+$0x2D];
	_ =	sdelay $0x2  }
0x39a: {  	s0 =	sshll.u32 s0, $0xE  }
0x39b: {  	s0 =	sshra.s32 s0, $0x2  }
0x39c: {  	s0 =	sadd.s32 s0, s2  }
0x39d: {  	s20 =	sadd.s32 $0xF050, s28;
	s0 =	sshrl.u32 s0, $0x3  }
0x39e: {  	[hbm:s20@s31], [sflag:s7] =	dma.strided [spmem:s0@s4], $0x200, s29, $0x10   }
0x39f: {  	s0 =	sld [smem:s9+$0x2E];
	_ =	sdelay $0x2  }
0x3a0: {  	s0 =	sshll.u32 s0, $0xE  }
0x3a1: {  	s0 =	sshra.s32 s0, $0x2  }
0x3a2: {  	s0 =	sadd.s32 s0, s2  }
0x3a3: {  	s20 =	sadd.s32 $0xF060, s28;
	s0 =	sshrl.u32 s0, $0x3  }
0x3a4: {  	[hbm:s20@s31], [sflag:s7] =	dma.strided [spmem:s0@s4], $0x200, s29, $0x10   }
0x3a5: {  	s0 =	sld [smem:s9+$0x2F];
	_ =	sdelay $0x2  }
0x3a6: {  	s0 =	sshll.u32 s0, $0xE  }
0x3a7: {  	s0 =	sshra.s32 s0, $0x2  }
0x3a8: {  	s0 =	sadd.s32 s0, s2  }
0x3a9: {  	s20 =	sadd.s32 $0xF070, s28;
	s28 =	rddreg [dreg:$0x9];
	s0 =	sshrl.u32 s0, $0x3  }
0x3aa: {  	[hbm:s20@s31], [sflag:s7] =	dma.strided [spmem:s0@s4], $0x200, s29, $0x10   }
0x3ab: {  	s0 =	rddreg [dreg:$0xe]  }
0x3ac: {  	s0 =	sadd.s32 $0x10000, s0  }
0x3ad: {  	p2 =	sne.s32 s0, $0x40000  }
.Ltmp0:
0x3ae: {  	_ = 	snop;
	(pc) =	sbr.rel @p2 .LBB2_2-.Ltmp0, $2  }
0x3af: {  	_ =	sdelay $0x2  }
0x3b0: {  	s10 =	simm.s32 $0x15600;
	s8 =	sadd.s32 $0x80, s8;
	s9 =	sadd.s32 $0x80, s9  }
0x3b1: {  	s0 =	simm.s32 $0x2  }
0x3b2: {  	_ =	swait.ge [sflag:s0], $0x8000  }
0x3b3: {  	[sflag:s0] =	ssyncset.done $0x0  }
0x3b4: {  	s9 =	rddreg [dreg:$0xa];
	[sflag:s0] =	ssyncadd.s32 $0xFFFF8000  }
0x3b5: {  	[hbm4b:s9+s5] =	stream.linear.scatter [tilespmem:s10], [sflag:$0x4], $0x8000, $0x38;
	[tilespmem:$0x1D600] =	vst v63  }
0x3b6: {  	_ =	swait.ge [sflag:s30], $0x200  }
0x3b7: {  	[sflag:s30] =	ssyncset.done $0x0  }
0x3b8: {  	[sflag:s30] =	ssyncadd.s32 $0xFFFFFE00  }
0x3b9: {  	_ =	swait.ge [sflag:s30], $0x200  }
0x3ba: {  	[sflag:s30] =	ssyncset.done $0x0  }
0x3bb: {  	[sflag:s30] =	ssyncadd.s32 $0xFFFFFE00  }
0x3bc: {  	_ =	swait.ge [sflag:s30], $0x200  }
0x3bd: {  	[sflag:s30] =	ssyncset.done $0x0  }
0x3be: {  	[sflag:s30] =	ssyncadd.s32 $0xFFFFFE00  }
0x3bf: {  	_ =	swait.ge [sflag:s30], $0x200  }
0x3c0: {  	[sflag:s30] =	ssyncset.done $0x0  }
0x3c1: {  	[sflag:s30] =	ssyncadd.s32 $0xFFFFFE00  }
0x3c2: {  	_ =	swait.ge [sflag:s30], $0x200  }
0x3c3: {  	[sflag:s30] =	ssyncset.done $0x0  }
0x3c4: {  	[sflag:s30] =	ssyncadd.s32 $0xFFFFFE00  }
0x3c5: {  	_ =	swait.ge [sflag:s30], $0x200  }
0x3c6: {  	[sflag:s30] =	ssyncset.done $0x0  }
0x3c7: {  	[sflag:s30] =	ssyncadd.s32 $0xFFFFFE00  }
0x3c8: {  	_ =	swait.ge [sflag:s30], $0x200  }
0x3c9: {  	[sflag:s30] =	ssyncset.done $0x0  }
0x3ca: {  	[sflag:s30] =	ssyncadd.s32 $0xFFFFFE00  }
0x3cb: {  	_ =	swait.ge [sflag:s30], $0x200  }
0x3cc: {  	[sflag:s30] =	ssyncset.done $0x0  }
0x3cd: {  	[sflag:s30] =	ssyncadd.s32 $0xFFFFFE00  }
0x3ce: {  	_ =	swait.ge [sflag:s30], $0x200  }
0x3cf: {  	[sflag:s30] =	ssyncset.done $0x0  }
0x3d0: {  	[sflag:s30] =	ssyncadd.s32 $0xFFFFFE00  }
0x3d1: {  	_ =	swait.ge [sflag:s30], $0x200  }
0x3d2: {  	[sflag:s30] =	ssyncset.done $0x0  }
0x3d3: {  	[sflag:s30] =	ssyncadd.s32 $0xFFFFFE00  }
0x3d4: {  	_ =	swait.ge [sflag:s30], $0x200  }
0x3d5: {  	[sflag:s30] =	ssyncset.done $0x0  }
0x3d6: {  	[sflag:s30] =	ssyncadd.s32 $0xFFFFFE00  }
0x3d7: {  	_ =	swait.ge [sflag:s30], $0x200  }
0x3d8: {  	[sflag:s30] =	ssyncset.done $0x0  }
0x3d9: {  	[sflag:s30] =	ssyncadd.s32 $0xFFFFFE00  }
0x3da: {  	_ =	swait.ge [sflag:s30], $0x200  }
0x3db: {  	[sflag:s30] =	ssyncset.done $0x0  }
0x3dc: {  	[sflag:s30] =	ssyncadd.s32 $0xFFFFFE00  }
0x3dd: {  	_ =	swait.ge [sflag:s30], $0x200  }
0x3de: {  	[sflag:s30] =	ssyncset.done $0x0  }
0x3df: {  	[sflag:s30] =	ssyncadd.s32 $0xFFFFFE00  }
0x3e0: {  	_ =	swait.ge [sflag:s30], $0x200  }
0x3e1: {  	[sflag:s30] =	ssyncset.done $0x0  }
0x3e2: {  	[sflag:s30] =	ssyncadd.s32 $0xFFFFFE00  }
0x3e3: {  	_ =	swait.ge [sflag:s30], $0x200  }
0x3e4: {  	[sflag:s30] =	ssyncset.done $0x0  }
0x3e5: {  	s10 =	simm.s32 $0x3;
	[sflag:s30] =	ssyncadd.s32 $0xFFFFFE00  }
0x3e6: {  	_ =	swait.ge [sflag:s10], $0x8000  }
0x3e7: {  	[sflag:s10] =	ssyncset.done $0x0  }
0x3e8: {  	s3 =	simm.s32 $0x4;
	[sflag:s10] =	ssyncadd.s32 $0xFFFF8000  }
0x3e9: {  	_ =	swait.ge [sflag:s3], $0x8000  }
0x3ea: {  	s1 =	rddreg [dreg:$0xd]  }
0x3eb: {  	s20 =	rddreg [dreg:$0xb];
	s1 =	sadd.s32 $0x1, s1  }
0x3ec: {  	p2 =	sne.s32 s1, s20  }
.Ltmp1:
0x3ed: {  	_ = 	snop;
	(pc) =	sbr.rel @p2 .LBB2_1-.Ltmp1, $3  }
0x3ee: {  	_ =	sdelay $0x1  }
0x3ef: {  	[sflag:s3] =	ssyncset.done $0x0  }
0x3f0: {  	[sflag:s3] =	ssyncadd.s32 $0xFFFF8000;
	s20 =	stileid.u32  }
0x3f1: {  	_ =	sfence.sel $0x180000  }
0x3f2: {  	[bflag:$0x0] =	sbarrier.arrive $0xFFFF  }
0x3f3: {  	_ =	strace $0x90000047  }
0x3f4: {  	[bflag:$0x2] =	sbarrier.arrive $0xFFFF  }
0x3f5: {  	p0 =	sne.s32 s20, $0x0;
	s0 =	rddreg [dreg:$0x5]  }
0x3f6: {  	s0 =	sadd.s32 @!p0 $0x100000, s0  }
0x3f7: {  	[sflag:s0] =	ssyncadd.tile.s32 @!p0 $0x1;
	_ =	shalt  }
.Lfunc_end2:
_tile_overlayer_lowered:
.L_overlay_start_2:
0x3f8: {  	(tag) =	ssettag $0x2  }
0x3f9: {  	s0 =	rddreg [dreg:$0x0];
	s2 =	stileid.u32  }
0x3fa: {  	s1 =	rddreg [dreg:$0x1];
	p0 =	sne.s32 s2, $0x0  }
0x3fb: {  	s3 =	rddreg [dreg:$0x2];
	[bflag:$0x3] =	sbarrier.arrive $0xFFFF;
	s2 =	simm.s32 @!p0 $0x1C06  }
0x3fc: {  	[timem:s3], [sflag:s2] =	dma.local @!p0 [hbm:s0], s1  }
0x3fd: {  	s0 =	simm.s32 @!p0 $0x6  }
0x3fe: {  	_ =	swait.ge @!p0 [sflag:s0], s1  }
0x3ff: {  	s1 =	ssub.s32 @!p0 $0x0, s1;
	[sflag:s0] =	ssyncset.done @!p0 $0x0  }
0x400: {  	[sflag:s0] =	ssyncadd.s32 @!p0 s1  }
0x401: {  	[bflag:$0x3] =	sbarrier.arrive $0xFFFF  }
0x402: {  	_ =	shalt  }

</sc_bundles>
